<compile_context>
chip_gen: v7x
topology: tpu7x:2x2x1
jax: 0.10.2.dev20260603
libtpu: 0.0.44.dev20260713+nightly
codegen_flags: <defaults>
</compile_context>

<pallas_src>
import functools

import jax
import jax.numpy as jnp
from jax import lax
from jax.experimental import pallas as pl
from jax.experimental.pallas import tpu as pltpu
from jax.experimental.pallas import tpu_sc as plsc

try:
    _INFO = plsc.get_sparse_core_info()
    _NC = _INFO.num_cores
    _NS = _INFO.num_subcores
except Exception:
    _NC, _NS = 2, 16
_NW = _NC * _NS
_LANES = 16

_CR = 96


def _add_chunk(xref, tref, CR):

    def row_body(r, c):
        for g in range(128 // _LANES):
            sl = pl.ds(g * _LANES, _LANES)
            plsc.addupdate(xref.at[r, sl], tref[r, sl])
        return c

    lax.fori_loop(0, CR, row_body, 0, unroll=2)


def _sc_add(x3, t2, B, M):
    rows_per_w = M // _NW
    n_chunks = rows_per_w // _CR
    n_pairs = n_chunks // 2

    @functools.partial(
        pl.kernel,
        mesh=plsc.VectorSubcoreMesh(core_axis_name="c", subcore_axis_name="s"),
        out_type=jax.ShapeDtypeStruct((B, M, 128), jnp.float32),
        scratch_types=(
            [pltpu.VMEM((_CR, 128), jnp.float32)] * 10
            + [pltpu.SemaphoreType.DMA] * 8
        ),
    )
    def run(x_hbm, t_hbm, o_hbm, tbuf0, tbuf1,
            xbuf0, xbuf1, xbuf2, xbuf3, xbuf4, xbuf5, xbuf6, xbuf7,
            tsem0, tsem1, xsem0, xsem1, xsem2, xsem3, osem0, osem1):
        wid = lax.axis_index("s") * _NC + lax.axis_index("c")
        base = wid * rows_per_w
        tb, tsem = (tbuf0, tbuf1), (tsem0, tsem1)
        xb = (xbuf0, xbuf1, xbuf2, xbuf3, xbuf4, xbuf5, xbuf6, xbuf7)
        xsem = (xsem0, xsem1, xsem2, xsem3)
        osem = (osem0, osem1)

        def row0(k):
            return pl.multiple_of(base + k * _CR, 8)

        def t_load(k, kp):
            return pltpu.make_async_copy(
                t_hbm.at[pl.ds(row0(k), _CR), :], tb[kp], tsem[kp])

        def x_load(k, b, kp):
            return pltpu.make_async_copy(
                x_hbm.at[b, pl.ds(row0(k), _CR), :], xb[4 * kp + b], xsem[b])

        def o_store(k, b, kp):
            return pltpu.make_async_copy(
                xb[4 * kp + b], o_hbm.at[b, pl.ds(row0(k), _CR), :],
                osem[b % 2])

        t_load(0, 0).start()
        for b in range(B):
            x_load(0, b, 0).start()

        def pair_body(kk, carry):
            for kp in range(2):
                k = kk * 2 + kp
                kq = 1 - kp
                for b in range(B):
                    if b == 0:
                        if kp == 0:
                            t_load(k + 1, 1).start()
                        else:
                            @pl.when(kk < n_pairs - 1)
                            def _():
                                t_load(k + 1, 0).start()
                        t_load(k, kp).wait()
                    if kp == 0:
                        @pl.when(kk > 0)
                        def _():
                            o_store(k - 1, b, kq).wait()
                        x_load(k + 1, b, kq).start()
                    else:
                        o_store(k - 1, b, kq).wait()

                        @pl.when(kk < n_pairs - 1)
                        def _():
                            x_load(k + 1, b, kq).start()
                    x_load(k, b, kp).wait()
                    _add_chunk(xb[4 * kp + b], tb[kp], _CR)
                    o_store(k, b, kp).start()
            return carry

        lax.fori_loop(0, n_pairs, pair_body, 0)

        for b in range(B):
            o_store(n_chunks - 1, b, 1).wait()

    return run(x3, t2)


def _to_linear_view(a):
    s, d = a.shape[-2], a.shape[-1]
    lead = a.shape[:-2]
    a5 = a.reshape(*lead, s // 8, 8, d // 128, 128)
    perm = tuple(range(len(lead))) + tuple(
        len(lead) + i for i in (0, 2, 1, 3))
    return a5.transpose(perm).reshape(*lead, s * d // 128, 128)


def _from_linear_view(a3, s, d):
    lead = a3.shape[:-2]
    a5 = a3.reshape(*lead, s // 8, d // 128, 8, 128)
    perm = tuple(range(len(lead))) + tuple(
        len(lead) + i for i in (0, 2, 1, 3))
    return a5.transpose(perm).reshape(*lead, s, d)


def kernel(x, emb_table):
    B, S, D = x.shape
    M = S * D // 128
    x3 = _to_linear_view(x)
    t2 = _to_linear_view(emb_table)
    out3 = _sc_add(x3, t2, B, M)
    return _from_linear_view(out3, S, D)

# --- scband reference (transcript-rebuilt; emitter-appended) ---
"""Pipeline reference for scband-entity-embedding-8065948582173 (READ-ONLY COPY).

The authoritative reference and input builder live on the scoring server;
editing this copy changes nothing except your own understanding.
"""

import jax, jax.numpy as jnp
import numpy as np

D_MODEL = 768
MAX_SEQ_LEN = 8192
BATCH = 4
SEQ_LEN = 8192

def setup_inputs(seed: int = 0) -> dict:
    key = jax.random.key(seed)
    k1, k2 = jax.random.split(key)
    x = jax.random.normal(k1, (BATCH, SEQ_LEN, D_MODEL), dtype=jnp.float32)
    # learned positional embedding table, N(0,1) like torch nn.Embedding default
    emb_table = jax.random.normal(k2, (MAX_SEQ_LEN, D_MODEL), dtype=jnp.float32)
    return {"x": x, "emb_table": emb_table}

def reference(x, emb_table):
    # positions = arange(seq_len) repeated for each batch row
    positions = jnp.arange(x.shape[1])  # [S]
    pos_emb = jnp.take(emb_table, positions, axis=0)  # [S, D]
    # broadcast add over batch (equivalent to repeat + embedding lookup)
    out = x + pos_emb[None, :, :]
    # dropout p=0.0 -> identity
    return out

if __name__ == "__main__":
    import jax
    _d = setup_inputs()
    print(jax.jit(kernel)(*tuple(_d.values())))

</pallas_src>

<mosaic_0001>
#map = affine_map<(d0, d1) -> (0, 0, 0)>
#map1 = affine_map<(d0, d1) -> (0, 0)>
module attributes {stable_mosaic.version = 14 : i64} {
  func.func @run(%arg0: i32, %arg1: i32, %arg2: memref<4x49152x128xf32, #tpu.memory_space<hbm>>, %arg3: memref<49152x128xf32, #tpu.memory_space<hbm>>, %arg4: memref<4x49152x128xf32, #tpu.memory_space<hbm>>, %arg5: memref<96x128xf32, #tpu.memory_space<vmem>>, %arg6: memref<96x128xf32, #tpu.memory_space<vmem>>, %arg7: memref<96x128xf32, #tpu.memory_space<vmem>>, %arg8: memref<96x128xf32, #tpu.memory_space<vmem>>, %arg9: memref<96x128xf32, #tpu.memory_space<vmem>>, %arg10: memref<96x128xf32, #tpu.memory_space<vmem>>, %arg11: memref<96x128xf32, #tpu.memory_space<vmem>>, %arg12: memref<96x128xf32, #tpu.memory_space<vmem>>, %arg13: memref<96x128xf32, #tpu.memory_space<vmem>>, %arg14: memref<96x128xf32, #tpu.memory_space<vmem>>, %arg15: memref<!tpu.dma_semaphore, #tpu.memory_space<semaphore_mem>>, %arg16: memref<!tpu.dma_semaphore, #tpu.memory_space<semaphore_mem>>, %arg17: memref<!tpu.dma_semaphore, #tpu.memory_space<semaphore_mem>>, %arg18: memref<!tpu.dma_semaphore, #tpu.memory_space<semaphore_mem>>, %arg19: memref<!tpu.dma_semaphore, #tpu.memory_space<semaphore_mem>>, %arg20: memref<!tpu.dma_semaphore, #tpu.memory_space<semaphore_mem>>, %arg21: memref<!tpu.dma_semaphore, #tpu.memory_space<semaphore_mem>>, %arg22: memref<!tpu.dma_semaphore, #tpu.memory_space<semaphore_mem>>) attributes {dimension_semantics = [#tpu.dimension_semantics<core_parallel>, #tpu.dimension_semantics<subcore_parallel>], iteration_bounds = array<i64: 2, 16>, scalar_prefetch = 0 : i64, scratch_operands = 18 : i64, tpu.core_type = #tpu.core_type<sc_vector_subcore>, window_params = [{transform_indices = #map}, {transform_indices = #map1}, {transform_indices = #map}]} {
    %mul3A = arith.constant 2 : i32
    %mul3A_0 = arith.muli %arg1, %mul3A : i32
    %add3A = arith.addi %mul3A_0, %arg0 : i32
    %mul3A_1 = arith.constant 1536 : i32
    %mul3A_2 = arith.muli %add3A, %mul3A_1 : i32
    %add3A_3 = arith.constant 0 : i32
    %add3A_4 = arith.addi %mul3A_2, %add3A_3 : i32
    %multiple_of3A = tpu.assume_multiple %add3A_4, 8 : i32
    %dma_start3A = arith.constant 0 : i32
    %dma_start3A_5 = tpu.memref_slice %arg3[%multiple_of3A, %dma_start3A] : memref<49152x128xf32, #tpu.memory_space<hbm>> -> memref<96x128xf32, #tpu.memory_space<hbm>>
    %dma_start3A_6 = arith.constant 0 : i32
    %dma_start3A_7 = tpu.memref_slice %arg3[%multiple_of3A, %dma_start3A_6] : memref<49152x128xf32, #tpu.memory_space<hbm>> -> memref<96x128xf32, #tpu.memory_space<hbm>>
    tpu.enqueue_dma source(%dma_start3A_7 : memref<96x128xf32, #tpu.memory_space<hbm>>) target(%arg5 : memref<96x128xf32, #tpu.memory_space<vmem>>) target_semaphore(%arg15 : memref<!tpu.dma_semaphore, #tpu.memory_space<semaphore_mem>>)
    %add3A_8 = arith.constant 0 : i32
    %add3A_9 = arith.addi %mul3A_2, %add3A_8 : i32
    %multiple_of3A_10 = tpu.assume_multiple %add3A_9, 8 : i32
    %dma_start3A_11 = arith.constant 0 : i32
    %dma_start3A_12 = arith.constant 0 : i32
    %dma_start3A_13 = tpu.memref_slice %arg2[%dma_start3A_11, %multiple_of3A_10, %dma_start3A_12] : memref<4x49152x128xf32, #tpu.memory_space<hbm>> -> memref<1x96x128xf32, #tpu.memory_space<hbm>>
    %dma_start3A_14 = tpu.memref_squeeze %dma_start3A_13 : memref<1x96x128xf32, #tpu.memory_space<hbm>> -> memref<96x128xf32, #tpu.memory_space<hbm>>
    %dma_start3A_15 = arith.constant 0 : i32
    %dma_start3A_16 = tpu.memref_slice %arg2[%dma_start3A_11, %multiple_of3A_10, %dma_start3A_15] : memref<4x49152x128xf32, #tpu.memory_space<hbm>> -> memref<1x96x128xf32, #tpu.memory_space<hbm>>
    %dma_start3A_17 = tpu.memref_squeeze %dma_start3A_16 : memref<1x96x128xf32, #tpu.memory_space<hbm>> -> memref<96x128xf32, #tpu.memory_space<hbm>>
    tpu.enqueue_dma source(%dma_start3A_17 : memref<96x128xf32, #tpu.memory_space<hbm>>) target(%arg7 : memref<96x128xf32, #tpu.memory_space<vmem>>) target_semaphore(%arg17 : memref<!tpu.dma_semaphore, #tpu.memory_space<semaphore_mem>>)
    %add3A_18 = arith.constant 0 : i32
    %add3A_19 = arith.addi %mul3A_2, %add3A_18 : i32
    %multiple_of3A_20 = tpu.assume_multiple %add3A_19, 8 : i32
    %dma_start3A_21 = arith.constant 1 : i32
    %dma_start3A_22 = arith.constant 0 : i32
    %dma_start3A_23 = tpu.memref_slice %arg2[%dma_start3A_21, %multiple_of3A_20, %dma_start3A_22] : memref<4x49152x128xf32, #tpu.memory_space<hbm>> -> memref<1x96x128xf32, #tpu.memory_space<hbm>>
    %dma_start3A_24 = tpu.memref_squeeze %dma_start3A_23 : memref<1x96x128xf32, #tpu.memory_space<hbm>> -> memref<96x128xf32, #tpu.memory_space<hbm>>
    %dma_start3A_25 = arith.constant 0 : i32
    %dma_start3A_26 = tpu.memref_slice %arg2[%dma_start3A_21, %multiple_of3A_20, %dma_start3A_25] : memref<4x49152x128xf32, #tpu.memory_space<hbm>> -> memref<1x96x128xf32, #tpu.memory_space<hbm>>
    %dma_start3A_27 = tpu.memref_squeeze %dma_start3A_26 : memref<1x96x128xf32, #tpu.memory_space<hbm>> -> memref<96x128xf32, #tpu.memory_space<hbm>>
    tpu.enqueue_dma source(%dma_start3A_27 : memref<96x128xf32, #tpu.memory_space<hbm>>) target(%arg8 : memref<96x128xf32, #tpu.memory_space<vmem>>) target_semaphore(%arg18 : memref<!tpu.dma_semaphore, #tpu.memory_space<semaphore_mem>>)
    %add3A_28 = arith.constant 0 : i32
    %add3A_29 = arith.addi %mul3A_2, %add3A_28 : i32
    %multiple_of3A_30 = tpu.assume_multiple %add3A_29, 8 : i32
    %dma_start3A_31 = arith.constant 2 : i32
    %dma_start3A_32 = arith.constant 0 : i32
    %dma_start3A_33 = tpu.memref_slice %arg2[%dma_start3A_31, %multiple_of3A_30, %dma_start3A_32] : memref<4x49152x128xf32, #tpu.memory_space<hbm>> -> memref<1x96x128xf32, #tpu.memory_space<hbm>>
    %dma_start3A_34 = tpu.memref_squeeze %dma_start3A_33 : memref<1x96x128xf32, #tpu.memory_space<hbm>> -> memref<96x128xf32, #tpu.memory_space<hbm>>
    %dma_start3A_35 = arith.constant 0 : i32
    %dma_start3A_36 = tpu.memref_slice %arg2[%dma_start3A_31, %multiple_of3A_30, %dma_start3A_35] : memref<4x49152x128xf32, #tpu.memory_space<hbm>> -> memref<1x96x128xf32, #tpu.memory_space<hbm>>
    %dma_start3A_37 = tpu.memref_squeeze %dma_start3A_36 : memref<1x96x128xf32, #tpu.memory_space<hbm>> -> memref<96x128xf32, #tpu.memory_space<hbm>>
    tpu.enqueue_dma source(%dma_start3A_37 : memref<96x128xf32, #tpu.memory_space<hbm>>) target(%arg9 : memref<96x128xf32, #tpu.memory_space<vmem>>) target_semaphore(%arg19 : memref<!tpu.dma_semaphore, #tpu.memory_space<semaphore_mem>>)
    %add3A_38 = arith.constant 0 : i32
    %add3A_39 = arith.addi %mul3A_2, %add3A_38 : i32
    %multiple_of3A_40 = tpu.assume_multiple %add3A_39, 8 : i32
    %dma_start3A_41 = arith.constant 3 : i32
    %dma_start3A_42 = arith.constant 0 : i32
    %dma_start3A_43 = tpu.memref_slice %arg2[%dma_start3A_41, %multiple_of3A_40, %dma_start3A_42] : memref<4x49152x128xf32, #tpu.memory_space<hbm>> -> memref<1x96x128xf32, #tpu.memory_space<hbm>>
    %dma_start3A_44 = tpu.memref_squeeze %dma_start3A_43 : memref<1x96x128xf32, #tpu.memory_space<hbm>> -> memref<96x128xf32, #tpu.memory_space<hbm>>
    %dma_start3A_45 = arith.constant 0 : i32
    %dma_start3A_46 = tpu.memref_slice %arg2[%dma_start3A_41, %multiple_of3A_40, %dma_start3A_45] : memref<4x49152x128xf32, #tpu.memory_space<hbm>> -> memref<1x96x128xf32, #tpu.memory_space<hbm>>
    %dma_start3A_47 = tpu.memref_squeeze %dma_start3A_46 : memref<1x96x128xf32, #tpu.memory_space<hbm>> -> memref<96x128xf32, #tpu.memory_space<hbm>>
    tpu.enqueue_dma source(%dma_start3A_47 : memref<96x128xf32, #tpu.memory_space<hbm>>) target(%arg10 : memref<96x128xf32, #tpu.memory_space<vmem>>) target_semaphore(%arg20 : memref<!tpu.dma_semaphore, #tpu.memory_space<semaphore_mem>>)
    %scan3A = arith.constant 0 : i32
    %scan3A_48 = arith.constant 0 : i32
    %scan3A_49 = arith.constant 8 : i32
    %scan3A_50 = arith.addi %scan3A_48, %scan3A_49 : i32
    %scan3A_51 = arith.constant 1 : i32
    scf.for %scan3A_92 = %scan3A_48 to %scan3A_50 step %scan3A_51  : i32 {
      %mul3A_93 = arith.constant 2 : i32
      %mul3A_94 = arith.muli %scan3A_92, %mul3A_93 : i32
      %add3A_95 = arith.constant 0 : i32
      %add3A_96 = arith.addi %mul3A_94, %add3A_95 : i32
      %add3A_97 = arith.constant 1 : i32
      %add3A_98 = arith.addi %add3A_96, %add3A_97 : i32
      %mul3A_99 = arith.constant 96 : i32
      %mul3A_100 = arith.muli %add3A_98, %mul3A_99 : i32
      %add3A_101 = arith.addi %mul3A_2, %mul3A_100 : i32
      %multiple_of3A_102 = tpu.assume_multiple %add3A_101, 8 : i32
      %dma_start3A_103 = arith.constant 0 : i32
      %dma_start3A_104 = tpu.memref_slice %arg3[%multiple_of3A_102, %dma_start3A_103] : memref<49152x128xf32, #tpu.memory_space<hbm>> -> memref<96x128xf32, #tpu.memory_space<hbm>>
      %dma_start3A_105 = arith.constant 0 : i32
      %dma_start3A_106 = tpu.memref_slice %arg3[%multiple_of3A_102, %dma_start3A_105] : memref<49152x128xf32, #tpu.memory_space<hbm>> -> memref<96x128xf32, #tpu.memory_space<hbm>>
      tpu.enqueue_dma source(%dma_start3A_106 : memref<96x128xf32, #tpu.memory_space<hbm>>) target(%arg6 : memref<96x128xf32, #tpu.memory_space<vmem>>) target_semaphore(%arg16 : memref<!tpu.dma_semaphore, #tpu.memory_space<semaphore_mem>>)
      %mul3A_107 = arith.constant 96 : i32
      %mul3A_108 = arith.muli %add3A_96, %mul3A_107 : i32
      %add3A_109 = arith.addi %mul3A_2, %mul3A_108 : i32
      %multiple_of3A_110 = tpu.assume_multiple %add3A_109, 8 : i32
      %dma_wait3A_111 = arith.constant 0 : i32
      %dma_wait3A_112 = tpu.memref_slice %arg3[%multiple_of3A_110, %dma_wait3A_111] : memref<49152x128xf32, #tpu.memory_space<hbm>> -> memref<96x128xf32, #tpu.memory_space<hbm>>
      %dma_wait3A_113 = arith.constant 0 : i32
      %dma_wait3A_114 = tpu.memref_slice %arg3[%multiple_of3A_110, %dma_wait3A_113] : memref<49152x128xf32, #tpu.memory_space<hbm>> -> memref<96x128xf32, #tpu.memory_space<hbm>>
      tpu.wait_dma2 semaphore(%arg15 : memref<!tpu.dma_semaphore, #tpu.memory_space<semaphore_mem>>) src(%dma_wait3A_114 : memref<96x128xf32, #tpu.memory_space<hbm>>) dst(%arg5 : memref<96x128xf32, #tpu.memory_space<vmem>>)
      %gt3A = arith.constant 0 : i32
      %gt3A_115 = arith.cmpi sgt, %scan3A_92, %gt3A : i32
      %convert_element_type3A = arith.extui %gt3A_115 : i1 to i32
      %cond3A = arith.constant 0 : i32
      %cond3A_116 = arith.cmpi ne, %convert_element_type3A, %cond3A : i32
      scf.if %cond3A_116 {
        %sub3A_495 = arith.constant 1 : i32
        %sub3A_496 = arith.subi %add3A_96, %sub3A_495 : i32
        %mul3A_497 = arith.constant 96 : i32
        %mul3A_498 = arith.muli %sub3A_496, %mul3A_497 : i32
        %add3A_499 = arith.addi %mul3A_2, %mul3A_498 : i32
        %multiple_of3A_500 = tpu.assume_multiple %add3A_499, 8 : i32
        %dma_wait3A_501 = arith.constant 0 : i32
        %dma_wait3A_502 = arith.constant 0 : i32
        %dma_wait3A_503 = tpu.memref_slice %arg4[%dma_wait3A_501, %multiple_of3A_500, %dma_wait3A_502] : memref<4x49152x128xf32, #tpu.memory_space<hbm>> -> memref<1x96x128xf32, #tpu.memory_space<hbm>>
        %dma_wait3A_504 = tpu.memref_squeeze %dma_wait3A_503 : memref<1x96x128xf32, #tpu.memory_space<hbm>> -> memref<96x128xf32, #tpu.memory_space<hbm>>
        %dma_wait3A_505 = arith.constant 0 : i32
        %dma_wait3A_506 = tpu.memref_slice %arg4[%dma_wait3A_501, %multiple_of3A_500, %dma_wait3A_505] : memref<4x49152x128xf32, #tpu.memory_space<hbm>> -> memref<1x96x128xf32, #tpu.memory_space<hbm>>
        %dma_wait3A_507 = tpu.memref_squeeze %dma_wait3A_506 : memref<1x96x128xf32, #tpu.memory_space<hbm>> -> memref<96x128xf32, #tpu.memory_space<hbm>>
        tpu.wait_dma2 semaphore(%arg21 : memref<!tpu.dma_semaphore, #tpu.memory_space<semaphore_mem>>) src(%arg11 : memref<96x128xf32, #tpu.memory_space<vmem>>) dst(%dma_wait3A_507 : memref<96x128xf32, #tpu.memory_space<hbm>>)
      } else {
      }
      %add3A_117 = arith.constant 1 : i32
      %add3A_118 = arith.addi %add3A_96, %add3A_117 : i32
      %mul3A_119 = arith.constant 96 : i32
      %mul3A_120 = arith.muli %add3A_118, %mul3A_119 : i32
      %add3A_121 = arith.addi %mul3A_2, %mul3A_120 : i32
      %multiple_of3A_122 = tpu.assume_multiple %add3A_121, 8 : i32
      %dma_start3A_123 = arith.constant 0 : i32
      %dma_start3A_124 = arith.constant 0 : i32
      %dma_start3A_125 = tpu.memref_slice %arg2[%dma_start3A_123, %multiple_of3A_122, %dma_start3A_124] : memref<4x49152x128xf32, #tpu.memory_space<hbm>> -> memref<1x96x128xf32, #tpu.memory_space<hbm>>
      %dma_start3A_126 = tpu.memref_squeeze %dma_start3A_125 : memref<1x96x128xf32, #tpu.memory_space<hbm>> -> memref<96x128xf32, #tpu.memory_space<hbm>>
      %dma_start3A_127 = arith.constant 0 : i32
      %dma_start3A_128 = tpu.memref_slice %arg2[%dma_start3A_123, %multiple_of3A_122, %dma_start3A_127] : memref<4x49152x128xf32, #tpu.memory_space<hbm>> -> memref<1x96x128xf32, #tpu.memory_space<hbm>>
      %dma_start3A_129 = tpu.memref_squeeze %dma_start3A_128 : memref<1x96x128xf32, #tpu.memory_space<hbm>> -> memref<96x128xf32, #tpu.memory_space<hbm>>
      tpu.enqueue_dma source(%dma_start3A_129 : memref<96x128xf32, #tpu.memory_space<hbm>>) target(%arg11 : memref<96x128xf32, #tpu.memory_space<vmem>>) target_semaphore(%arg17 : memref<!tpu.dma_semaphore, #tpu.memory_space<semaphore_mem>>)
      %mul3A_130 = arith.constant 96 : i32
      %mul3A_131 = arith.muli %add3A_96, %mul3A_130 : i32
      %add3A_132 = arith.addi %mul3A_2, %mul3A_131 : i32
      %multiple_of3A_133 = tpu.assume_multiple %add3A_132, 8 : i32
      %dma_wait3A_134 = arith.constant 0 : i32
      %dma_wait3A_135 = arith.constant 0 : i32
      %dma_wait3A_136 = tpu.memref_slice %arg2[%dma_wait3A_134, %multiple_of3A_133, %dma_wait3A_135] : memref<4x49152x128xf32, #tpu.memory_space<hbm>> -> memref<1x96x128xf32, #tpu.memory_space<hbm>>
      %dma_wait3A_137 = tpu.memref_squeeze %dma_wait3A_136 : memref<1x96x128xf32, #tpu.memory_space<hbm>> -> memref<96x128xf32, #tpu.memory_space<hbm>>
      %dma_wait3A_138 = arith.constant 0 : i32
      %dma_wait3A_139 = tpu.memref_slice %arg2[%dma_wait3A_134, %multiple_of3A_133, %dma_wait3A_138] : memref<4x49152x128xf32, #tpu.memory_space<hbm>> -> memref<1x96x128xf32, #tpu.memory_space<hbm>>
      %dma_wait3A_140 = tpu.memref_squeeze %dma_wait3A_139 : memref<1x96x128xf32, #tpu.memory_space<hbm>> -> memref<96x128xf32, #tpu.memory_space<hbm>>
      tpu.wait_dma2 semaphore(%arg17 : memref<!tpu.dma_semaphore, #tpu.memory_space<semaphore_mem>>) src(%dma_wait3A_140 : memref<96x128xf32, #tpu.memory_space<hbm>>) dst(%arg7 : memref<96x128xf32, #tpu.memory_space<vmem>>)
      %scan3A_141 = arith.constant 0 : i32
      %scan3A_142 = arith.constant 0 : i32
      %scan3A_143 = arith.constant 96 : i32
      %scan3A_144 = arith.addi %scan3A_142, %scan3A_143 : i32
      %scan3A_145 = arith.constant 2 : i32
      scf.for %scan3A_495 = %scan3A_142 to %scan3A_144 step %scan3A_145  : i32 {
        %get3A = arith.index_cast %scan3A_495 : i32 to index
        %get3A_496 = arith.constant 0 : index
        %get3A_497 = tpu.vector_load %arg5[%get3A, %get3A_496] {strides = array<i32>} : memref<96x128xf32, #tpu.memory_space<vmem>>, vector<1x16xf32>,
        %get3A_498 = vector.shape_cast %get3A_497 : vector<1x16xf32> to vector<16xf32>
        %swap3A = arith.index_cast %scan3A_495 : i32 to index
        %swap3A_499 = arith.constant 0 : index
        %swap3A_500 = tpu.vector_load %arg7[%swap3A, %swap3A_499] {strides = array<i32>} : memref<96x128xf32, #tpu.memory_space<vmem>>, vector<1x16xf32>,
        %swap3A_501 = vector.shape_cast %swap3A_500 : vector<1x16xf32> to vector<16xf32>
        %swap3A_502 = vector.shape_cast %get3A_498 : vector<16xf32> to vector<1x16xf32>
        tpu.vector_store %arg7[%swap3A, %swap3A_499], %swap3A_502 {add = true, strides = array<i32>} : memref<96x128xf32, #tpu.memory_space<vmem>>, vector<1x16xf32>,
        %get3A_503 = arith.index_cast %scan3A_495 : i32 to index
        %get3A_504 = arith.constant 16 : index
        %get3A_505 = tpu.vector_load %arg5[%get3A_503, %get3A_504] {strides = array<i32>} : memref<96x128xf32, #tpu.memory_space<vmem>>, vector<1x16xf32>,
        %get3A_506 = vector.shape_cast %get3A_505 : vector<1x16xf32> to vector<16xf32>
        %swap3A_507 = arith.index_cast %scan3A_495 : i32 to index
        %swap3A_508 = arith.constant 16 : index
        %swap3A_509 = tpu.vector_load %arg7[%swap3A_507, %swap3A_508] {strides = array<i32>} : memref<96x128xf32, #tpu.memory_space<vmem>>, vector<1x16xf32>,
        %swap3A_510 = vector.shape_cast %swap3A_509 : vector<1x16xf32> to vector<16xf32>
        %swap3A_511 = vector.shape_cast %get3A_506 : vector<16xf32> to vector<1x16xf32>
        tpu.vector_store %arg7[%swap3A_507, %swap3A_508], %swap3A_511 {add = true, strides = array<i32>} : memref<96x128xf32, #tpu.memory_space<vmem>>, vector<1x16xf32>,
        %get3A_512 = arith.index_cast %scan3A_495 : i32 to index
        %get3A_513 = arith.constant 32 : index
        %get3A_514 = tpu.vector_load %arg5[%get3A_512, %get3A_513] {strides = array<i32>} : memref<96x128xf32, #tpu.memory_space<vmem>>, vector<1x16xf32>,
        %get3A_515 = vector.shape_cast %get3A_514 : vector<1x16xf32> to vector<16xf32>
        %swap3A_516 = arith.index_cast %scan3A_495 : i32 to index
        %swap3A_517 = arith.constant 32 : index
        %swap3A_518 = tpu.vector_load %arg7[%swap3A_516, %swap3A_517] {strides = array<i32>} : memref<96x128xf32, #tpu.memory_space<vmem>>, vector<1x16xf32>,
        %swap3A_519 = vector.shape_cast %swap3A_518 : vector<1x16xf32> to vector<16xf32>
        %swap3A_520 = vector.shape_cast %get3A_515 : vector<16xf32> to vector<1x16xf32>
        tpu.vector_store %arg7[%swap3A_516, %swap3A_517], %swap3A_520 {add = true, strides = array<i32>} : memref<96x128xf32, #tpu.memory_space<vmem>>, vector<1x16xf32>,
        %get3A_521 = arith.index_cast %scan3A_495 : i32 to index
        %get3A_522 = arith.constant 48 : index
        %get3A_523 = tpu.vector_load %arg5[%get3A_521, %get3A_522] {strides = array<i32>} : memref<96x128xf32, #tpu.memory_space<vmem>>, vector<1x16xf32>,
        %get3A_524 = vector.shape_cast %get3A_523 : vector<1x16xf32> to vector<16xf32>
        %swap3A_525 = arith.index_cast %scan3A_495 : i32 to index
        %swap3A_526 = arith.constant 48 : index
        %swap3A_527 = tpu.vector_load %arg7[%swap3A_525, %swap3A_526] {strides = array<i32>} : memref<96x128xf32, #tpu.memory_space<vmem>>, vector<1x16xf32>,
        %swap3A_528 = vector.shape_cast %swap3A_527 : vector<1x16xf32> to vector<16xf32>
        %swap3A_529 = vector.shape_cast %get3A_524 : vector<16xf32> to vector<1x16xf32>
        tpu.vector_store %arg7[%swap3A_525, %swap3A_526], %swap3A_529 {add = true, strides = array<i32>} : memref<96x128xf32, #tpu.memory_space<vmem>>, vector<1x16xf32>,
        %get3A_530 = arith.index_cast %scan3A_495 : i32 to index
        %get3A_531 = arith.constant 64 : index
        %get3A_532 = tpu.vector_load %arg5[%get3A_530, %get3A_531] {strides = array<i32>} : memref<96x128xf32, #tpu.memory_space<vmem>>, vector<1x16xf32>,
        %get3A_533 = vector.shape_cast %get3A_532 : vector<1x16xf32> to vector<16xf32>
        %swap3A_534 = arith.index_cast %scan3A_495 : i32 to index
        %swap3A_535 = arith.constant 64 : index
        %swap3A_536 = tpu.vector_load %arg7[%swap3A_534, %swap3A_535] {strides = array<i32>} : memref<96x128xf32, #tpu.memory_space<vmem>>, vector<1x16xf32>,
        %swap3A_537 = vector.shape_cast %swap3A_536 : vector<1x16xf32> to vector<16xf32>
        %swap3A_538 = vector.shape_cast %get3A_533 : vector<16xf32> to vector<1x16xf32>
        tpu.vector_store %arg7[%swap3A_534, %swap3A_535], %swap3A_538 {add = true, strides = array<i32>} : memref<96x128xf32, #tpu.memory_space<vmem>>, vector<1x16xf32>,
        %get3A_539 = arith.index_cast %scan3A_495 : i32 to index
        %get3A_540 = arith.constant 80 : index
        %get3A_541 = tpu.vector_load %arg5[%get3A_539, %get3A_540] {strides = array<i32>} : memref<96x128xf32, #tpu.memory_space<vmem>>, vector<1x16xf32>,
        %get3A_542 = vector.shape_cast %get3A_541 : vector<1x16xf32> to vector<16xf32>
        %swap3A_543 = arith.index_cast %scan3A_495 : i32 to index
        %swap3A_544 = arith.constant 80 : index
        %swap3A_545 = tpu.vector_load %arg7[%swap3A_543, %swap3A_544] {strides = array<i32>} : memref<96x128xf32, #tpu.memory_space<vmem>>, vector<1x16xf32>,
        %swap3A_546 = vector.shape_cast %swap3A_545 : vector<1x16xf32> to vector<16xf32>
        %swap3A_547 = vector.shape_cast %get3A_542 : vector<16xf32> to vector<1x16xf32>
        tpu.vector_store %arg7[%swap3A_543, %swap3A_544], %swap3A_547 {add = true, strides = array<i32>} : memref<96x128xf32, #tpu.memory_space<vmem>>, vector<1x16xf32>,
        %get3A_548 = arith.index_cast %scan3A_495 : i32 to index
        %get3A_549 = arith.constant 96 : index
        %get3A_550 = tpu.vector_load %arg5[%get3A_548, %get3A_549] {strides = array<i32>} : memref<96x128xf32, #tpu.memory_space<vmem>>, vector<1x16xf32>,
        %get3A_551 = vector.shape_cast %get3A_550 : vector<1x16xf32> to vector<16xf32>
        %swap3A_552 = arith.index_cast %scan3A_495 : i32 to index
        %swap3A_553 = arith.constant 96 : index
        %swap3A_554 = tpu.vector_load %arg7[%swap3A_552, %swap3A_553] {strides = array<i32>} : memref<96x128xf32, #tpu.memory_space<vmem>>, vector<1x16xf32>,
        %swap3A_555 = vector.shape_cast %swap3A_554 : vector<1x16xf32> to vector<16xf32>
        %swap3A_556 = vector.shape_cast %get3A_551 : vector<16xf32> to vector<1x16xf32>
        tpu.vector_store %arg7[%swap3A_552, %swap3A_553], %swap3A_556 {add = true, strides = array<i32>} : memref<96x128xf32, #tpu.memory_space<vmem>>, vector<1x16xf32>,
        %get3A_557 = arith.index_cast %scan3A_495 : i32 to index
        %get3A_558 = arith.constant 112 : index
        %get3A_559 = tpu.vector_load %arg5[%get3A_557, %get3A_558] {strides = array<i32>} : memref<96x128xf32, #tpu.memory_space<vmem>>, vector<1x16xf32>,
        %get3A_560 = vector.shape_cast %get3A_559 : vector<1x16xf32> to vector<16xf32>
        %swap3A_561 = arith.index_cast %scan3A_495 : i32 to index
        %swap3A_562 = arith.constant 112 : index
        %swap3A_563 = tpu.vector_load %arg7[%swap3A_561, %swap3A_562] {strides = array<i32>} : memref<96x128xf32, #tpu.memory_space<vmem>>, vector<1x16xf32>,
        %swap3A_564 = vector.shape_cast %swap3A_563 : vector<1x16xf32> to vector<16xf32>
        %swap3A_565 = vector.shape_cast %get3A_560 : vector<16xf32> to vector<1x16xf32>
        tpu.vector_store %arg7[%swap3A_561, %swap3A_562], %swap3A_565 {add = true, strides = array<i32>} : memref<96x128xf32, #tpu.memory_space<vmem>>, vector<1x16xf32>,
        %scan3A_566 = arith.constant 1 : i32
        %scan3A_567 = arith.addi %scan3A_495, %scan3A_566 : i32
        %get3A_568 = arith.index_cast %scan3A_567 : i32 to index
        %get3A_569 = arith.constant 0 : index
        %get3A_570 = tpu.vector_load %arg5[%get3A_568, %get3A_569] {strides = array<i32>} : memref<96x128xf32, #tpu.memory_space<vmem>>, vector<1x16xf32>,
        %get3A_571 = vector.shape_cast %get3A_570 : vector<1x16xf32> to vector<16xf32>
        %swap3A_572 = arith.index_cast %scan3A_567 : i32 to index
        %swap3A_573 = arith.constant 0 : index
        %swap3A_574 = tpu.vector_load %arg7[%swap3A_572, %swap3A_573] {strides = array<i32>} : memref<96x128xf32, #tpu.memory_space<vmem>>, vector<1x16xf32>,
        %swap3A_575 = vector.shape_cast %swap3A_574 : vector<1x16xf32> to vector<16xf32>
        %swap3A_576 = vector.shape_cast %get3A_571 : vector<16xf32> to vector<1x16xf32>
        tpu.vector_store %arg7[%swap3A_572, %swap3A_573], %swap3A_576 {add = true, strides = array<i32>} : memref<96x128xf32, #tpu.memory_space<vmem>>, vector<1x16xf32>,
        %get3A_577 = arith.index_cast %scan3A_567 : i32 to index
        %get3A_578 = arith.constant 16 : index
        %get3A_579 = tpu.vector_load %arg5[%get3A_577, %get3A_578] {strides = array<i32>} : memref<96x128xf32, #tpu.memory_space<vmem>>, vector<1x16xf32>,
        %get3A_580 = vector.shape_cast %get3A_579 : vector<1x16xf32> to vector<16xf32>
        %swap3A_581 = arith.index_cast %scan3A_567 : i32 to index
        %swap3A_582 = arith.constant 16 : index
        %swap3A_583 = tpu.vector_load %arg7[%swap3A_581, %swap3A_582] {strides = array<i32>} : memref<96x128xf32, #tpu.memory_space<vmem>>, vector<1x16xf32>,
        %swap3A_584 = vector.shape_cast %swap3A_583 : vector<1x16xf32> to vector<16xf32>
        %swap3A_585 = vector.shape_cast %get3A_580 : vector<16xf32> to vector<1x16xf32>
        tpu.vector_store %arg7[%swap3A_581, %swap3A_582], %swap3A_585 {add = true, strides = array<i32>} : memref<96x128xf32, #tpu.memory_space<vmem>>, vector<1x16xf32>,
        %get3A_586 = arith.index_cast %scan3A_567 : i32 to index
        %get3A_587 = arith.constant 32 : index
        %get3A_588 = tpu.vector_load %arg5[%get3A_586, %get3A_587] {strides = array<i32>} : memref<96x128xf32, #tpu.memory_space<vmem>>, vector<1x16xf32>,
        %get3A_589 = vector.shape_cast %get3A_588 : vector<1x16xf32> to vector<16xf32>
        %swap3A_590 = arith.index_cast %scan3A_567 : i32 to index
        %swap3A_591 = arith.constant 32 : index
        %swap3A_592 = tpu.vector_load %arg7[%swap3A_590, %swap3A_591] {strides = array<i32>} : memref<96x128xf32, #tpu.memory_space<vmem>>, vector<1x16xf32>,
        %swap3A_593 = vector.shape_cast %swap3A_592 : vector<1x16xf32> to vector<16xf32>
        %swap3A_594 = vector.shape_cast %get3A_589 : vector<16xf32> to vector<1x16xf32>
        tpu.vector_store %arg7[%swap3A_590, %swap3A_591], %swap3A_594 {add = true, strides = array<i32>} : memref<96x128xf32, #tpu.memory_space<vmem>>, vector<1x16xf32>,
        %get3A_595 = arith.index_cast %scan3A_567 : i32 to index
        %get3A_596 = arith.constant 48 : index
        %get3A_597 = tpu.vector_load %arg5[%get3A_595, %get3A_596] {strides = array<i32>} : memref<96x128xf32, #tpu.memory_space<vmem>>, vector<1x16xf32>,
        %get3A_598 = vector.shape_cast %get3A_597 : vector<1x16xf32> to vector<16xf32>
        %swap3A_599 = arith.index_cast %scan3A_567 : i32 to index
        %swap3A_600 = arith.constant 48 : index
        %swap3A_601 = tpu.vector_load %arg7[%swap3A_599, %swap3A_600] {strides = array<i32>} : memref<96x128xf32, #tpu.memory_space<vmem>>, vector<1x16xf32>,
        %swap3A_602 = vector.shape_cast %swap3A_601 : vector<1x16xf32> to vector<16xf32>
        %swap3A_603 = vector.shape_cast %get3A_598 : vector<16xf32> to vector<1x16xf32>
        tpu.vector_store %arg7[%swap3A_599, %swap3A_600], %swap3A_603 {add = true, strides = array<i32>} : memref<96x128xf32, #tpu.memory_space<vmem>>, vector<1x16xf32>,
        %get3A_604 = arith.index_cast %scan3A_567 : i32 to index
        %get3A_605 = arith.constant 64 : index
        %get3A_606 = tpu.vector_load %arg5[%get3A_604, %get3A_605] {strides = array<i32>} : memref<96x128xf32, #tpu.memory_space<vmem>>, vector<1x16xf32>,
        %get3A_607 = vector.shape_cast %get3A_606 : vector<1x16xf32> to vector<16xf32>
        %swap3A_608 = arith.index_cast %scan3A_567 : i32 to index
        %swap3A_609 = arith.constant 64 : index
        %swap3A_610 = tpu.vector_load %arg7[%swap3A_608, %swap3A_609] {strides = array<i32>} : memref<96x128xf32, #tpu.memory_space<vmem>>, vector<1x16xf32>,
        %swap3A_611 = vector.shape_cast %swap3A_610 : vector<1x16xf32> to vector<16xf32>
        %swap3A_612 = vector.shape_cast %get3A_607 : vector<16xf32> to vector<1x16xf32>
        tpu.vector_store %arg7[%swap3A_608, %swap3A_609], %swap3A_612 {add = true, strides = array<i32>} : memref<96x128xf32, #tpu.memory_space<vmem>>, vector<1x16xf32>,
        %get3A_613 = arith.index_cast %scan3A_567 : i32 to index
        %get3A_614 = arith.constant 80 : index
        %get3A_615 = tpu.vector_load %arg5[%get3A_613, %get3A_614] {strides = array<i32>} : memref<96x128xf32, #tpu.memory_space<vmem>>, vector<1x16xf32>,
        %get3A_616 = vector.shape_cast %get3A_615 : vector<1x16xf32> to vector<16xf32>
        %swap3A_617 = arith.index_cast %scan3A_567 : i32 to index
        %swap3A_618 = arith.constant 80 : index
        %swap3A_619 = tpu.vector_load %arg7[%swap3A_617, %swap3A_618] {strides = array<i32>} : memref<96x128xf32, #tpu.memory_space<vmem>>, vector<1x16xf32>,
        %swap3A_620 = vector.shape_cast %swap3A_619 : vector<1x16xf32> to vector<16xf32>
        %swap3A_621 = vector.shape_cast %get3A_616 : vector<16xf32> to vector<1x16xf32>
        tpu.vector_store %arg7[%swap3A_617, %swap3A_618], %swap3A_621 {add = true, strides = array<i32>} : memref<96x128xf32, #tpu.memory_space<vmem>>, vector<1x16xf32>,
        %get3A_622 = arith.index_cast %scan3A_567 : i32 to index
        %get3A_623 = arith.constant 96 : index
        %get3A_624 = tpu.vector_load %arg5[%get3A_622, %get3A_623] {strides = array<i32>} : memref<96x128xf32, #tpu.memory_space<vmem>>, vector<1x16xf32>,
        %get3A_625 = vector.shape_cast %get3A_624 : vector<1x16xf32> to vector<16xf32>
        %swap3A_626 = arith.index_cast %scan3A_567 : i32 to index
        %swap3A_627 = arith.constant 96 : index
        %swap3A_628 = tpu.vector_load %arg7[%swap3A_626, %swap3A_627] {strides = array<i32>} : memref<96x128xf32, #tpu.memory_space<vmem>>, vector<1x16xf32>,
        %swap3A_629 = vector.shape_cast %swap3A_628 : vector<1x16xf32> to vector<16xf32>
        %swap3A_630 = vector.shape_cast %get3A_625 : vector<16xf32> to vector<1x16xf32>
        tpu.vector_store %arg7[%swap3A_626, %swap3A_627], %swap3A_630 {add = true, strides = array<i32>} : memref<96x128xf32, #tpu.memory_space<vmem>>, vector<1x16xf32>,
        %get3A_631 = arith.index_cast %scan3A_567 : i32 to index
        %get3A_632 = arith.constant 112 : index
        %get3A_633 = tpu.vector_load %arg5[%get3A_631, %get3A_632] {strides = array<i32>} : memref<96x128xf32, #tpu.memory_space<vmem>>, vector<1x16xf32>,
        %get3A_634 = vector.shape_cast %get3A_633 : vector<1x16xf32> to vector<16xf32>
        %swap3A_635 = arith.index_cast %scan3A_567 : i32 to index
        %swap3A_636 = arith.constant 112 : index
        %swap3A_637 = tpu.vector_load %arg7[%swap3A_635, %swap3A_636] {strides = array<i32>} : memref<96x128xf32, #tpu.memory_space<vmem>>, vector<1x16xf32>,
        %swap3A_638 = vector.shape_cast %swap3A_637 : vector<1x16xf32> to vector<16xf32>
        %swap3A_639 = vector.shape_cast %get3A_634 : vector<16xf32> to vector<1x16xf32>
        tpu.vector_store %arg7[%swap3A_635, %swap3A_636], %swap3A_639 {add = true, strides = array<i32>} : memref<96x128xf32, #tpu.memory_space<vmem>>, vector<1x16xf32>,
      }
      %scan3A_146 = arith.constant 96 : i32
      %mul3A_147 = arith.constant 96 : i32
      %mul3A_148 = arith.muli %add3A_96, %mul3A_147 : i32
      %add3A_149 = arith.addi %mul3A_2, %mul3A_148 : i32
      %multiple_of3A_150 = tpu.assume_multiple %add3A_149, 8 : i32
      %dma_start3A_151 = arith.constant 0 : i32
      %dma_start3A_152 = arith.constant 0 : i32
      %dma_start3A_153 = tpu.memref_slice %arg4[%dma_start3A_151, %multiple_of3A_150, %dma_start3A_152] : memref<4x49152x128xf32, #tpu.memory_space<hbm>> -> memref<1x96x128xf32, #tpu.memory_space<hbm>>
      %dma_start3A_154 = tpu.memref_squeeze %dma_start3A_153 : memref<1x96x128xf32, #tpu.memory_space<hbm>> -> memref<96x128xf32, #tpu.memory_space<hbm>>
      %dma_start3A_155 = arith.constant 0 : i32
      %dma_start3A_156 = tpu.memref_slice %arg4[%dma_start3A_151, %multiple_of3A_150, %dma_start3A_155] : memref<4x49152x128xf32, #tpu.memory_space<hbm>> -> memref<1x96x128xf32, #tpu.memory_space<hbm>>
      %dma_start3A_157 = tpu.memref_squeeze %dma_start3A_156 : memref<1x96x128xf32, #tpu.memory_space<hbm>> -> memref<96x128xf32, #tpu.memory_space<hbm>>
      tpu.enqueue_dma source(%arg7 : memref<96x128xf32, #tpu.memory_space<vmem>>) target(%dma_start3A_157 : memref<96x128xf32, #tpu.memory_space<hbm>>) target_semaphore(%arg21 : memref<!tpu.dma_semaphore, #tpu.memory_space<semaphore_mem>>)
      %gt3A_158 = arith.constant 0 : i32
      %gt3A_159 = arith.cmpi sgt, %scan3A_92, %gt3A_158 : i32
      %convert_element_type3A_160 = arith.extui %gt3A_159 : i1 to i32
      %cond3A_161 = arith.constant 0 : i32
      %cond3A_162 = arith.cmpi ne, %convert_element_type3A_160, %cond3A_161 : i32
      scf.if %cond3A_162 {
        %sub3A_495 = arith.constant 1 : i32
        %sub3A_496 = arith.subi %add3A_96, %sub3A_495 : i32
        %mul3A_497 = arith.constant 96 : i32
        %mul3A_498 = arith.muli %sub3A_496, %mul3A_497 : i32
        %add3A_499 = arith.addi %mul3A_2, %mul3A_498 : i32
        %multiple_of3A_500 = tpu.assume_multiple %add3A_499, 8 : i32
        %dma_wait3A_501 = arith.constant 1 : i32
        %dma_wait3A_502 = arith.constant 0 : i32
        %dma_wait3A_503 = tpu.memref_slice %arg4[%dma_wait3A_501, %multiple_of3A_500, %dma_wait3A_502] : memref<4x49152x128xf32, #tpu.memory_space<hbm>> -> memref<1x96x128xf32, #tpu.memory_space<hbm>>
        %dma_wait3A_504 = tpu.memref_squeeze %dma_wait3A_503 : memref<1x96x128xf32, #tpu.memory_space<hbm>> -> memref<96x128xf32, #tpu.memory_space<hbm>>
        %dma_wait3A_505 = arith.constant 0 : i32
        %dma_wait3A_506 = tpu.memref_slice %arg4[%dma_wait3A_501, %multiple_of3A_500, %dma_wait3A_505] : memref<4x49152x128xf32, #tpu.memory_space<hbm>> -> memref<1x96x128xf32, #tpu.memory_space<hbm>>
        %dma_wait3A_507 = tpu.memref_squeeze %dma_wait3A_506 : memref<1x96x128xf32, #tpu.memory_space<hbm>> -> memref<96x128xf32, #tpu.memory_space<hbm>>
        tpu.wait_dma2 semaphore(%arg22 : memref<!tpu.dma_semaphore, #tpu.memory_space<semaphore_mem>>) src(%arg12 : memref<96x128xf32, #tpu.memory_space<vmem>>) dst(%dma_wait3A_507 : memref<96x128xf32, #tpu.memory_space<hbm>>)
      } else {
      }
      %add3A_163 = arith.constant 1 : i32
      %add3A_164 = arith.addi %add3A_96, %add3A_163 : i32
      %mul3A_165 = arith.constant 96 : i32
      %mul3A_166 = arith.muli %add3A_164, %mul3A_165 : i32
      %add3A_167 = arith.addi %mul3A_2, %mul3A_166 : i32
      %multiple_of3A_168 = tpu.assume_multiple %add3A_167, 8 : i32
      %dma_start3A_169 = arith.constant 1 : i32
      %dma_start3A_170 = arith.constant 0 : i32
      %dma_start3A_171 = tpu.memref_slice %arg2[%dma_start3A_169, %multiple_of3A_168, %dma_start3A_170] : memref<4x49152x128xf32, #tpu.memory_space<hbm>> -> memref<1x96x128xf32, #tpu.memory_space<hbm>>
      %dma_start3A_172 = tpu.memref_squeeze %dma_start3A_171 : memref<1x96x128xf32, #tpu.memory_space<hbm>> -> memref<96x128xf32, #tpu.memory_space<hbm>>
      %dma_start3A_173 = arith.constant 0 : i32
      %dma_start3A_174 = tpu.memref_slice %arg2[%dma_start3A_169, %multiple_of3A_168, %dma_start3A_173] : memref<4x49152x128xf32, #tpu.memory_space<hbm>> -> memref<1x96x128xf32, #tpu.memory_space<hbm>>
      %dma_start3A_175 = tpu.memref_squeeze %dma_start3A_174 : memref<1x96x128xf32, #tpu.memory_space<hbm>> -> memref<96x128xf32, #tpu.memory_space<hbm>>
      tpu.enqueue_dma source(%dma_start3A_175 : memref<96x128xf32, #tpu.memory_space<hbm>>) target(%arg12 : memref<96x128xf32, #tpu.memory_space<vmem>>) target_semaphore(%arg18 : memref<!tpu.dma_semaphore, #tpu.memory_space<semaphore_mem>>)
      %mul3A_176 = arith.constant 96 : i32
      %mul3A_177 = arith.muli %add3A_96, %mul3A_176 : i32
      %add3A_178 = arith.addi %mul3A_2, %mul3A_177 : i32
      %multiple_of3A_179 = tpu.assume_multiple %add3A_178, 8 : i32
      %dma_wait3A_180 = arith.constant 1 : i32
      %dma_wait3A_181 = arith.constant 0 : i32
      %dma_wait3A_182 = tpu.memref_slice %arg2[%dma_wait3A_180, %multiple_of3A_179, %dma_wait3A_181] : memref<4x49152x128xf32, #tpu.memory_space<hbm>> -> memref<1x96x128xf32, #tpu.memory_space<hbm>>
      %dma_wait3A_183 = tpu.memref_squeeze %dma_wait3A_182 : memref<1x96x128xf32, #tpu.memory_space<hbm>> -> memref<96x128xf32, #tpu.memory_space<hbm>>
      %dma_wait3A_184 = arith.constant 0 : i32
      %dma_wait3A_185 = tpu.memref_slice %arg2[%dma_wait3A_180, %multiple_of3A_179, %dma_wait3A_184] : memref<4x49152x128xf32, #tpu.memory_space<hbm>> -> memref<1x96x128xf32, #tpu.memory_space<hbm>>
      %dma_wait3A_186 = tpu.memref_squeeze %dma_wait3A_185 : memref<1x96x128xf32, #tpu.memory_space<hbm>> -> memref<96x128xf32, #tpu.memory_space<hbm>>
      tpu.wait_dma2 semaphore(%arg18 : memref<!tpu.dma_semaphore, #tpu.memory_space<semaphore_mem>>) src(%dma_wait3A_186 : memref<96x128xf32, #tpu.memory_space<hbm>>) dst(%arg8 : memref<96x128xf32, #tpu.memory_space<vmem>>)
      %scan3A_187 = arith.constant 0 : i32
      %scan3A_188 = arith.constant 0 : i32
      %scan3A_189 = arith.constant 96 : i32
      %scan3A_190 = arith.addi %scan3A_188, %scan3A_189 : i32
      %scan3A_191 = arith.constant 2 : i32
      scf.for %scan3A_495 = %scan3A_188 to %scan3A_190 step %scan3A_191  : i32 {
        %get3A = arith.index_cast %scan3A_495 : i32 to index
        %get3A_496 = arith.constant 0 : index
        %get3A_497 = tpu.vector_load %arg5[%get3A, %get3A_496] {strides = array<i32>} : memref<96x128xf32, #tpu.memory_space<vmem>>, vector<1x16xf32>,
        %get3A_498 = vector.shape_cast %get3A_497 : vector<1x16xf32> to vector<16xf32>
        %swap3A = arith.index_cast %scan3A_495 : i32 to index
        %swap3A_499 = arith.constant 0 : index
        %swap3A_500 = tpu.vector_load %arg8[%swap3A, %swap3A_499] {strides = array<i32>} : memref<96x128xf32, #tpu.memory_space<vmem>>, vector<1x16xf32>,
        %swap3A_501 = vector.shape_cast %swap3A_500 : vector<1x16xf32> to vector<16xf32>
        %swap3A_502 = vector.shape_cast %get3A_498 : vector<16xf32> to vector<1x16xf32>
        tpu.vector_store %arg8[%swap3A, %swap3A_499], %swap3A_502 {add = true, strides = array<i32>} : memref<96x128xf32, #tpu.memory_space<vmem>>, vector<1x16xf32>,
        %get3A_503 = arith.index_cast %scan3A_495 : i32 to index
        %get3A_504 = arith.constant 16 : index
        %get3A_505 = tpu.vector_load %arg5[%get3A_503, %get3A_504] {strides = array<i32>} : memref<96x128xf32, #tpu.memory_space<vmem>>, vector<1x16xf32>,
        %get3A_506 = vector.shape_cast %get3A_505 : vector<1x16xf32> to vector<16xf32>
        %swap3A_507 = arith.index_cast %scan3A_495 : i32 to index
        %swap3A_508 = arith.constant 16 : index
        %swap3A_509 = tpu.vector_load %arg8[%swap3A_507, %swap3A_508] {strides = array<i32>} : memref<96x128xf32, #tpu.memory_space<vmem>>, vector<1x16xf32>,
        %swap3A_510 = vector.shape_cast %swap3A_509 : vector<1x16xf32> to vector<16xf32>
        %swap3A_511 = vector.shape_cast %get3A_506 : vector<16xf32> to vector<1x16xf32>
        tpu.vector_store %arg8[%swap3A_507, %swap3A_508], %swap3A_511 {add = true, strides = array<i32>} : memref<96x128xf32, #tpu.memory_space<vmem>>, vector<1x16xf32>,
        %get3A_512 = arith.index_cast %scan3A_495 : i32 to index
        %get3A_513 = arith.constant 32 : index
        %get3A_514 = tpu.vector_load %arg5[%get3A_512, %get3A_513] {strides = array<i32>} : memref<96x128xf32, #tpu.memory_space<vmem>>, vector<1x16xf32>,
        %get3A_515 = vector.shape_cast %get3A_514 : vector<1x16xf32> to vector<16xf32>
        %swap3A_516 = arith.index_cast %scan3A_495 : i32 to index
        %swap3A_517 = arith.constant 32 : index
        %swap3A_518 = tpu.vector_load %arg8[%swap3A_516, %swap3A_517] {strides = array<i32>} : memref<96x128xf32, #tpu.memory_space<vmem>>, vector<1x16xf32>,
        %swap3A_519 = vector.shape_cast %swap3A_518 : vector<1x16xf32> to vector<16xf32>
        %swap3A_520 = vector.shape_cast %get3A_515 : vector<16xf32> to vector<1x16xf32>
        tpu.vector_store %arg8[%swap3A_516, %swap3A_517], %swap3A_520 {add = true, strides = array<i32>} : memref<96x128xf32, #tpu.memory_space<vmem>>, vector<1x16xf32>,
        %get3A_521 = arith.index_cast %scan3A_495 : i32 to index
        %get3A_522 = arith.constant 48 : index
        %get3A_523 = tpu.vector_load %arg5[%get3A_521, %get3A_522] {strides = array<i32>} : memref<96x128xf32, #tpu.memory_space<vmem>>, vector<1x16xf32>,
        %get3A_524 = vector.shape_cast %get3A_523 : vector<1x16xf32> to vector<16xf32>
        %swap3A_525 = arith.index_cast %scan3A_495 : i32 to index
        %swap3A_526 = arith.constant 48 : index
        %swap3A_527 = tpu.vector_load %arg8[%swap3A_525, %swap3A_526] {strides = array<i32>} : memref<96x128xf32, #tpu.memory_space<vmem>>, vector<1x16xf32>,
        %swap3A_528 = vector.shape_cast %swap3A_527 : vector<1x16xf32> to vector<16xf32>
        %swap3A_529 = vector.shape_cast %get3A_524 : vector<16xf32> to vector<1x16xf32>
        tpu.vector_store %arg8[%swap3A_525, %swap3A_526], %swap3A_529 {add = true, strides = array<i32>} : memref<96x128xf32, #tpu.memory_space<vmem>>, vector<1x16xf32>,
        %get3A_530 = arith.index_cast %scan3A_495 : i32 to index
        %get3A_531 = arith.constant 64 : index
        %get3A_532 = tpu.vector_load %arg5[%get3A_530, %get3A_531] {strides = array<i32>} : memref<96x128xf32, #tpu.memory_space<vmem>>, vector<1x16xf32>,
        %get3A_533 = vector.shape_cast %get3A_532 : vector<1x16xf32> to vector<16xf32>
        %swap3A_534 = arith.index_cast %scan3A_495 : i32 to index
        %swap3A_535 = arith.constant 64 : index
        %swap3A_536 = tpu.vector_load %arg8[%swap3A_534, %swap3A_535] {strides = array<i32>} : memref<96x128xf32, #tpu.memory_space<vmem>>, vector<1x16xf32>,
        %swap3A_537 = vector.shape_cast %swap3A_536 : vector<1x16xf32> to vector<16xf32>
        %swap3A_538 = vector.shape_cast %get3A_533 : vector<16xf32> to vector<1x16xf32>
        tpu.vector_store %arg8[%swap3A_534, %swap3A_535], %swap3A_538 {add = true, strides = array<i32>} : memref<96x128xf32, #tpu.memory_space<vmem>>, vector<1x16xf32>,
        %get3A_539 = arith.index_cast %scan3A_495 : i32 to index
        %get3A_540 = arith.constant 80 : index
        %get3A_541 = tpu.vector_load %arg5[%get3A_539, %get3A_540] {strides = array<i32>} : memref<96x128xf32, #tpu.memory_space<vmem>>, vector<1x16xf32>,
        %get3A_542 = vector.shape_cast %get3A_541 : vector<1x16xf32> to vector<16xf32>
        %swap3A_543 = arith.index_cast %scan3A_495 : i32 to index
        %swap3A_544 = arith.constant 80 : index
        %swap3A_545 = tpu.vector_load %arg8[%swap3A_543, %swap3A_544] {strides = array<i32>} : memref<96x128xf32, #tpu.memory_space<vmem>>, vector<1x16xf32>,
        %swap3A_546 = vector.shape_cast %swap3A_545 : vector<1x16xf32> to vector<16xf32>
        %swap3A_547 = vector.shape_cast %get3A_542 : vector<16xf32> to vector<1x16xf32>
        tpu.vector_store %arg8[%swap3A_543, %swap3A_544], %swap3A_547 {add = true, strides = array<i32>} : memref<96x128xf32, #tpu.memory_space<vmem>>, vector<1x16xf32>,
        %get3A_548 = arith.index_cast %scan3A_495 : i32 to index
        %get3A_549 = arith.constant 96 : index
        %get3A_550 = tpu.vector_load %arg5[%get3A_548, %get3A_549] {strides = array<i32>} : memref<96x128xf32, #tpu.memory_space<vmem>>, vector<1x16xf32>,
        %get3A_551 = vector.shape_cast %get3A_550 : vector<1x16xf32> to vector<16xf32>
        %swap3A_552 = arith.index_cast %scan3A_495 : i32 to index
        %swap3A_553 = arith.constant 96 : index
        %swap3A_554 = tpu.vector_load %arg8[%swap3A_552, %swap3A_553] {strides = array<i32>} : memref<96x128xf32, #tpu.memory_space<vmem>>, vector<1x16xf32>,
        %swap3A_555 = vector.shape_cast %swap3A_554 : vector<1x16xf32> to vector<16xf32>
        %swap3A_556 = vector.shape_cast %get3A_551 : vector<16xf32> to vector<1x16xf32>
        tpu.vector_store %arg8[%swap3A_552, %swap3A_553], %swap3A_556 {add = true, strides = array<i32>} : memref<96x128xf32, #tpu.memory_space<vmem>>, vector<1x16xf32>,
        %get3A_557 = arith.index_cast %scan3A_495 : i32 to index
        %get3A_558 = arith.constant 112 : index
        %get3A_559 = tpu.vector_load %arg5[%get3A_557, %get3A_558] {strides = array<i32>} : memref<96x128xf32, #tpu.memory_space<vmem>>, vector<1x16xf32>,
        %get3A_560 = vector.shape_cast %get3A_559 : vector<1x16xf32> to vector<16xf32>
        %swap3A_561 = arith.index_cast %scan3A_495 : i32 to index
        %swap3A_562 = arith.constant 112 : index
        %swap3A_563 = tpu.vector_load %arg8[%swap3A_561, %swap3A_562] {strides = array<i32>} : memref<96x128xf32, #tpu.memory_space<vmem>>, vector<1x16xf32>,
        %swap3A_564 = vector.shape_cast %swap3A_563 : vector<1x16xf32> to vector<16xf32>
        %swap3A_565 = vector.shape_cast %get3A_560 : vector<16xf32> to vector<1x16xf32>
        tpu.vector_store %arg8[%swap3A_561, %swap3A_562], %swap3A_565 {add = true, strides = array<i32>} : memref<96x128xf32, #tpu.memory_space<vmem>>, vector<1x16xf32>,
        %scan3A_566 = arith.constant 1 : i32
        %scan3A_567 = arith.addi %scan3A_495, %scan3A_566 : i32
        %get3A_568 = arith.index_cast %scan3A_567 : i32 to index
        %get3A_569 = arith.constant 0 : index
        %get3A_570 = tpu.vector_load %arg5[%get3A_568, %get3A_569] {strides = array<i32>} : memref<96x128xf32, #tpu.memory_space<vmem>>, vector<1x16xf32>,
        %get3A_571 = vector.shape_cast %get3A_570 : vector<1x16xf32> to vector<16xf32>
        %swap3A_572 = arith.index_cast %scan3A_567 : i32 to index
        %swap3A_573 = arith.constant 0 : index
        %swap3A_574 = tpu.vector_load %arg8[%swap3A_572, %swap3A_573] {strides = array<i32>} : memref<96x128xf32, #tpu.memory_space<vmem>>, vector<1x16xf32>,
        %swap3A_575 = vector.shape_cast %swap3A_574 : vector<1x16xf32> to vector<16xf32>
        %swap3A_576 = vector.shape_cast %get3A_571 : vector<16xf32> to vector<1x16xf32>
        tpu.vector_store %arg8[%swap3A_572, %swap3A_573], %swap3A_576 {add = true, strides = array<i32>} : memref<96x128xf32, #tpu.memory_space<vmem>>, vector<1x16xf32>,
        %get3A_577 = arith.index_cast %scan3A_567 : i32 to index
        %get3A_578 = arith.constant 16 : index
        %get3A_579 = tpu.vector_load %arg5[%get3A_577, %get3A_578] {strides = array<i32>} : memref<96x128xf32, #tpu.memory_space<vmem>>, vector<1x16xf32>,
        %get3A_580 = vector.shape_cast %get3A_579 : vector<1x16xf32> to vector<16xf32>
        %swap3A_581 = arith.index_cast %scan3A_567 : i32 to index
        %swap3A_582 = arith.constant 16 : index
        %swap3A_583 = tpu.vector_load %arg8[%swap3A_581, %swap3A_582] {strides = array<i32>} : memref<96x128xf32, #tpu.memory_space<vmem>>, vector<1x16xf32>,
        %swap3A_584 = vector.shape_cast %swap3A_583 : vector<1x16xf32> to vector<16xf32>
        %swap3A_585 = vector.shape_cast %get3A_580 : vector<16xf32> to vector<1x16xf32>
        tpu.vector_store %arg8[%swap3A_581, %swap3A_582], %swap3A_585 {add = true, strides = array<i32>} : memref<96x128xf32, #tpu.memory_space<vmem>>, vector<1x16xf32>,
        %get3A_586 = arith.index_cast %scan3A_567 : i32 to index
        %get3A_587 = arith.constant 32 : index
        %get3A_588 = tpu.vector_load %arg5[%get3A_586, %get3A_587] {strides = array<i32>} : memref<96x128xf32, #tpu.memory_space<vmem>>, vector<1x16xf32>,
        %get3A_589 = vector.shape_cast %get3A_588 : vector<1x16xf32> to vector<16xf32>
        %swap3A_590 = arith.index_cast %scan3A_567 : i32 to index
        %swap3A_591 = arith.constant 32 : index
        %swap3A_592 = tpu.vector_load %arg8[%swap3A_590, %swap3A_591] {strides = array<i32>} : memref<96x128xf32, #tpu.memory_space<vmem>>, vector<1x16xf32>,
        %swap3A_593 = vector.shape_cast %swap3A_592 : vector<1x16xf32> to vector<16xf32>
        %swap3A_594 = vector.shape_cast %get3A_589 : vector<16xf32> to vector<1x16xf32>
        tpu.vector_store %arg8[%swap3A_590, %swap3A_591], %swap3A_594 {add = true, strides = array<i32>} : memref<96x128xf32, #tpu.memory_space<vmem>>, vector<1x16xf32>,
        %get3A_595 = arith.index_cast %scan3A_567 : i32 to index
        %get3A_596 = arith.constant 48 : index
        %get3A_597 = tpu.vector_load %arg5[%get3A_595, %get3A_596] {strides = array<i32>} : memref<96x128xf32, #tpu.memory_space<vmem>>, vector<1x16xf32>,
        %get3A_598 = vector.shape_cast %get3A_597 : vector<1x16xf32> to vector<16xf32>
        %swap3A_599 = arith.index_cast %scan3A_567 : i32 to index
        %swap3A_600 = arith.constant 48 : index
        %swap3A_601 = tpu.vector_load %arg8[%swap3A_599, %swap3A_600] {strides = array<i32>} : memref<96x128xf32, #tpu.memory_space<vmem>>, vector<1x16xf32>,
        %swap3A_602 = vector.shape_cast %swap3A_601 : vector<1x16xf32> to vector<16xf32>
        %swap3A_603 = vector.shape_cast %get3A_598 : vector<16xf32> to vector<1x16xf32>
        tpu.vector_store %arg8[%swap3A_599, %swap3A_600], %swap3A_603 {add = true, strides = array<i32>} : memref<96x128xf32, #tpu.memory_space<vmem>>, vector<1x16xf32>,
        %get3A_604 = arith.index_cast %scan3A_567 : i32 to index
        %get3A_605 = arith.constant 64 : index
        %get3A_606 = tpu.vector_load %arg5[%get3A_604, %get3A_605] {strides = array<i32>} : memref<96x128xf32, #tpu.memory_space<vmem>>, vector<1x16xf32>,
        %get3A_607 = vector.shape_cast %get3A_606 : vector<1x16xf32> to vector<16xf32>
        %swap3A_608 = arith.index_cast %scan3A_567 : i32 to index
        %swap3A_609 = arith.constant 64 : index
        %swap3A_610 = tpu.vector_load %arg8[%swap3A_608, %swap3A_609] {strides = array<i32>} : memref<96x128xf32, #tpu.memory_space<vmem>>, vector<1x16xf32>,
        %swap3A_611 = vector.shape_cast %swap3A_610 : vector<1x16xf32> to vector<16xf32>
        %swap3A_612 = vector.shape_cast %get3A_607 : vector<16xf32> to vector<1x16xf32>
        tpu.vector_store %arg8[%swap3A_608, %swap3A_609], %swap3A_612 {add = true, strides = array<i32>} : memref<96x128xf32, #tpu.memory_space<vmem>>, vector<1x16xf32>,
        %get3A_613 = arith.index_cast %scan3A_567 : i32 to index
        %get3A_614 = arith.constant 80 : index
        %get3A_615 = tpu.vector_load %arg5[%get3A_613, %get3A_614] {strides = array<i32>} : memref<96x128xf32, #tpu.memory_space<vmem>>, vector<1x16xf32>,
        %get3A_616 = vector.shape_cast %get3A_615 : vector<1x16xf32> to vector<16xf32>
        %swap3A_617 = arith.index_cast %scan3A_567 : i32 to index
        %swap3A_618 = arith.constant 80 : index
        %swap3A_619 = tpu.vector_load %arg8[%swap3A_617, %swap3A_618] {strides = array<i32>} : memref<96x128xf32, #tpu.memory_space<vmem>>, vector<1x16xf32>,
        %swap3A_620 = vector.shape_cast %swap3A_619 : vector<1x16xf32> to vector<16xf32>
        %swap3A_621 = vector.shape_cast %get3A_616 : vector<16xf32> to vector<1x16xf32>
        tpu.vector_store %arg8[%swap3A_617, %swap3A_618], %swap3A_621 {add = true, strides = array<i32>} : memref<96x128xf32, #tpu.memory_space<vmem>>, vector<1x16xf32>,
        %get3A_622 = arith.index_cast %scan3A_567 : i32 to index
        %get3A_623 = arith.constant 96 : index
        %get3A_624 = tpu.vector_load %arg5[%get3A_622, %get3A_623] {strides = array<i32>} : memref<96x128xf32, #tpu.memory_space<vmem>>, vector<1x16xf32>,
        %get3A_625 = vector.shape_cast %get3A_624 : vector<1x16xf32> to vector<16xf32>
        %swap3A_626 = arith.index_cast %scan3A_567 : i32 to index
        %swap3A_627 = arith.constant 96 : index
        %swap3A_628 = tpu.vector_load %arg8[%swap3A_626, %swap3A_627] {strides = array<i32>} : memref<96x128xf32, #tpu.memory_space<vmem>>, vector<1x16xf32>,
        %swap3A_629 = vector.shape_cast %swap3A_628 : vector<1x16xf32> to vector<16xf32>
        %swap3A_630 = vector.shape_cast %get3A_625 : vector<16xf32> to vector<1x16xf32>
        tpu.vector_store %arg8[%swap3A_626, %swap3A_627], %swap3A_630 {add = true, strides = array<i32>} : memref<96x128xf32, #tpu.memory_space<vmem>>, vector<1x16xf32>,
        %get3A_631 = arith.index_cast %scan3A_567 : i32 to index
        %get3A_632 = arith.constant 112 : index
        %get3A_633 = tpu.vector_load %arg5[%get3A_631, %get3A_632] {strides = array<i32>} : memref<96x128xf32, #tpu.memory_space<vmem>>, vector<1x16xf32>,
        %get3A_634 = vector.shape_cast %get3A_633 : vector<1x16xf32> to vector<16xf32>
        %swap3A_635 = arith.index_cast %scan3A_567 : i32 to index
        %swap3A_636 = arith.constant 112 : index
        %swap3A_637 = tpu.vector_load %arg8[%swap3A_635, %swap3A_636] {strides = array<i32>} : memref<96x128xf32, #tpu.memory_space<vmem>>, vector<1x16xf32>,
        %swap3A_638 = vector.shape_cast %swap3A_637 : vector<1x16xf32> to vector<16xf32>
        %swap3A_639 = vector.shape_cast %get3A_634 : vector<16xf32> to vector<1x16xf32>
        tpu.vector_store %arg8[%swap3A_635, %swap3A_636], %swap3A_639 {add = true, strides = array<i32>} : memref<96x128xf32, #tpu.memory_space<vmem>>, vector<1x16xf32>,
      }
      %scan3A_192 = arith.constant 96 : i32
      %mul3A_193 = arith.constant 96 : i32
      %mul3A_194 = arith.muli %add3A_96, %mul3A_193 : i32
      %add3A_195 = arith.addi %mul3A_2, %mul3A_194 : i32
      %multiple_of3A_196 = tpu.assume_multiple %add3A_195, 8 : i32
      %dma_start3A_197 = arith.constant 1 : i32
      %dma_start3A_198 = arith.constant 0 : i32
      %dma_start3A_199 = tpu.memref_slice %arg4[%dma_start3A_197, %multiple_of3A_196, %dma_start3A_198] : memref<4x49152x128xf32, #tpu.memory_space<hbm>> -> memref<1x96x128xf32, #tpu.memory_space<hbm>>
      %dma_start3A_200 = tpu.memref_squeeze %dma_start3A_199 : memref<1x96x128xf32, #tpu.memory_space<hbm>> -> memref<96x128xf32, #tpu.memory_space<hbm>>
      %dma_start3A_201 = arith.constant 0 : i32
      %dma_start3A_202 = tpu.memref_slice %arg4[%dma_start3A_197, %multiple_of3A_196, %dma_start3A_201] : memref<4x49152x128xf32, #tpu.memory_space<hbm>> -> memref<1x96x128xf32, #tpu.memory_space<hbm>>
      %dma_start3A_203 = tpu.memref_squeeze %dma_start3A_202 : memref<1x96x128xf32, #tpu.memory_space<hbm>> -> memref<96x128xf32, #tpu.memory_space<hbm>>
      tpu.enqueue_dma source(%arg8 : memref<96x128xf32, #tpu.memory_space<vmem>>) target(%dma_start3A_203 : memref<96x128xf32, #tpu.memory_space<hbm>>) target_semaphore(%arg22 : memref<!tpu.dma_semaphore, #tpu.memory_space<semaphore_mem>>)
      %gt3A_204 = arith.constant 0 : i32
      %gt3A_205 = arith.cmpi sgt, %scan3A_92, %gt3A_204 : i32
      %convert_element_type3A_206 = arith.extui %gt3A_205 : i1 to i32
      %cond3A_207 = arith.constant 0 : i32
      %cond3A_208 = arith.cmpi ne, %convert_element_type3A_206, %cond3A_207 : i32
      scf.if %cond3A_208 {
        %sub3A_495 = arith.constant 1 : i32
        %sub3A_496 = arith.subi %add3A_96, %sub3A_495 : i32
        %mul3A_497 = arith.constant 96 : i32
        %mul3A_498 = arith.muli %sub3A_496, %mul3A_497 : i32
        %add3A_499 = arith.addi %mul3A_2, %mul3A_498 : i32
        %multiple_of3A_500 = tpu.assume_multiple %add3A_499, 8 : i32
        %dma_wait3A_501 = arith.constant 2 : i32
        %dma_wait3A_502 = arith.constant 0 : i32
        %dma_wait3A_503 = tpu.memref_slice %arg4[%dma_wait3A_501, %multiple_of3A_500, %dma_wait3A_502] : memref<4x49152x128xf32, #tpu.memory_space<hbm>> -> memref<1x96x128xf32, #tpu.memory_space<hbm>>
        %dma_wait3A_504 = tpu.memref_squeeze %dma_wait3A_503 : memref<1x96x128xf32, #tpu.memory_space<hbm>> -> memref<96x128xf32, #tpu.memory_space<hbm>>
        %dma_wait3A_505 = arith.constant 0 : i32
        %dma_wait3A_506 = tpu.memref_slice %arg4[%dma_wait3A_501, %multiple_of3A_500, %dma_wait3A_505] : memref<4x49152x128xf32, #tpu.memory_space<hbm>> -> memref<1x96x128xf32, #tpu.memory_space<hbm>>
        %dma_wait3A_507 = tpu.memref_squeeze %dma_wait3A_506 : memref<1x96x128xf32, #tpu.memory_space<hbm>> -> memref<96x128xf32, #tpu.memory_space<hbm>>
        tpu.wait_dma2 semaphore(%arg21 : memref<!tpu.dma_semaphore, #tpu.memory_space<semaphore_mem>>) src(%arg13 : memref<96x128xf32, #tpu.memory_space<vmem>>) dst(%dma_wait3A_507 : memref<96x128xf32, #tpu.memory_space<hbm>>)
      } else {
      }
      %add3A_209 = arith.constant 1 : i32
      %add3A_210 = arith.addi %add3A_96, %add3A_209 : i32
      %mul3A_211 = arith.constant 96 : i32
      %mul3A_212 = arith.muli %add3A_210, %mul3A_211 : i32
      %add3A_213 = arith.addi %mul3A_2, %mul3A_212 : i32
      %multiple_of3A_214 = tpu.assume_multiple %add3A_213, 8 : i32
      %dma_start3A_215 = arith.constant 2 : i32
      %dma_start3A_216 = arith.constant 0 : i32
      %dma_start3A_217 = tpu.memref_slice %arg2[%dma_start3A_215, %multiple_of3A_214, %dma_start3A_216] : memref<4x49152x128xf32, #tpu.memory_space<hbm>> -> memref<1x96x128xf32, #tpu.memory_space<hbm>>
      %dma_start3A_218 = tpu.memref_squeeze %dma_start3A_217 : memref<1x96x128xf32, #tpu.memory_space<hbm>> -> memref<96x128xf32, #tpu.memory_space<hbm>>
      %dma_start3A_219 = arith.constant 0 : i32
      %dma_start3A_220 = tpu.memref_slice %arg2[%dma_start3A_215, %multiple_of3A_214, %dma_start3A_219] : memref<4x49152x128xf32, #tpu.memory_space<hbm>> -> memref<1x96x128xf32, #tpu.memory_space<hbm>>
      %dma_start3A_221 = tpu.memref_squeeze %dma_start3A_220 : memref<1x96x128xf32, #tpu.memory_space<hbm>> -> memref<96x128xf32, #tpu.memory_space<hbm>>
      tpu.enqueue_dma source(%dma_start3A_221 : memref<96x128xf32, #tpu.memory_space<hbm>>) target(%arg13 : memref<96x128xf32, #tpu.memory_space<vmem>>) target_semaphore(%arg19 : memref<!tpu.dma_semaphore, #tpu.memory_space<semaphore_mem>>)
      %mul3A_222 = arith.constant 96 : i32
      %mul3A_223 = arith.muli %add3A_96, %mul3A_222 : i32
      %add3A_224 = arith.addi %mul3A_2, %mul3A_223 : i32
      %multiple_of3A_225 = tpu.assume_multiple %add3A_224, 8 : i32
      %dma_wait3A_226 = arith.constant 2 : i32
      %dma_wait3A_227 = arith.constant 0 : i32
      %dma_wait3A_228 = tpu.memref_slice %arg2[%dma_wait3A_226, %multiple_of3A_225, %dma_wait3A_227] : memref<4x49152x128xf32, #tpu.memory_space<hbm>> -> memref<1x96x128xf32, #tpu.memory_space<hbm>>
      %dma_wait3A_229 = tpu.memref_squeeze %dma_wait3A_228 : memref<1x96x128xf32, #tpu.memory_space<hbm>> -> memref<96x128xf32, #tpu.memory_space<hbm>>
      %dma_wait3A_230 = arith.constant 0 : i32
      %dma_wait3A_231 = tpu.memref_slice %arg2[%dma_wait3A_226, %multiple_of3A_225, %dma_wait3A_230] : memref<4x49152x128xf32, #tpu.memory_space<hbm>> -> memref<1x96x128xf32, #tpu.memory_space<hbm>>
      %dma_wait3A_232 = tpu.memref_squeeze %dma_wait3A_231 : memref<1x96x128xf32, #tpu.memory_space<hbm>> -> memref<96x128xf32, #tpu.memory_space<hbm>>
      tpu.wait_dma2 semaphore(%arg19 : memref<!tpu.dma_semaphore, #tpu.memory_space<semaphore_mem>>) src(%dma_wait3A_232 : memref<96x128xf32, #tpu.memory_space<hbm>>) dst(%arg9 : memref<96x128xf32, #tpu.memory_space<vmem>>)
      %scan3A_233 = arith.constant 0 : i32
      %scan3A_234 = arith.constant 0 : i32
      %scan3A_235 = arith.constant 96 : i32
      %scan3A_236 = arith.addi %scan3A_234, %scan3A_235 : i32
      %scan3A_237 = arith.constant 2 : i32
      scf.for %scan3A_495 = %scan3A_234 to %scan3A_236 step %scan3A_237  : i32 {
        %get3A = arith.index_cast %scan3A_495 : i32 to index
        %get3A_496 = arith.constant 0 : index
        %get3A_497 = tpu.vector_load %arg5[%get3A, %get3A_496] {strides = array<i32>} : memref<96x128xf32, #tpu.memory_space<vmem>>, vector<1x16xf32>,
        %get3A_498 = vector.shape_cast %get3A_497 : vector<1x16xf32> to vector<16xf32>
        %swap3A = arith.index_cast %scan3A_495 : i32 to index
        %swap3A_499 = arith.constant 0 : index
        %swap3A_500 = tpu.vector_load %arg9[%swap3A, %swap3A_499] {strides = array<i32>} : memref<96x128xf32, #tpu.memory_space<vmem>>, vector<1x16xf32>,
        %swap3A_501 = vector.shape_cast %swap3A_500 : vector<1x16xf32> to vector<16xf32>
        %swap3A_502 = vector.shape_cast %get3A_498 : vector<16xf32> to vector<1x16xf32>
        tpu.vector_store %arg9[%swap3A, %swap3A_499], %swap3A_502 {add = true, strides = array<i32>} : memref<96x128xf32, #tpu.memory_space<vmem>>, vector<1x16xf32>,
        %get3A_503 = arith.index_cast %scan3A_495 : i32 to index
        %get3A_504 = arith.constant 16 : index
        %get3A_505 = tpu.vector_load %arg5[%get3A_503, %get3A_504] {strides = array<i32>} : memref<96x128xf32, #tpu.memory_space<vmem>>, vector<1x16xf32>,
        %get3A_506 = vector.shape_cast %get3A_505 : vector<1x16xf32> to vector<16xf32>
        %swap3A_507 = arith.index_cast %scan3A_495 : i32 to index
        %swap3A_508 = arith.constant 16 : index
        %swap3A_509 = tpu.vector_load %arg9[%swap3A_507, %swap3A_508] {strides = array<i32>} : memref<96x128xf32, #tpu.memory_space<vmem>>, vector<1x16xf32>,
        %swap3A_510 = vector.shape_cast %swap3A_509 : vector<1x16xf32> to vector<16xf32>
        %swap3A_511 = vector.shape_cast %get3A_506 : vector<16xf32> to vector<1x16xf32>
        tpu.vector_store %arg9[%swap3A_507, %swap3A_508], %swap3A_511 {add = true, strides = array<i32>} : memref<96x128xf32, #tpu.memory_space<vmem>>, vector<1x16xf32>,
        %get3A_512 = arith.index_cast %scan3A_495 : i32 to index
        %get3A_513 = arith.constant 32 : index
        %get3A_514 = tpu.vector_load %arg5[%get3A_512, %get3A_513] {strides = array<i32>} : memref<96x128xf32, #tpu.memory_space<vmem>>, vector<1x16xf32>,
        %get3A_515 = vector.shape_cast %get3A_514 : vector<1x16xf32> to vector<16xf32>
        %swap3A_516 = arith.index_cast %scan3A_495 : i32 to index
        %swap3A_517 = arith.constant 32 : index
        %swap3A_518 = tpu.vector_load %arg9[%swap3A_516, %swap3A_517] {strides = array<i32>} : memref<96x128xf32, #tpu.memory_space<vmem>>, vector<1x16xf32>,
        %swap3A_519 = vector.shape_cast %swap3A_518 : vector<1x16xf32> to vector<16xf32>
        %swap3A_520 = vector.shape_cast %get3A_515 : vector<16xf32> to vector<1x16xf32>
        tpu.vector_store %arg9[%swap3A_516, %swap3A_517], %swap3A_520 {add = true, strides = array<i32>} : memref<96x128xf32, #tpu.memory_space<vmem>>, vector<1x16xf32>,
        %get3A_521 = arith.index_cast %scan3A_495 : i32 to index
        %get3A_522 = arith.constant 48 : index
        %get3A_523 = tpu.vector_load %arg5[%get3A_521, %get3A_522] {strides = array<i32>} : memref<96x128xf32, #tpu.memory_space<vmem>>, vector<1x16xf32>,
        %get3A_524 = vector.shape_cast %get3A_523 : vector<1x16xf32> to vector<16xf32>
        %swap3A_525 = arith.index_cast %scan3A_495 : i32 to index
        %swap3A_526 = arith.constant 48 : index
        %swap3A_527 = tpu.vector_load %arg9[%swap3A_525, %swap3A_526] {strides = array<i32>} : memref<96x128xf32, #tpu.memory_space<vmem>>, vector<1x16xf32>,
        %swap3A_528 = vector.shape_cast %swap3A_527 : vector<1x16xf32> to vector<16xf32>
        %swap3A_529 = vector.shape_cast %get3A_524 : vector<16xf32> to vector<1x16xf32>
        tpu.vector_store %arg9[%swap3A_525, %swap3A_526], %swap3A_529 {add = true, strides = array<i32>} : memref<96x128xf32, #tpu.memory_space<vmem>>, vector<1x16xf32>,
        %get3A_530 = arith.index_cast %scan3A_495 : i32 to index
        %get3A_531 = arith.constant 64 : index
        %get3A_532 = tpu.vector_load %arg5[%get3A_530, %get3A_531] {strides = array<i32>} : memref<96x128xf32, #tpu.memory_space<vmem>>, vector<1x16xf32>,
        %get3A_533 = vector.shape_cast %get3A_532 : vector<1x16xf32> to vector<16xf32>
        %swap3A_534 = arith.index_cast %scan3A_495 : i32 to index
        %swap3A_535 = arith.constant 64 : index
        %swap3A_536 = tpu.vector_load %arg9[%swap3A_534, %swap3A_535] {strides = array<i32>} : memref<96x128xf32, #tpu.memory_space<vmem>>, vector<1x16xf32>,
        %swap3A_537 = vector.shape_cast %swap3A_536 : vector<1x16xf32> to vector<16xf32>
        %swap3A_538 = vector.shape_cast %get3A_533 : vector<16xf32> to vector<1x16xf32>
        tpu.vector_store %arg9[%swap3A_534, %swap3A_535], %swap3A_538 {add = true, strides = array<i32>} : memref<96x128xf32, #tpu.memory_space<vmem>>, vector<1x16xf32>,
        %get3A_539 = arith.index_cast %scan3A_495 : i32 to index
        %get3A_540 = arith.constant 80 : index
        %get3A_541 = tpu.vector_load %arg5[%get3A_539, %get3A_540] {strides = array<i32>} : memref<96x128xf32, #tpu.memory_space<vmem>>, vector<1x16xf32>,
        %get3A_542 = vector.shape_cast %get3A_541 : vector<1x16xf32> to vector<16xf32>
        %swap3A_543 = arith.index_cast %scan3A_495 : i32 to index
        %swap3A_544 = arith.constant 80 : index
        %swap3A_545 = tpu.vector_load %arg9[%swap3A_543, %swap3A_544] {strides = array<i32>} : memref<96x128xf32, #tpu.memory_space<vmem>>, vector<1x16xf32>,
        %swap3A_546 = vector.shape_cast %swap3A_545 : vector<1x16xf32> to vector<16xf32>
        %swap3A_547 = vector.shape_cast %get3A_542 : vector<16xf32> to vector<1x16xf32>
        tpu.vector_store %arg9[%swap3A_543, %swap3A_544], %swap3A_547 {add = true, strides = array<i32>} : memref<96x128xf32, #tpu.memory_space<vmem>>, vector<1x16xf32>,
        %get3A_548 = arith.index_cast %scan3A_495 : i32 to index
        %get3A_549 = arith.constant 96 : index
        %get3A_550 = tpu.vector_load %arg5[%get3A_548, %get3A_549] {strides = array<i32>} : memref<96x128xf32, #tpu.memory_space<vmem>>, vector<1x16xf32>,
        %get3A_551 = vector.shape_cast %get3A_550 : vector<1x16xf32> to vector<16xf32>
        %swap3A_552 = arith.index_cast %scan3A_495 : i32 to index
        %swap3A_553 = arith.constant 96 : index
        %swap3A_554 = tpu.vector_load %arg9[%swap3A_552, %swap3A_553] {strides = array<i32>} : memref<96x128xf32, #tpu.memory_space<vmem>>, vector<1x16xf32>,
        %swap3A_555 = vector.shape_cast %swap3A_554 : vector<1x16xf32> to vector<16xf32>
        %swap3A_556 = vector.shape_cast %get3A_551 : vector<16xf32> to vector<1x16xf32>
        tpu.vector_store %arg9[%swap3A_552, %swap3A_553], %swap3A_556 {add = true, strides = array<i32>} : memref<96x128xf32, #tpu.memory_space<vmem>>, vector<1x16xf32>,
        %get3A_557 = arith.index_cast %scan3A_495 : i32 to index
        %get3A_558 = arith.constant 112 : index
        %get3A_559 = tpu.vector_load %arg5[%get3A_557, %get3A_558] {strides = array<i32>} : memref<96x128xf32, #tpu.memory_space<vmem>>, vector<1x16xf32>,
        %get3A_560 = vector.shape_cast %get3A_559 : vector<1x16xf32> to vector<16xf32>
        %swap3A_561 = arith.index_cast %scan3A_495 : i32 to index
        %swap3A_562 = arith.constant 112 : index
        %swap3A_563 = tpu.vector_load %arg9[%swap3A_561, %swap3A_562] {strides = array<i32>} : memref<96x128xf32, #tpu.memory_space<vmem>>, vector<1x16xf32>,
        %swap3A_564 = vector.shape_cast %swap3A_563 : vector<1x16xf32> to vector<16xf32>
        %swap3A_565 = vector.shape_cast %get3A_560 : vector<16xf32> to vector<1x16xf32>
        tpu.vector_store %arg9[%swap3A_561, %swap3A_562], %swap3A_565 {add = true, strides = array<i32>} : memref<96x128xf32, #tpu.memory_space<vmem>>, vector<1x16xf32>,
        %scan3A_566 = arith.constant 1 : i32
        %scan3A_567 = arith.addi %scan3A_495, %scan3A_566 : i32
        %get3A_568 = arith.index_cast %scan3A_567 : i32 to index
        %get3A_569 = arith.constant 0 : index
        %get3A_570 = tpu.vector_load %arg5[%get3A_568, %get3A_569] {strides = array<i32>} : memref<96x128xf32, #tpu.memory_space<vmem>>, vector<1x16xf32>,
        %get3A_571 = vector.shape_cast %get3A_570 : vector<1x16xf32> to vector<16xf32>
        %swap3A_572 = arith.index_cast %scan3A_567 : i32 to index
        %swap3A_573 = arith.constant 0 : index
        %swap3A_574 = tpu.vector_load %arg9[%swap3A_572, %swap3A_573] {strides = array<i32>} : memref<96x128xf32, #tpu.memory_space<vmem>>, vector<1x16xf32>,
        %swap3A_575 = vector.shape_cast %swap3A_574 : vector<1x16xf32> to vector<16xf32>
        %swap3A_576 = vector.shape_cast %get3A_571 : vector<16xf32> to vector<1x16xf32>
        tpu.vector_store %arg9[%swap3A_572, %swap3A_573], %swap3A_576 {add = true, strides = array<i32>} : memref<96x128xf32, #tpu.memory_space<vmem>>, vector<1x16xf32>,
        %get3A_577 = arith.index_cast %scan3A_567 : i32 to index
        %get3A_578 = arith.constant 16 : index
        %get3A_579 = tpu.vector_load %arg5[%get3A_577, %get3A_578] {strides = array<i32>} : memref<96x128xf32, #tpu.memory_space<vmem>>, vector<1x16xf32>,
        %get3A_580 = vector.shape_cast %get3A_579 : vector<1x16xf32> to vector<16xf32>
        %swap3A_581 = arith.index_cast %scan3A_567 : i32 to index
        %swap3A_582 = arith.constant 16 : index
        %swap3A_583 = tpu.vector_load %arg9[%swap3A_581, %swap3A_582] {strides = array<i32>} : memref<96x128xf32, #tpu.memory_space<vmem>>, vector<1x16xf32>,
        %swap3A_584 = vector.shape_cast %swap3A_583 : vector<1x16xf32> to vector<16xf32>
        %swap3A_585 = vector.shape_cast %get3A_580 : vector<16xf32> to vector<1x16xf32>
        tpu.vector_store %arg9[%swap3A_581, %swap3A_582], %swap3A_585 {add = true, strides = array<i32>} : memref<96x128xf32, #tpu.memory_space<vmem>>, vector<1x16xf32>,
        %get3A_586 = arith.index_cast %scan3A_567 : i32 to index
        %get3A_587 = arith.constant 32 : index
        %get3A_588 = tpu.vector_load %arg5[%get3A_586, %get3A_587] {strides = array<i32>} : memref<96x128xf32, #tpu.memory_space<vmem>>, vector<1x16xf32>,
        %get3A_589 = vector.shape_cast %get3A_588 : vector<1x16xf32> to vector<16xf32>
        %swap3A_590 = arith.index_cast %scan3A_567 : i32 to index
        %swap3A_591 = arith.constant 32 : index
        %swap3A_592 = tpu.vector_load %arg9[%swap3A_590, %swap3A_591] {strides = array<i32>} : memref<96x128xf32, #tpu.memory_space<vmem>>, vector<1x16xf32>,
        %swap3A_593 = vector.shape_cast %swap3A_592 : vector<1x16xf32> to vector<16xf32>
        %swap3A_594 = vector.shape_cast %get3A_589 : vector<16xf32> to vector<1x16xf32>
        tpu.vector_store %arg9[%swap3A_590, %swap3A_591], %swap3A_594 {add = true, strides = array<i32>} : memref<96x128xf32, #tpu.memory_space<vmem>>, vector<1x16xf32>,
        %get3A_595 = arith.index_cast %scan3A_567 : i32 to index
        %get3A_596 = arith.constant 48 : index
        %get3A_597 = tpu.vector_load %arg5[%get3A_595, %get3A_596] {strides = array<i32>} : memref<96x128xf32, #tpu.memory_space<vmem>>, vector<1x16xf32>,
        %get3A_598 = vector.shape_cast %get3A_597 : vector<1x16xf32> to vector<16xf32>
        %swap3A_599 = arith.index_cast %scan3A_567 : i32 to index
        %swap3A_600 = arith.constant 48 : index
        %swap3A_601 = tpu.vector_load %arg9[%swap3A_599, %swap3A_600] {strides = array<i32>} : memref<96x128xf32, #tpu.memory_space<vmem>>, vector<1x16xf32>,
        %swap3A_602 = vector.shape_cast %swap3A_601 : vector<1x16xf32> to vector<16xf32>
        %swap3A_603 = vector.shape_cast %get3A_598 : vector<16xf32> to vector<1x16xf32>
        tpu.vector_store %arg9[%swap3A_599, %swap3A_600], %swap3A_603 {add = true, strides = array<i32>} : memref<96x128xf32, #tpu.memory_space<vmem>>, vector<1x16xf32>,
        %get3A_604 = arith.index_cast %scan3A_567 : i32 to index
        %get3A_605 = arith.constant 64 : index
        %get3A_606 = tpu.vector_load %arg5[%get3A_604, %get3A_605] {strides = array<i32>} : memref<96x128xf32, #tpu.memory_space<vmem>>, vector<1x16xf32>,
        %get3A_607 = vector.shape_cast %get3A_606 : vector<1x16xf32> to vector<16xf32>
        %swap3A_608 = arith.index_cast %scan3A_567 : i32 to index
        %swap3A_609 = arith.constant 64 : index
        %swap3A_610 = tpu.vector_load %arg9[%swap3A_608, %swap3A_609] {strides = array<i32>} : memref<96x128xf32, #tpu.memory_space<vmem>>, vector<1x16xf32>,
        %swap3A_611 = vector.shape_cast %swap3A_610 : vector<1x16xf32> to vector<16xf32>
        %swap3A_612 = vector.shape_cast %get3A_607 : vector<16xf32> to vector<1x16xf32>
        tpu.vector_store %arg9[%swap3A_608, %swap3A_609], %swap3A_612 {add = true, strides = array<i32>} : memref<96x128xf32, #tpu.memory_space<vmem>>, vector<1x16xf32>,
        %get3A_613 = arith.index_cast %scan3A_567 : i32 to index
        %get3A_614 = arith.constant 80 : index
        %get3A_615 = tpu.vector_load %arg5[%get3A_613, %get3A_614] {strides = array<i32>} : memref<96x128xf32, #tpu.memory_space<vmem>>, vector<1x16xf32>,
        %get3A_616 = vector.shape_cast %get3A_615 : vector<1x16xf32> to vector<16xf32>
        %swap3A_617 = arith.index_cast %scan3A_567 : i32 to index
        %swap3A_618 = arith.constant 80 : index
        %swap3A_619 = tpu.vector_load %arg9[%swap3A_617, %swap3A_618] {strides = array<i32>} : memref<96x128xf32, #tpu.memory_space<vmem>>, vector<1x16xf32>,
        %swap3A_620 = vector.shape_cast %swap3A_619 : vector<1x16xf32> to vector<16xf32>
        %swap3A_621 = vector.shape_cast %get3A_616 : vector<16xf32> to vector<1x16xf32>
        tpu.vector_store %arg9[%swap3A_617, %swap3A_618], %swap3A_621 {add = true, strides = array<i32>} : memref<96x128xf32, #tpu.memory_space<vmem>>, vector<1x16xf32>,
        %get3A_622 = arith.index_cast %scan3A_567 : i32 to index
        %get3A_623 = arith.constant 96 : index
        %get3A_624 = tpu.vector_load %arg5[%get3A_622, %get3A_623] {strides = array<i32>} : memref<96x128xf32, #tpu.memory_space<vmem>>, vector<1x16xf32>,
        %get3A_625 = vector.shape_cast %get3A_624 : vector<1x16xf32> to vector<16xf32>
        %swap3A_626 = arith.index_cast %scan3A_567 : i32 to index
        %swap3A_627 = arith.constant 96 : index
        %swap3A_628 = tpu.vector_load %arg9[%swap3A_626, %swap3A_627] {strides = array<i32>} : memref<96x128xf32, #tpu.memory_space<vmem>>, vector<1x16xf32>,
        %swap3A_629 = vector.shape_cast %swap3A_628 : vector<1x16xf32> to vector<16xf32>
        %swap3A_630 = vector.shape_cast %get3A_625 : vector<16xf32> to vector<1x16xf32>
        tpu.vector_store %arg9[%swap3A_626, %swap3A_627], %swap3A_630 {add = true, strides = array<i32>} : memref<96x128xf32, #tpu.memory_space<vmem>>, vector<1x16xf32>,
        %get3A_631 = arith.index_cast %scan3A_567 : i32 to index
        %get3A_632 = arith.constant 112 : index
        %get3A_633 = tpu.vector_load %arg5[%get3A_631, %get3A_632] {strides = array<i32>} : memref<96x128xf32, #tpu.memory_space<vmem>>, vector<1x16xf32>,
        %get3A_634 = vector.shape_cast %get3A_633 : vector<1x16xf32> to vector<16xf32>
        %swap3A_635 = arith.index_cast %scan3A_567 : i32 to index
        %swap3A_636 = arith.constant 112 : index
        %swap3A_637 = tpu.vector_load %arg9[%swap3A_635, %swap3A_636] {strides = array<i32>} : memref<96x128xf32, #tpu.memory_space<vmem>>, vector<1x16xf32>,
        %swap3A_638 = vector.shape_cast %swap3A_637 : vector<1x16xf32> to vector<16xf32>
        %swap3A_639 = vector.shape_cast %get3A_634 : vector<16xf32> to vector<1x16xf32>
        tpu.vector_store %arg9[%swap3A_635, %swap3A_636], %swap3A_639 {add = true, strides = array<i32>} : memref<96x128xf32, #tpu.memory_space<vmem>>, vector<1x16xf32>,
      }
      %scan3A_238 = arith.constant 96 : i32
      %mul3A_239 = arith.constant 96 : i32
      %mul3A_240 = arith.muli %add3A_96, %mul3A_239 : i32
      %add3A_241 = arith.addi %mul3A_2, %mul3A_240 : i32
      %multiple_of3A_242 = tpu.assume_multiple %add3A_241, 8 : i32
      %dma_start3A_243 = arith.constant 2 : i32
      %dma_start3A_244 = arith.constant 0 : i32
      %dma_start3A_245 = tpu.memref_slice %arg4[%dma_start3A_243, %multiple_of3A_242, %dma_start3A_244] : memref<4x49152x128xf32, #tpu.memory_space<hbm>> -> memref<1x96x128xf32, #tpu.memory_space<hbm>>
      %dma_start3A_246 = tpu.memref_squeeze %dma_start3A_245 : memref<1x96x128xf32, #tpu.memory_space<hbm>> -> memref<96x128xf32, #tpu.memory_space<hbm>>
      %dma_start3A_247 = arith.constant 0 : i32
      %dma_start3A_248 = tpu.memref_slice %arg4[%dma_start3A_243, %multiple_of3A_242, %dma_start3A_247] : memref<4x49152x128xf32, #tpu.memory_space<hbm>> -> memref<1x96x128xf32, #tpu.memory_space<hbm>>
      %dma_start3A_249 = tpu.memref_squeeze %dma_start3A_248 : memref<1x96x128xf32, #tpu.memory_space<hbm>> -> memref<96x128xf32, #tpu.memory_space<hbm>>
      tpu.enqueue_dma source(%arg9 : memref<96x128xf32, #tpu.memory_space<vmem>>) target(%dma_start3A_249 : memref<96x128xf32, #tpu.memory_space<hbm>>) target_semaphore(%arg21 : memref<!tpu.dma_semaphore, #tpu.memory_space<semaphore_mem>>)
      %gt3A_250 = arith.constant 0 : i32
      %gt3A_251 = arith.cmpi sgt, %scan3A_92, %gt3A_250 : i32
      %convert_element_type3A_252 = arith.extui %gt3A_251 : i1 to i32
      %cond3A_253 = arith.constant 0 : i32
      %cond3A_254 = arith.cmpi ne, %convert_element_type3A_252, %cond3A_253 : i32
      scf.if %cond3A_254 {
        %sub3A_495 = arith.constant 1 : i32
        %sub3A_496 = arith.subi %add3A_96, %sub3A_495 : i32
        %mul3A_497 = arith.constant 96 : i32
        %mul3A_498 = arith.muli %sub3A_496, %mul3A_497 : i32
        %add3A_499 = arith.addi %mul3A_2, %mul3A_498 : i32
        %multiple_of3A_500 = tpu.assume_multiple %add3A_499, 8 : i32
        %dma_wait3A_501 = arith.constant 3 : i32
        %dma_wait3A_502 = arith.constant 0 : i32
        %dma_wait3A_503 = tpu.memref_slice %arg4[%dma_wait3A_501, %multiple_of3A_500, %dma_wait3A_502] : memref<4x49152x128xf32, #tpu.memory_space<hbm>> -> memref<1x96x128xf32, #tpu.memory_space<hbm>>
        %dma_wait3A_504 = tpu.memref_squeeze %dma_wait3A_503 : memref<1x96x128xf32, #tpu.memory_space<hbm>> -> memref<96x128xf32, #tpu.memory_space<hbm>>
        %dma_wait3A_505 = arith.constant 0 : i32
        %dma_wait3A_506 = tpu.memref_slice %arg4[%dma_wait3A_501, %multiple_of3A_500, %dma_wait3A_505] : memref<4x49152x128xf32, #tpu.memory_space<hbm>> -> memref<1x96x128xf32, #tpu.memory_space<hbm>>
        %dma_wait3A_507 = tpu.memref_squeeze %dma_wait3A_506 : memref<1x96x128xf32, #tpu.memory_space<hbm>> -> memref<96x128xf32, #tpu.memory_space<hbm>>
        tpu.wait_dma2 semaphore(%arg22 : memref<!tpu.dma_semaphore, #tpu.memory_space<semaphore_mem>>) src(%arg14 : memref<96x128xf32, #tpu.memory_space<vmem>>) dst(%dma_wait3A_507 : memref<96x128xf32, #tpu.memory_space<hbm>>)
      } else {
      }
      %add3A_255 = arith.constant 1 : i32
      %add3A_256 = arith.addi %add3A_96, %add3A_255 : i32
      %mul3A_257 = arith.constant 96 : i32
      %mul3A_258 = arith.muli %add3A_256, %mul3A_257 : i32
      %add3A_259 = arith.addi %mul3A_2, %mul3A_258 : i32
      %multiple_of3A_260 = tpu.assume_multiple %add3A_259, 8 : i32
      %dma_start3A_261 = arith.constant 3 : i32
      %dma_start3A_262 = arith.constant 0 : i32
      %dma_start3A_263 = tpu.memref_slice %arg2[%dma_start3A_261, %multiple_of3A_260, %dma_start3A_262] : memref<4x49152x128xf32, #tpu.memory_space<hbm>> -> memref<1x96x128xf32, #tpu.memory_space<hbm>>
      %dma_start3A_264 = tpu.memref_squeeze %dma_start3A_263 : memref<1x96x128xf32, #tpu.memory_space<hbm>> -> memref<96x128xf32, #tpu.memory_space<hbm>>
      %dma_start3A_265 = arith.constant 0 : i32
      %dma_start3A_266 = tpu.memref_slice %arg2[%dma_start3A_261, %multiple_of3A_260, %dma_start3A_265] : memref<4x49152x128xf32, #tpu.memory_space<hbm>> -> memref<1x96x128xf32, #tpu.memory_space<hbm>>
      %dma_start3A_267 = tpu.memref_squeeze %dma_start3A_266 : memref<1x96x128xf32, #tpu.memory_space<hbm>> -> memref<96x128xf32, #tpu.memory_space<hbm>>
      tpu.enqueue_dma source(%dma_start3A_267 : memref<96x128xf32, #tpu.memory_space<hbm>>) target(%arg14 : memref<96x128xf32, #tpu.memory_space<vmem>>) target_semaphore(%arg20 : memref<!tpu.dma_semaphore, #tpu.memory_space<semaphore_mem>>)
      %mul3A_268 = arith.constant 96 : i32
      %mul3A_269 = arith.muli %add3A_96, %mul3A_268 : i32
      %add3A_270 = arith.addi %mul3A_2, %mul3A_269 : i32
      %multiple_of3A_271 = tpu.assume_multiple %add3A_270, 8 : i32
      %dma_wait3A_272 = arith.constant 3 : i32
      %dma_wait3A_273 = arith.constant 0 : i32
      %dma_wait3A_274 = tpu.memref_slice %arg2[%dma_wait3A_272, %multiple_of3A_271, %dma_wait3A_273] : memref<4x49152x128xf32, #tpu.memory_space<hbm>> -> memref<1x96x128xf32, #tpu.memory_space<hbm>>
      %dma_wait3A_275 = tpu.memref_squeeze %dma_wait3A_274 : memref<1x96x128xf32, #tpu.memory_space<hbm>> -> memref<96x128xf32, #tpu.memory_space<hbm>>
      %dma_wait3A_276 = arith.constant 0 : i32
      %dma_wait3A_277 = tpu.memref_slice %arg2[%dma_wait3A_272, %multiple_of3A_271, %dma_wait3A_276] : memref<4x49152x128xf32, #tpu.memory_space<hbm>> -> memref<1x96x128xf32, #tpu.memory_space<hbm>>
      %dma_wait3A_278 = tpu.memref_squeeze %dma_wait3A_277 : memref<1x96x128xf32, #tpu.memory_space<hbm>> -> memref<96x128xf32, #tpu.memory_space<hbm>>
      tpu.wait_dma2 semaphore(%arg20 : memref<!tpu.dma_semaphore, #tpu.memory_space<semaphore_mem>>) src(%dma_wait3A_278 : memref<96x128xf32, #tpu.memory_space<hbm>>) dst(%arg10 : memref<96x128xf32, #tpu.memory_space<vmem>>)
      %scan3A_279 = arith.constant 0 : i32
      %scan3A_280 = arith.constant 0 : i32
      %scan3A_281 = arith.constant 96 : i32
      %scan3A_282 = arith.addi %scan3A_280, %scan3A_281 : i32
      %scan3A_283 = arith.constant 2 : i32
      scf.for %scan3A_495 = %scan3A_280 to %scan3A_282 step %scan3A_283  : i32 {
        %get3A = arith.index_cast %scan3A_495 : i32 to index
        %get3A_496 = arith.constant 0 : index
        %get3A_497 = tpu.vector_load %arg5[%get3A, %get3A_496] {strides = array<i32>} : memref<96x128xf32, #tpu.memory_space<vmem>>, vector<1x16xf32>,
        %get3A_498 = vector.shape_cast %get3A_497 : vector<1x16xf32> to vector<16xf32>
        %swap3A = arith.index_cast %scan3A_495 : i32 to index
        %swap3A_499 = arith.constant 0 : index
        %swap3A_500 = tpu.vector_load %arg10[%swap3A, %swap3A_499] {strides = array<i32>} : memref<96x128xf32, #tpu.memory_space<vmem>>, vector<1x16xf32>,
        %swap3A_501 = vector.shape_cast %swap3A_500 : vector<1x16xf32> to vector<16xf32>
        %swap3A_502 = vector.shape_cast %get3A_498 : vector<16xf32> to vector<1x16xf32>
        tpu.vector_store %arg10[%swap3A, %swap3A_499], %swap3A_502 {add = true, strides = array<i32>} : memref<96x128xf32, #tpu.memory_space<vmem>>, vector<1x16xf32>,
        %get3A_503 = arith.index_cast %scan3A_495 : i32 to index
        %get3A_504 = arith.constant 16 : index
        %get3A_505 = tpu.vector_load %arg5[%get3A_503, %get3A_504] {strides = array<i32>} : memref<96x128xf32, #tpu.memory_space<vmem>>, vector<1x16xf32>,
        %get3A_506 = vector.shape_cast %get3A_505 : vector<1x16xf32> to vector<16xf32>
        %swap3A_507 = arith.index_cast %scan3A_495 : i32 to index
        %swap3A_508 = arith.constant 16 : index
        %swap3A_509 = tpu.vector_load %arg10[%swap3A_507, %swap3A_508] {strides = array<i32>} : memref<96x128xf32, #tpu.memory_space<vmem>>, vector<1x16xf32>,
        %swap3A_510 = vector.shape_cast %swap3A_509 : vector<1x16xf32> to vector<16xf32>
        %swap3A_511 = vector.shape_cast %get3A_506 : vector<16xf32> to vector<1x16xf32>
        tpu.vector_store %arg10[%swap3A_507, %swap3A_508], %swap3A_511 {add = true, strides = array<i32>} : memref<96x128xf32, #tpu.memory_space<vmem>>, vector<1x16xf32>,
        %get3A_512 = arith.index_cast %scan3A_495 : i32 to index
        %get3A_513 = arith.constant 32 : index
        %get3A_514 = tpu.vector_load %arg5[%get3A_512, %get3A_513] {strides = array<i32>} : memref<96x128xf32, #tpu.memory_space<vmem>>, vector<1x16xf32>,
        %get3A_515 = vector.shape_cast %get3A_514 : vector<1x16xf32> to vector<16xf32>
        %swap3A_516 = arith.index_cast %scan3A_495 : i32 to index
        %swap3A_517 = arith.constant 32 : index
        %swap3A_518 = tpu.vector_load %arg10[%swap3A_516, %swap3A_517] {strides = array<i32>} : memref<96x128xf32, #tpu.memory_space<vmem>>, vector<1x16xf32>,
        %swap3A_519 = vector.shape_cast %swap3A_518 : vector<1x16xf32> to vector<16xf32>
        %swap3A_520 = vector.shape_cast %get3A_515 : vector<16xf32> to vector<1x16xf32>
        tpu.vector_store %arg10[%swap3A_516, %swap3A_517], %swap3A_520 {add = true, strides = array<i32>} : memref<96x128xf32, #tpu.memory_space<vmem>>, vector<1x16xf32>,
        %get3A_521 = arith.index_cast %scan3A_495 : i32 to index
        %get3A_522 = arith.constant 48 : index
        %get3A_523 = tpu.vector_load %arg5[%get3A_521, %get3A_522] {strides = array<i32>} : memref<96x128xf32, #tpu.memory_space<vmem>>, vector<1x16xf32>,
        %get3A_524 = vector.shape_cast %get3A_523 : vector<1x16xf32> to vector<16xf32>
        %swap3A_525 = arith.index_cast %scan3A_495 : i32 to index
        %swap3A_526 = arith.constant 48 : index
        %swap3A_527 = tpu.vector_load %arg10[%swap3A_525, %swap3A_526] {strides = array<i32>} : memref<96x128xf32, #tpu.memory_space<vmem>>, vector<1x16xf32>,
        %swap3A_528 = vector.shape_cast %swap3A_527 : vector<1x16xf32> to vector<16xf32>
        %swap3A_529 = vector.shape_cast %get3A_524 : vector<16xf32> to vector<1x16xf32>
        tpu.vector_store %arg10[%swap3A_525, %swap3A_526], %swap3A_529 {add = true, strides = array<i32>} : memref<96x128xf32, #tpu.memory_space<vmem>>, vector<1x16xf32>,
        %get3A_530 = arith.index_cast %scan3A_495 : i32 to index
        %get3A_531 = arith.constant 64 : index
        %get3A_532 = tpu.vector_load %arg5[%get3A_530, %get3A_531] {strides = array<i32>} : memref<96x128xf32, #tpu.memory_space<vmem>>, vector<1x16xf32>,
        %get3A_533 = vector.shape_cast %get3A_532 : vector<1x16xf32> to vector<16xf32>
        %swap3A_534 = arith.index_cast %scan3A_495 : i32 to index
        %swap3A_535 = arith.constant 64 : index
        %swap3A_536 = tpu.vector_load %arg10[%swap3A_534, %swap3A_535] {strides = array<i32>} : memref<96x128xf32, #tpu.memory_space<vmem>>, vector<1x16xf32>,
        %swap3A_537 = vector.shape_cast %swap3A_536 : vector<1x16xf32> to vector<16xf32>
        %swap3A_538 = vector.shape_cast %get3A_533 : vector<16xf32> to vector<1x16xf32>
        tpu.vector_store %arg10[%swap3A_534, %swap3A_535], %swap3A_538 {add = true, strides = array<i32>} : memref<96x128xf32, #tpu.memory_space<vmem>>, vector<1x16xf32>,
        %get3A_539 = arith.index_cast %scan3A_495 : i32 to index
        %get3A_540 = arith.constant 80 : index
        %get3A_541 = tpu.vector_load %arg5[%get3A_539, %get3A_540] {strides = array<i32>} : memref<96x128xf32, #tpu.memory_space<vmem>>, vector<1x16xf32>,
        %get3A_542 = vector.shape_cast %get3A_541 : vector<1x16xf32> to vector<16xf32>
        %swap3A_543 = arith.index_cast %scan3A_495 : i32 to index
        %swap3A_544 = arith.constant 80 : index
        %swap3A_545 = tpu.vector_load %arg10[%swap3A_543, %swap3A_544] {strides = array<i32>} : memref<96x128xf32, #tpu.memory_space<vmem>>, vector<1x16xf32>,
        %swap3A_546 = vector.shape_cast %swap3A_545 : vector<1x16xf32> to vector<16xf32>
        %swap3A_547 = vector.shape_cast %get3A_542 : vector<16xf32> to vector<1x16xf32>
        tpu.vector_store %arg10[%swap3A_543, %swap3A_544], %swap3A_547 {add = true, strides = array<i32>} : memref<96x128xf32, #tpu.memory_space<vmem>>, vector<1x16xf32>,
        %get3A_548 = arith.index_cast %scan3A_495 : i32 to index
        %get3A_549 = arith.constant 96 : index
        %get3A_550 = tpu.vector_load %arg5[%get3A_548, %get3A_549] {strides = array<i32>} : memref<96x128xf32, #tpu.memory_space<vmem>>, vector<1x16xf32>,
        %get3A_551 = vector.shape_cast %get3A_550 : vector<1x16xf32> to vector<16xf32>
        %swap3A_552 = arith.index_cast %scan3A_495 : i32 to index
        %swap3A_553 = arith.constant 96 : index
        %swap3A_554 = tpu.vector_load %arg10[%swap3A_552, %swap3A_553] {strides = array<i32>} : memref<96x128xf32, #tpu.memory_space<vmem>>, vector<1x16xf32>,
        %swap3A_555 = vector.shape_cast %swap3A_554 : vector<1x16xf32> to vector<16xf32>
        %swap3A_556 = vector.shape_cast %get3A_551 : vector<16xf32> to vector<1x16xf32>
        tpu.vector_store %arg10[%swap3A_552, %swap3A_553], %swap3A_556 {add = true, strides = array<i32>} : memref<96x128xf32, #tpu.memory_space<vmem>>, vector<1x16xf32>,
        %get3A_557 = arith.index_cast %scan3A_495 : i32 to index
        %get3A_558 = arith.constant 112 : index
        %get3A_559 = tpu.vector_load %arg5[%get3A_557, %get3A_558] {strides = array<i32>} : memref<96x128xf32, #tpu.memory_space<vmem>>, vector<1x16xf32>,
        %get3A_560 = vector.shape_cast %get3A_559 : vector<1x16xf32> to vector<16xf32>
        %swap3A_561 = arith.index_cast %scan3A_495 : i32 to index
        %swap3A_562 = arith.constant 112 : index
        %swap3A_563 = tpu.vector_load %arg10[%swap3A_561, %swap3A_562] {strides = array<i32>} : memref<96x128xf32, #tpu.memory_space<vmem>>, vector<1x16xf32>,
        %swap3A_564 = vector.shape_cast %swap3A_563 : vector<1x16xf32> to vector<16xf32>
        %swap3A_565 = vector.shape_cast %get3A_560 : vector<16xf32> to vector<1x16xf32>
        tpu.vector_store %arg10[%swap3A_561, %swap3A_562], %swap3A_565 {add = true, strides = array<i32>} : memref<96x128xf32, #tpu.memory_space<vmem>>, vector<1x16xf32>,
        %scan3A_566 = arith.constant 1 : i32
        %scan3A_567 = arith.addi %scan3A_495, %scan3A_566 : i32
        %get3A_568 = arith.index_cast %scan3A_567 : i32 to index
        %get3A_569 = arith.constant 0 : index
        %get3A_570 = tpu.vector_load %arg5[%get3A_568, %get3A_569] {strides = array<i32>} : memref<96x128xf32, #tpu.memory_space<vmem>>, vector<1x16xf32>,
        %get3A_571 = vector.shape_cast %get3A_570 : vector<1x16xf32> to vector<16xf32>
        %swap3A_572 = arith.index_cast %scan3A_567 : i32 to index
        %swap3A_573 = arith.constant 0 : index
        %swap3A_574 = tpu.vector_load %arg10[%swap3A_572, %swap3A_573] {strides = array<i32>} : memref<96x128xf32, #tpu.memory_space<vmem>>, vector<1x16xf32>,
        %swap3A_575 = vector.shape_cast %swap3A_574 : vector<1x16xf32> to vector<16xf32>
        %swap3A_576 = vector.shape_cast %get3A_571 : vector<16xf32> to vector<1x16xf32>
        tpu.vector_store %arg10[%swap3A_572, %swap3A_573], %swap3A_576 {add = true, strides = array<i32>} : memref<96x128xf32, #tpu.memory_space<vmem>>, vector<1x16xf32>,
        %get3A_577 = arith.index_cast %scan3A_567 : i32 to index
        %get3A_578 = arith.constant 16 : index
        %get3A_579 = tpu.vector_load %arg5[%get3A_577, %get3A_578] {strides = array<i32>} : memref<96x128xf32, #tpu.memory_space<vmem>>, vector<1x16xf32>,
        %get3A_580 = vector.shape_cast %get3A_579 : vector<1x16xf32> to vector<16xf32>
        %swap3A_581 = arith.index_cast %scan3A_567 : i32 to index
        %swap3A_582 = arith.constant 16 : index
        %swap3A_583 = tpu.vector_load %arg10[%swap3A_581, %swap3A_582] {strides = array<i32>} : memref<96x128xf32, #tpu.memory_space<vmem>>, vector<1x16xf32>,
        %swap3A_584 = vector.shape_cast %swap3A_583 : vector<1x16xf32> to vector<16xf32>
        %swap3A_585 = vector.shape_cast %get3A_580 : vector<16xf32> to vector<1x16xf32>
        tpu.vector_store %arg10[%swap3A_581, %swap3A_582], %swap3A_585 {add = true, strides = array<i32>} : memref<96x128xf32, #tpu.memory_space<vmem>>, vector<1x16xf32>,
        %get3A_586 = arith.index_cast %scan3A_567 : i32 to index
        %get3A_587 = arith.constant 32 : index
        %get3A_588 = tpu.vector_load %arg5[%get3A_586, %get3A_587] {strides = array<i32>} : memref<96x128xf32, #tpu.memory_space<vmem>>, vector<1x16xf32>,
        %get3A_589 = vector.shape_cast %get3A_588 : vector<1x16xf32> to vector<16xf32>
        %swap3A_590 = arith.index_cast %scan3A_567 : i32 to index
        %swap3A_591 = arith.constant 32 : index
        %swap3A_592 = tpu.vector_load %arg10[%swap3A_590, %swap3A_591] {strides = array<i32>} : memref<96x128xf32, #tpu.memory_space<vmem>>, vector<1x16xf32>,
        %swap3A_593 = vector.shape_cast %swap3A_592 : vector<1x16xf32> to vector<16xf32>
        %swap3A_594 = vector.shape_cast %get3A_589 : vector<16xf32> to vector<1x16xf32>
        tpu.vector_store %arg10[%swap3A_590, %swap3A_591], %swap3A_594 {add = true, strides = array<i32>} : memref<96x128xf32, #tpu.memory_space<vmem>>, vector<1x16xf32>,
        %get3A_595 = arith.index_cast %scan3A_567 : i32 to index
        %get3A_596 = arith.constant 48 : index
        %get3A_597 = tpu.vector_load %arg5[%get3A_595, %get3A_596] {strides = array<i32>} : memref<96x128xf32, #tpu.memory_space<vmem>>, vector<1x16xf32>,
        %get3A_598 = vector.shape_cast %get3A_597 : vector<1x16xf32> to vector<16xf32>
        %swap3A_599 = arith.index_cast %scan3A_567 : i32 to index
        %swap3A_600 = arith.constant 48 : index
        %swap3A_601 = tpu.vector_load %arg10[%swap3A_599, %swap3A_600] {strides = array<i32>} : memref<96x128xf32, #tpu.memory_space<vmem>>, vector<1x16xf32>,
        %swap3A_602 = vector.shape_cast %swap3A_601 : vector<1x16xf32> to vector<16xf32>
        %swap3A_603 = vector.shape_cast %get3A_598 : vector<16xf32> to vector<1x16xf32>
        tpu.vector_store %arg10[%swap3A_599, %swap3A_600], %swap3A_603 {add = true, strides = array<i32>} : memref<96x128xf32, #tpu.memory_space<vmem>>, vector<1x16xf32>,
        %get3A_604 = arith.index_cast %scan3A_567 : i32 to index
        %get3A_605 = arith.constant 64 : index
        %get3A_606 = tpu.vector_load %arg5[%get3A_604, %get3A_605] {strides = array<i32>} : memref<96x128xf32, #tpu.memory_space<vmem>>, vector<1x16xf32>,
        %get3A_607 = vector.shape_cast %get3A_606 : vector<1x16xf32> to vector<16xf32>
        %swap3A_608 = arith.index_cast %scan3A_567 : i32 to index
        %swap3A_609 = arith.constant 64 : index
        %swap3A_610 = tpu.vector_load %arg10[%swap3A_608, %swap3A_609] {strides = array<i32>} : memref<96x128xf32, #tpu.memory_space<vmem>>, vector<1x16xf32>,
        %swap3A_611 = vector.shape_cast %swap3A_610 : vector<1x16xf32> to vector<16xf32>
        %swap3A_612 = vector.shape_cast %get3A_607 : vector<16xf32> to vector<1x16xf32>
        tpu.vector_store %arg10[%swap3A_608, %swap3A_609], %swap3A_612 {add = true, strides = array<i32>} : memref<96x128xf32, #tpu.memory_space<vmem>>, vector<1x16xf32>,
        %get3A_613 = arith.index_cast %scan3A_567 : i32 to index
        %get3A_614 = arith.constant 80 : index
        %get3A_615 = tpu.vector_load %arg5[%get3A_613, %get3A_614] {strides = array<i32>} : memref<96x128xf32, #tpu.memory_space<vmem>>, vector<1x16xf32>,
        %get3A_616 = vector.shape_cast %get3A_615 : vector<1x16xf32> to vector<16xf32>
        %swap3A_617 = arith.index_cast %scan3A_567 : i32 to index
        %swap3A_618 = arith.constant 80 : index
        %swap3A_619 = tpu.vector_load %arg10[%swap3A_617, %swap3A_618] {strides = array<i32>} : memref<96x128xf32, #tpu.memory_space<vmem>>, vector<1x16xf32>,
        %swap3A_620 = vector.shape_cast %swap3A_619 : vector<1x16xf32> to vector<16xf32>
        %swap3A_621 = vector.shape_cast %get3A_616 : vector<16xf32> to vector<1x16xf32>
        tpu.vector_store %arg10[%swap3A_617, %swap3A_618], %swap3A_621 {add = true, strides = array<i32>} : memref<96x128xf32, #tpu.memory_space<vmem>>, vector<1x16xf32>,
        %get3A_622 = arith.index_cast %scan3A_567 : i32 to index
        %get3A_623 = arith.constant 96 : index
        %get3A_624 = tpu.vector_load %arg5[%get3A_622, %get3A_623] {strides = array<i32>} : memref<96x128xf32, #tpu.memory_space<vmem>>, vector<1x16xf32>,
        %get3A_625 = vector.shape_cast %get3A_624 : vector<1x16xf32> to vector<16xf32>
        %swap3A_626 = arith.index_cast %scan3A_567 : i32 to index
        %swap3A_627 = arith.constant 96 : index
        %swap3A_628 = tpu.vector_load %arg10[%swap3A_626, %swap3A_627] {strides = array<i32>} : memref<96x128xf32, #tpu.memory_space<vmem>>, vector<1x16xf32>,
        %swap3A_629 = vector.shape_cast %swap3A_628 : vector<1x16xf32> to vector<16xf32>
        %swap3A_630 = vector.shape_cast %get3A_625 : vector<16xf32> to vector<1x16xf32>
        tpu.vector_store %arg10[%swap3A_626, %swap3A_627], %swap3A_630 {add = true, strides = array<i32>} : memref<96x128xf32, #tpu.memory_space<vmem>>, vector<1x16xf32>,
        %get3A_631 = arith.index_cast %scan3A_567 : i32 to index
        %get3A_632 = arith.constant 112 : index
        %get3A_633 = tpu.vector_load %arg5[%get3A_631, %get3A_632] {strides = array<i32>} : memref<96x128xf32, #tpu.memory_space<vmem>>, vector<1x16xf32>,
        %get3A_634 = vector.shape_cast %get3A_633 : vector<1x16xf32> to vector<16xf32>
        %swap3A_635 = arith.index_cast %scan3A_567 : i32 to index
        %swap3A_636 = arith.constant 112 : index
        %swap3A_637 = tpu.vector_load %arg10[%swap3A_635, %swap3A_636] {strides = array<i32>} : memref<96x128xf32, #tpu.memory_space<vmem>>, vector<1x16xf32>,
        %swap3A_638 = vector.shape_cast %swap3A_637 : vector<1x16xf32> to vector<16xf32>
        %swap3A_639 = vector.shape_cast %get3A_634 : vector<16xf32> to vector<1x16xf32>
        tpu.vector_store %arg10[%swap3A_635, %swap3A_636], %swap3A_639 {add = true, strides = array<i32>} : memref<96x128xf32, #tpu.memory_space<vmem>>, vector<1x16xf32>,
      }
      %scan3A_284 = arith.constant 96 : i32
      %mul3A_285 = arith.constant 96 : i32
      %mul3A_286 = arith.muli %add3A_96, %mul3A_285 : i32
      %add3A_287 = arith.addi %mul3A_2, %mul3A_286 : i32
      %multiple_of3A_288 = tpu.assume_multiple %add3A_287, 8 : i32
      %dma_start3A_289 = arith.constant 3 : i32
      %dma_start3A_290 = arith.constant 0 : i32
      %dma_start3A_291 = tpu.memref_slice %arg4[%dma_start3A_289, %multiple_of3A_288, %dma_start3A_290] : memref<4x49152x128xf32, #tpu.memory_space<hbm>> -> memref<1x96x128xf32, #tpu.memory_space<hbm>>
      %dma_start3A_292 = tpu.memref_squeeze %dma_start3A_291 : memref<1x96x128xf32, #tpu.memory_space<hbm>> -> memref<96x128xf32, #tpu.memory_space<hbm>>
      %dma_start3A_293 = arith.constant 0 : i32
      %dma_start3A_294 = tpu.memref_slice %arg4[%dma_start3A_289, %multiple_of3A_288, %dma_start3A_293] : memref<4x49152x128xf32, #tpu.memory_space<hbm>> -> memref<1x96x128xf32, #tpu.memory_space<hbm>>
      %dma_start3A_295 = tpu.memref_squeeze %dma_start3A_294 : memref<1x96x128xf32, #tpu.memory_space<hbm>> -> memref<96x128xf32, #tpu.memory_space<hbm>>
      tpu.enqueue_dma source(%arg10 : memref<96x128xf32, #tpu.memory_space<vmem>>) target(%dma_start3A_295 : memref<96x128xf32, #tpu.memory_space<hbm>>) target_semaphore(%arg22 : memref<!tpu.dma_semaphore, #tpu.memory_space<semaphore_mem>>)
      %mul3A_296 = arith.constant 2 : i32
      %mul3A_297 = arith.muli %scan3A_92, %mul3A_296 : i32
      %add3A_298 = arith.constant 1 : i32
      %add3A_299 = arith.addi %mul3A_297, %add3A_298 : i32
      %lt3A = arith.constant 7 : i32
      %lt3A_300 = arith.cmpi slt, %scan3A_92, %lt3A : i32
      %convert_element_type3A_301 = arith.extui %lt3A_300 : i1 to i32
      %cond3A_302 = arith.constant 0 : i32
      %cond3A_303 = arith.cmpi ne, %convert_element_type3A_301, %cond3A_302 : i32
      scf.if %cond3A_303 {
        %add3A_495 = arith.constant 1 : i32
        %add3A_496 = arith.addi %add3A_299, %add3A_495 : i32
        %mul3A_497 = arith.constant 96 : i32
        %mul3A_498 = arith.muli %add3A_496, %mul3A_497 : i32
        %add3A_499 = arith.addi %mul3A_2, %mul3A_498 : i32
        %multiple_of3A_500 = tpu.assume_multiple %add3A_499, 8 : i32
        %dma_start3A_501 = arith.constant 0 : i32
        %dma_start3A_502 = tpu.memref_slice %arg3[%multiple_of3A_500, %dma_start3A_501] : memref<49152x128xf32, #tpu.memory_space<hbm>> -> memref<96x128xf32, #tpu.memory_space<hbm>>
        %dma_start3A_503 = arith.constant 0 : i32
        %dma_start3A_504 = tpu.memref_slice %arg3[%multiple_of3A_500, %dma_start3A_503] : memref<49152x128xf32, #tpu.memory_space<hbm>> -> memref<96x128xf32, #tpu.memory_space<hbm>>
        tpu.enqueue_dma source(%dma_start3A_504 : memref<96x128xf32, #tpu.memory_space<hbm>>) target(%arg5 : memref<96x128xf32, #tpu.memory_space<vmem>>) target_semaphore(%arg15 : memref<!tpu.dma_semaphore, #tpu.memory_space<semaphore_mem>>)
      } else {
      }
      %mul3A_304 = arith.constant 96 : i32
      %mul3A_305 = arith.muli %add3A_299, %mul3A_304 : i32
      %add3A_306 = arith.addi %mul3A_2, %mul3A_305 : i32
      %multiple_of3A_307 = tpu.assume_multiple %add3A_306, 8 : i32
      %dma_wait3A_308 = arith.constant 0 : i32
      %dma_wait3A_309 = tpu.memref_slice %arg3[%multiple_of3A_307, %dma_wait3A_308] : memref<49152x128xf32, #tpu.memory_space<hbm>> -> memref<96x128xf32, #tpu.memory_space<hbm>>
      %dma_wait3A_310 = arith.constant 0 : i32
      %dma_wait3A_311 = tpu.memref_slice %arg3[%multiple_of3A_307, %dma_wait3A_310] : memref<49152x128xf32, #tpu.memory_space<hbm>> -> memref<96x128xf32, #tpu.memory_space<hbm>>
      tpu.wait_dma2 semaphore(%arg16 : memref<!tpu.dma_semaphore, #tpu.memory_space<semaphore_mem>>) src(%dma_wait3A_311 : memref<96x128xf32, #tpu.memory_space<hbm>>) dst(%arg6 : memref<96x128xf32, #tpu.memory_space<vmem>>)
      %sub3A = arith.constant 1 : i32
      %sub3A_312 = arith.subi %add3A_299, %sub3A : i32
      %mul3A_313 = arith.constant 96 : i32
      %mul3A_314 = arith.muli %sub3A_312, %mul3A_313 : i32
      %add3A_315 = arith.addi %mul3A_2, %mul3A_314 : i32
      %multiple_of3A_316 = tpu.assume_multiple %add3A_315, 8 : i32
      %dma_wait3A_317 = arith.constant 0 : i32
      %dma_wait3A_318 = arith.constant 0 : i32
      %dma_wait3A_319 = tpu.memref_slice %arg4[%dma_wait3A_317, %multiple_of3A_316, %dma_wait3A_318] : memref<4x49152x128xf32, #tpu.memory_space<hbm>> -> memref<1x96x128xf32, #tpu.memory_space<hbm>>
      %dma_wait3A_320 = tpu.memref_squeeze %dma_wait3A_319 : memref<1x96x128xf32, #tpu.memory_space<hbm>> -> memref<96x128xf32, #tpu.memory_space<hbm>>
      %dma_wait3A_321 = arith.constant 0 : i32
      %dma_wait3A_322 = tpu.memref_slice %arg4[%dma_wait3A_317, %multiple_of3A_316, %dma_wait3A_321] : memref<4x49152x128xf32, #tpu.memory_space<hbm>> -> memref<1x96x128xf32, #tpu.memory_space<hbm>>
      %dma_wait3A_323 = tpu.memref_squeeze %dma_wait3A_322 : memref<1x96x128xf32, #tpu.memory_space<hbm>> -> memref<96x128xf32, #tpu.memory_space<hbm>>
      tpu.wait_dma2 semaphore(%arg21 : memref<!tpu.dma_semaphore, #tpu.memory_space<semaphore_mem>>) src(%arg7 : memref<96x128xf32, #tpu.memory_space<vmem>>) dst(%dma_wait3A_323 : memref<96x128xf32, #tpu.memory_space<hbm>>)
      %lt3A_324 = arith.constant 7 : i32
      %lt3A_325 = arith.cmpi slt, %scan3A_92, %lt3A_324 : i32
      %convert_element_type3A_326 = arith.extui %lt3A_325 : i1 to i32
      %cond3A_327 = arith.constant 0 : i32
      %cond3A_328 = arith.cmpi ne, %convert_element_type3A_326, %cond3A_327 : i32
      scf.if %cond3A_328 {
        %add3A_495 = arith.constant 1 : i32
        %add3A_496 = arith.addi %add3A_299, %add3A_495 : i32
        %mul3A_497 = arith.constant 96 : i32
        %mul3A_498 = arith.muli %add3A_496, %mul3A_497 : i32
        %add3A_499 = arith.addi %mul3A_2, %mul3A_498 : i32
        %multiple_of3A_500 = tpu.assume_multiple %add3A_499, 8 : i32
        %dma_start3A_501 = arith.constant 0 : i32
        %dma_start3A_502 = arith.constant 0 : i32
        %dma_start3A_503 = tpu.memref_slice %arg2[%dma_start3A_501, %multiple_of3A_500, %dma_start3A_502] : memref<4x49152x128xf32, #tpu.memory_space<hbm>> -> memref<1x96x128xf32, #tpu.memory_space<hbm>>
        %dma_start3A_504 = tpu.memref_squeeze %dma_start3A_503 : memref<1x96x128xf32, #tpu.memory_space<hbm>> -> memref<96x128xf32, #tpu.memory_space<hbm>>
        %dma_start3A_505 = arith.constant 0 : i32
        %dma_start3A_506 = tpu.memref_slice %arg2[%dma_start3A_501, %multiple_of3A_500, %dma_start3A_505] : memref<4x49152x128xf32, #tpu.memory_space<hbm>> -> memref<1x96x128xf32, #tpu.memory_space<hbm>>
        %dma_start3A_507 = tpu.memref_squeeze %dma_start3A_506 : memref<1x96x128xf32, #tpu.memory_space<hbm>> -> memref<96x128xf32, #tpu.memory_space<hbm>>
        tpu.enqueue_dma source(%dma_start3A_507 : memref<96x128xf32, #tpu.memory_space<hbm>>) target(%arg7 : memref<96x128xf32, #tpu.memory_space<vmem>>) target_semaphore(%arg17 : memref<!tpu.dma_semaphore, #tpu.memory_space<semaphore_mem>>)
      } else {
      }
      %mul3A_329 = arith.constant 96 : i32
      %mul3A_330 = arith.muli %add3A_299, %mul3A_329 : i32
      %add3A_331 = arith.addi %mul3A_2, %mul3A_330 : i32
      %multiple_of3A_332 = tpu.assume_multiple %add3A_331, 8 : i32
      %dma_wait3A_333 = arith.constant 0 : i32
      %dma_wait3A_334 = arith.constant 0 : i32
      %dma_wait3A_335 = tpu.memref_slice %arg2[%dma_wait3A_333, %multiple_of3A_332, %dma_wait3A_334] : memref<4x49152x128xf32, #tpu.memory_space<hbm>> -> memref<1x96x128xf32, #tpu.memory_space<hbm>>
      %dma_wait3A_336 = tpu.memref_squeeze %dma_wait3A_335 : memref<1x96x128xf32, #tpu.memory_space<hbm>> -> memref<96x128xf32, #tpu.memory_space<hbm>>
      %dma_wait3A_337 = arith.constant 0 : i32
      %dma_wait3A_338 = tpu.memref_slice %arg2[%dma_wait3A_333, %multiple_of3A_332, %dma_wait3A_337] : memref<4x49152x128xf32, #tpu.memory_space<hbm>> -> memref<1x96x128xf32, #tpu.memory_space<hbm>>
      %dma_wait3A_339 = tpu.memref_squeeze %dma_wait3A_338 : memref<1x96x128xf32, #tpu.memory_space<hbm>> -> memref<96x128xf32, #tpu.memory_space<hbm>>
      tpu.wait_dma2 semaphore(%arg17 : memref<!tpu.dma_semaphore, #tpu.memory_space<semaphore_mem>>) src(%dma_wait3A_339 : memref<96x128xf32, #tpu.memory_space<hbm>>) dst(%arg11 : memref<96x128xf32, #tpu.memory_space<vmem>>)
      %scan3A_340 = arith.constant 0 : i32
      %scan3A_341 = arith.constant 0 : i32
      %scan3A_342 = arith.constant 96 : i32
      %scan3A_343 = arith.addi %scan3A_341, %scan3A_342 : i32
      %scan3A_344 = arith.constant 2 : i32
      scf.for %scan3A_495 = %scan3A_341 to %scan3A_343 step %scan3A_344  : i32 {
        %get3A = arith.index_cast %scan3A_495 : i32 to index
        %get3A_496 = arith.constant 0 : index
        %get3A_497 = tpu.vector_load %arg6[%get3A, %get3A_496] {strides = array<i32>} : memref<96x128xf32, #tpu.memory_space<vmem>>, vector<1x16xf32>,
        %get3A_498 = vector.shape_cast %get3A_497 : vector<1x16xf32> to vector<16xf32>
        %swap3A = arith.index_cast %scan3A_495 : i32 to index
        %swap3A_499 = arith.constant 0 : index
        %swap3A_500 = tpu.vector_load %arg11[%swap3A, %swap3A_499] {strides = array<i32>} : memref<96x128xf32, #tpu.memory_space<vmem>>, vector<1x16xf32>,
        %swap3A_501 = vector.shape_cast %swap3A_500 : vector<1x16xf32> to vector<16xf32>
        %swap3A_502 = vector.shape_cast %get3A_498 : vector<16xf32> to vector<1x16xf32>
        tpu.vector_store %arg11[%swap3A, %swap3A_499], %swap3A_502 {add = true, strides = array<i32>} : memref<96x128xf32, #tpu.memory_space<vmem>>, vector<1x16xf32>,
        %get3A_503 = arith.index_cast %scan3A_495 : i32 to index
        %get3A_504 = arith.constant 16 : index
        %get3A_505 = tpu.vector_load %arg6[%get3A_503, %get3A_504] {strides = array<i32>} : memref<96x128xf32, #tpu.memory_space<vmem>>, vector<1x16xf32>,
        %get3A_506 = vector.shape_cast %get3A_505 : vector<1x16xf32> to vector<16xf32>
        %swap3A_507 = arith.index_cast %scan3A_495 : i32 to index
        %swap3A_508 = arith.constant 16 : index
        %swap3A_509 = tpu.vector_load %arg11[%swap3A_507, %swap3A_508] {strides = array<i32>} : memref<96x128xf32, #tpu.memory_space<vmem>>, vector<1x16xf32>,
        %swap3A_510 = vector.shape_cast %swap3A_509 : vector<1x16xf32> to vector<16xf32>
        %swap3A_511 = vector.shape_cast %get3A_506 : vector<16xf32> to vector<1x16xf32>
        tpu.vector_store %arg11[%swap3A_507, %swap3A_508], %swap3A_511 {add = true, strides = array<i32>} : memref<96x128xf32, #tpu.memory_space<vmem>>, vector<1x16xf32>,
        %get3A_512 = arith.index_cast %scan3A_495 : i32 to index
        %get3A_513 = arith.constant 32 : index
        %get3A_514 = tpu.vector_load %arg6[%get3A_512, %get3A_513] {strides = array<i32>} : memref<96x128xf32, #tpu.memory_space<vmem>>, vector<1x16xf32>,
        %get3A_515 = vector.shape_cast %get3A_514 : vector<1x16xf32> to vector<16xf32>
        %swap3A_516 = arith.index_cast %scan3A_495 : i32 to index
        %swap3A_517 = arith.constant 32 : index
        %swap3A_518 = tpu.vector_load %arg11[%swap3A_516, %swap3A_517] {strides = array<i32>} : memref<96x128xf32, #tpu.memory_space<vmem>>, vector<1x16xf32>,
        %swap3A_519 = vector.shape_cast %swap3A_518 : vector<1x16xf32> to vector<16xf32>
        %swap3A_520 = vector.shape_cast %get3A_515 : vector<16xf32> to vector<1x16xf32>
        tpu.vector_store %arg11[%swap3A_516, %swap3A_517], %swap3A_520 {add = true, strides = array<i32>} : memref<96x128xf32, #tpu.memory_space<vmem>>, vector<1x16xf32>,
        %get3A_521 = arith.index_cast %scan3A_495 : i32 to index
        %get3A_522 = arith.constant 48 : index
        %get3A_523 = tpu.vector_load %arg6[%get3A_521, %get3A_522] {strides = array<i32>} : memref<96x128xf32, #tpu.memory_space<vmem>>, vector<1x16xf32>,
        %get3A_524 = vector.shape_cast %get3A_523 : vector<1x16xf32> to vector<16xf32>
        %swap3A_525 = arith.index_cast %scan3A_495 : i32 to index
        %swap3A_526 = arith.constant 48 : index
        %swap3A_527 = tpu.vector_load %arg11[%swap3A_525, %swap3A_526] {strides = array<i32>} : memref<96x128xf32, #tpu.memory_space<vmem>>, vector<1x16xf32>,
        %swap3A_528 = vector.shape_cast %swap3A_527 : vector<1x16xf32> to vector<16xf32>
        %swap3A_529 = vector.shape_cast %get3A_524 : vector<16xf32> to vector<1x16xf32>
        tpu.vector_store %arg11[%swap3A_525, %swap3A_526], %swap3A_529 {add = true, strides = array<i32>} : memref<96x128xf32, #tpu.memory_space<vmem>>, vector<1x16xf32>,
        %get3A_530 = arith.index_cast %scan3A_495 : i32 to index
        %get3A_531 = arith.constant 64 : index
        %get3A_532 = tpu.vector_load %arg6[%get3A_530, %get3A_531] {strides = array<i32>} : memref<96x128xf32, #tpu.memory_space<vmem>>, vector<1x16xf32>,
        %get3A_533 = vector.shape_cast %get3A_532 : vector<1x16xf32> to vector<16xf32>
        %swap3A_534 = arith.index_cast %scan3A_495 : i32 to index
        %swap3A_535 = arith.constant 64 : index
        %swap3A_536 = tpu.vector_load %arg11[%swap3A_534, %swap3A_535] {strides = array<i32>} : memref<96x128xf32, #tpu.memory_space<vmem>>, vector<1x16xf32>,
        %swap3A_537 = vector.shape_cast %swap3A_536 : vector<1x16xf32> to vector<16xf32>
        %swap3A_538 = vector.shape_cast %get3A_533 : vector<16xf32> to vector<1x16xf32>
        tpu.vector_store %arg11[%swap3A_534, %swap3A_535], %swap3A_538 {add = true, strides = array<i32>} : memref<96x128xf32, #tpu.memory_space<vmem>>, vector<1x16xf32>,
        %get3A_539 = arith.index_cast %scan3A_495 : i32 to index
        %get3A_540 = arith.constant 80 : index
        %get3A_541 = tpu.vector_load %arg6[%get3A_539, %get3A_540] {strides = array<i32>} : memref<96x128xf32, #tpu.memory_space<vmem>>, vector<1x16xf32>,
        %get3A_542 = vector.shape_cast %get3A_541 : vector<1x16xf32> to vector<16xf32>
        %swap3A_543 = arith.index_cast %scan3A_495 : i32 to index
        %swap3A_544 = arith.constant 80 : index
        %swap3A_545 = tpu.vector_load %arg11[%swap3A_543, %swap3A_544] {strides = array<i32>} : memref<96x128xf32, #tpu.memory_space<vmem>>, vector<1x16xf32>,
        %swap3A_546 = vector.shape_cast %swap3A_545 : vector<1x16xf32> to vector<16xf32>
        %swap3A_547 = vector.shape_cast %get3A_542 : vector<16xf32> to vector<1x16xf32>
        tpu.vector_store %arg11[%swap3A_543, %swap3A_544], %swap3A_547 {add = true, strides = array<i32>} : memref<96x128xf32, #tpu.memory_space<vmem>>, vector<1x16xf32>,
        %get3A_548 = arith.index_cast %scan3A_495 : i32 to index
        %get3A_549 = arith.constant 96 : index
        %get3A_550 = tpu.vector_load %arg6[%get3A_548, %get3A_549] {strides = array<i32>} : memref<96x128xf32, #tpu.memory_space<vmem>>, vector<1x16xf32>,
        %get3A_551 = vector.shape_cast %get3A_550 : vector<1x16xf32> to vector<16xf32>
        %swap3A_552 = arith.index_cast %scan3A_495 : i32 to index
        %swap3A_553 = arith.constant 96 : index
        %swap3A_554 = tpu.vector_load %arg11[%swap3A_552, %swap3A_553] {strides = array<i32>} : memref<96x128xf32, #tpu.memory_space<vmem>>, vector<1x16xf32>,
        %swap3A_555 = vector.shape_cast %swap3A_554 : vector<1x16xf32> to vector<16xf32>
        %swap3A_556 = vector.shape_cast %get3A_551 : vector<16xf32> to vector<1x16xf32>
        tpu.vector_store %arg11[%swap3A_552, %swap3A_553], %swap3A_556 {add = true, strides = array<i32>} : memref<96x128xf32, #tpu.memory_space<vmem>>, vector<1x16xf32>,
        %get3A_557 = arith.index_cast %scan3A_495 : i32 to index
        %get3A_558 = arith.constant 112 : index
        %get3A_559 = tpu.vector_load %arg6[%get3A_557, %get3A_558] {strides = array<i32>} : memref<96x128xf32, #tpu.memory_space<vmem>>, vector<1x16xf32>,
        %get3A_560 = vector.shape_cast %get3A_559 : vector<1x16xf32> to vector<16xf32>
        %swap3A_561 = arith.index_cast %scan3A_495 : i32 to index
        %swap3A_562 = arith.constant 112 : index
        %swap3A_563 = tpu.vector_load %arg11[%swap3A_561, %swap3A_562] {strides = array<i32>} : memref<96x128xf32, #tpu.memory_space<vmem>>, vector<1x16xf32>,
        %swap3A_564 = vector.shape_cast %swap3A_563 : vector<1x16xf32> to vector<16xf32>
        %swap3A_565 = vector.shape_cast %get3A_560 : vector<16xf32> to vector<1x16xf32>
        tpu.vector_store %arg11[%swap3A_561, %swap3A_562], %swap3A_565 {add = true, strides = array<i32>} : memref<96x128xf32, #tpu.memory_space<vmem>>, vector<1x16xf32>,
        %scan3A_566 = arith.constant 1 : i32
        %scan3A_567 = arith.addi %scan3A_495, %scan3A_566 : i32
        %get3A_568 = arith.index_cast %scan3A_567 : i32 to index
        %get3A_569 = arith.constant 0 : index
        %get3A_570 = tpu.vector_load %arg6[%get3A_568, %get3A_569] {strides = array<i32>} : memref<96x128xf32, #tpu.memory_space<vmem>>, vector<1x16xf32>,
        %get3A_571 = vector.shape_cast %get3A_570 : vector<1x16xf32> to vector<16xf32>
        %swap3A_572 = arith.index_cast %scan3A_567 : i32 to index
        %swap3A_573 = arith.constant 0 : index
        %swap3A_574 = tpu.vector_load %arg11[%swap3A_572, %swap3A_573] {strides = array<i32>} : memref<96x128xf32, #tpu.memory_space<vmem>>, vector<1x16xf32>,
        %swap3A_575 = vector.shape_cast %swap3A_574 : vector<1x16xf32> to vector<16xf32>
        %swap3A_576 = vector.shape_cast %get3A_571 : vector<16xf32> to vector<1x16xf32>
        tpu.vector_store %arg11[%swap3A_572, %swap3A_573], %swap3A_576 {add = true, strides = array<i32>} : memref<96x128xf32, #tpu.memory_space<vmem>>, vector<1x16xf32>,
        %get3A_577 = arith.index_cast %scan3A_567 : i32 to index
        %get3A_578 = arith.constant 16 : index
        %get3A_579 = tpu.vector_load %arg6[%get3A_577, %get3A_578] {strides = array<i32>} : memref<96x128xf32, #tpu.memory_space<vmem>>, vector<1x16xf32>,
        %get3A_580 = vector.shape_cast %get3A_579 : vector<1x16xf32> to vector<16xf32>
        %swap3A_581 = arith.index_cast %scan3A_567 : i32 to index
        %swap3A_582 = arith.constant 16 : index
        %swap3A_583 = tpu.vector_load %arg11[%swap3A_581, %swap3A_582] {strides = array<i32>} : memref<96x128xf32, #tpu.memory_space<vmem>>, vector<1x16xf32>,
        %swap3A_584 = vector.shape_cast %swap3A_583 : vector<1x16xf32> to vector<16xf32>
        %swap3A_585 = vector.shape_cast %get3A_580 : vector<16xf32> to vector<1x16xf32>
        tpu.vector_store %arg11[%swap3A_581, %swap3A_582], %swap3A_585 {add = true, strides = array<i32>} : memref<96x128xf32, #tpu.memory_space<vmem>>, vector<1x16xf32>,
        %get3A_586 = arith.index_cast %scan3A_567 : i32 to index
        %get3A_587 = arith.constant 32 : index
        %get3A_588 = tpu.vector_load %arg6[%get3A_586, %get3A_587] {strides = array<i32>} : memref<96x128xf32, #tpu.memory_space<vmem>>, vector<1x16xf32>,
        %get3A_589 = vector.shape_cast %get3A_588 : vector<1x16xf32> to vector<16xf32>
        %swap3A_590 = arith.index_cast %scan3A_567 : i32 to index
        %swap3A_591 = arith.constant 32 : index
        %swap3A_592 = tpu.vector_load %arg11[%swap3A_590, %swap3A_591] {strides = array<i32>} : memref<96x128xf32, #tpu.memory_space<vmem>>, vector<1x16xf32>,
        %swap3A_593 = vector.shape_cast %swap3A_592 : vector<1x16xf32> to vector<16xf32>
        %swap3A_594 = vector.shape_cast %get3A_589 : vector<16xf32> to vector<1x16xf32>
        tpu.vector_store %arg11[%swap3A_590, %swap3A_591], %swap3A_594 {add = true, strides = array<i32>} : memref<96x128xf32, #tpu.memory_space<vmem>>, vector<1x16xf32>,
        %get3A_595 = arith.index_cast %scan3A_567 : i32 to index
        %get3A_596 = arith.constant 48 : index
        %get3A_597 = tpu.vector_load %arg6[%get3A_595, %get3A_596] {strides = array<i32>} : memref<96x128xf32, #tpu.memory_space<vmem>>, vector<1x16xf32>,
        %get3A_598 = vector.shape_cast %get3A_597 : vector<1x16xf32> to vector<16xf32>
        %swap3A_599 = arith.index_cast %scan3A_567 : i32 to index
        %swap3A_600 = arith.constant 48 : index
        %swap3A_601 = tpu.vector_load %arg11[%swap3A_599, %swap3A_600] {strides = array<i32>} : memref<96x128xf32, #tpu.memory_space<vmem>>, vector<1x16xf32>,
        %swap3A_602 = vector.shape_cast %swap3A_601 : vector<1x16xf32> to vector<16xf32>
        %swap3A_603 = vector.shape_cast %get3A_598 : vector<16xf32> to vector<1x16xf32>
        tpu.vector_store %arg11[%swap3A_599, %swap3A_600], %swap3A_603 {add = true, strides = array<i32>} : memref<96x128xf32, #tpu.memory_space<vmem>>, vector<1x16xf32>,
        %get3A_604 = arith.index_cast %scan3A_567 : i32 to index
        %get3A_605 = arith.constant 64 : index
        %get3A_606 = tpu.vector_load %arg6[%get3A_604, %get3A_605] {strides = array<i32>} : memref<96x128xf32, #tpu.memory_space<vmem>>, vector<1x16xf32>,
        %get3A_607 = vector.shape_cast %get3A_606 : vector<1x16xf32> to vector<16xf32>
        %swap3A_608 = arith.index_cast %scan3A_567 : i32 to index
        %swap3A_609 = arith.constant 64 : index
        %swap3A_610 = tpu.vector_load %arg11[%swap3A_608, %swap3A_609] {strides = array<i32>} : memref<96x128xf32, #tpu.memory_space<vmem>>, vector<1x16xf32>,
        %swap3A_611 = vector.shape_cast %swap3A_610 : vector<1x16xf32> to vector<16xf32>
        %swap3A_612 = vector.shape_cast %get3A_607 : vector<16xf32> to vector<1x16xf32>
        tpu.vector_store %arg11[%swap3A_608, %swap3A_609], %swap3A_612 {add = true, strides = array<i32>} : memref<96x128xf32, #tpu.memory_space<vmem>>, vector<1x16xf32>,
        %get3A_613 = arith.index_cast %scan3A_567 : i32 to index
        %get3A_614 = arith.constant 80 : index
        %get3A_615 = tpu.vector_load %arg6[%get3A_613, %get3A_614] {strides = array<i32>} : memref<96x128xf32, #tpu.memory_space<vmem>>, vector<1x16xf32>,
        %get3A_616 = vector.shape_cast %get3A_615 : vector<1x16xf32> to vector<16xf32>
        %swap3A_617 = arith.index_cast %scan3A_567 : i32 to index
        %swap3A_618 = arith.constant 80 : index
        %swap3A_619 = tpu.vector_load %arg11[%swap3A_617, %swap3A_618] {strides = array<i32>} : memref<96x128xf32, #tpu.memory_space<vmem>>, vector<1x16xf32>,
        %swap3A_620 = vector.shape_cast %swap3A_619 : vector<1x16xf32> to vector<16xf32>
        %swap3A_621 = vector.shape_cast %get3A_616 : vector<16xf32> to vector<1x16xf32>
        tpu.vector_store %arg11[%swap3A_617, %swap3A_618], %swap3A_621 {add = true, strides = array<i32>} : memref<96x128xf32, #tpu.memory_space<vmem>>, vector<1x16xf32>,
        %get3A_622 = arith.index_cast %scan3A_567 : i32 to index
        %get3A_623 = arith.constant 96 : index
        %get3A_624 = tpu.vector_load %arg6[%get3A_622, %get3A_623] {strides = array<i32>} : memref<96x128xf32, #tpu.memory_space<vmem>>, vector<1x16xf32>,
        %get3A_625 = vector.shape_cast %get3A_624 : vector<1x16xf32> to vector<16xf32>
        %swap3A_626 = arith.index_cast %scan3A_567 : i32 to index
        %swap3A_627 = arith.constant 96 : index
        %swap3A_628 = tpu.vector_load %arg11[%swap3A_626, %swap3A_627] {strides = array<i32>} : memref<96x128xf32, #tpu.memory_space<vmem>>, vector<1x16xf32>,
        %swap3A_629 = vector.shape_cast %swap3A_628 : vector<1x16xf32> to vector<16xf32>
        %swap3A_630 = vector.shape_cast %get3A_625 : vector<16xf32> to vector<1x16xf32>
        tpu.vector_store %arg11[%swap3A_626, %swap3A_627], %swap3A_630 {add = true, strides = array<i32>} : memref<96x128xf32, #tpu.memory_space<vmem>>, vector<1x16xf32>,
        %get3A_631 = arith.index_cast %scan3A_567 : i32 to index
        %get3A_632 = arith.constant 112 : index
        %get3A_633 = tpu.vector_load %arg6[%get3A_631, %get3A_632] {strides = array<i32>} : memref<96x128xf32, #tpu.memory_space<vmem>>, vector<1x16xf32>,
        %get3A_634 = vector.shape_cast %get3A_633 : vector<1x16xf32> to vector<16xf32>
        %swap3A_635 = arith.index_cast %scan3A_567 : i32 to index
        %swap3A_636 = arith.constant 112 : index
        %swap3A_637 = tpu.vector_load %arg11[%swap3A_635, %swap3A_636] {strides = array<i32>} : memref<96x128xf32, #tpu.memory_space<vmem>>, vector<1x16xf32>,
        %swap3A_638 = vector.shape_cast %swap3A_637 : vector<1x16xf32> to vector<16xf32>
        %swap3A_639 = vector.shape_cast %get3A_634 : vector<16xf32> to vector<1x16xf32>
        tpu.vector_store %arg11[%swap3A_635, %swap3A_636], %swap3A_639 {add = true, strides = array<i32>} : memref<96x128xf32, #tpu.memory_space<vmem>>, vector<1x16xf32>,
      }
      %scan3A_345 = arith.constant 96 : i32
      %mul3A_346 = arith.constant 96 : i32
      %mul3A_347 = arith.muli %add3A_299, %mul3A_346 : i32
      %add3A_348 = arith.addi %mul3A_2, %mul3A_347 : i32
      %multiple_of3A_349 = tpu.assume_multiple %add3A_348, 8 : i32
      %dma_start3A_350 = arith.constant 0 : i32
      %dma_start3A_351 = arith.constant 0 : i32
      %dma_start3A_352 = tpu.memref_slice %arg4[%dma_start3A_350, %multiple_of3A_349, %dma_start3A_351] : memref<4x49152x128xf32, #tpu.memory_space<hbm>> -> memref<1x96x128xf32, #tpu.memory_space<hbm>>
      %dma_start3A_353 = tpu.memref_squeeze %dma_start3A_352 : memref<1x96x128xf32, #tpu.memory_space<hbm>> -> memref<96x128xf32, #tpu.memory_space<hbm>>
      %dma_start3A_354 = arith.constant 0 : i32
      %dma_start3A_355 = tpu.memref_slice %arg4[%dma_start3A_350, %multiple_of3A_349, %dma_start3A_354] : memref<4x49152x128xf32, #tpu.memory_space<hbm>> -> memref<1x96x128xf32, #tpu.memory_space<hbm>>
      %dma_start3A_356 = tpu.memref_squeeze %dma_start3A_355 : memref<1x96x128xf32, #tpu.memory_space<hbm>> -> memref<96x128xf32, #tpu.memory_space<hbm>>
      tpu.enqueue_dma source(%arg11 : memref<96x128xf32, #tpu.memory_space<vmem>>) target(%dma_start3A_356 : memref<96x128xf32, #tpu.memory_space<hbm>>) target_semaphore(%arg21 : memref<!tpu.dma_semaphore, #tpu.memory_space<semaphore_mem>>)
      %sub3A_357 = arith.constant 1 : i32
      %sub3A_358 = arith.subi %add3A_299, %sub3A_357 : i32
      %mul3A_359 = arith.constant 96 : i32
      %mul3A_360 = arith.muli %sub3A_358, %mul3A_359 : i32
      %add3A_361 = arith.addi %mul3A_2, %mul3A_360 : i32
      %multiple_of3A_362 = tpu.assume_multiple %add3A_361, 8 : i32
      %dma_wait3A_363 = arith.constant 1 : i32
      %dma_wait3A_364 = arith.constant 0 : i32
      %dma_wait3A_365 = tpu.memref_slice %arg4[%dma_wait3A_363, %multiple_of3A_362, %dma_wait3A_364] : memref<4x49152x128xf32, #tpu.memory_space<hbm>> -> memref<1x96x128xf32, #tpu.memory_space<hbm>>
      %dma_wait3A_366 = tpu.memref_squeeze %dma_wait3A_365 : memref<1x96x128xf32, #tpu.memory_space<hbm>> -> memref<96x128xf32, #tpu.memory_space<hbm>>
      %dma_wait3A_367 = arith.constant 0 : i32
      %dma_wait3A_368 = tpu.memref_slice %arg4[%dma_wait3A_363, %multiple_of3A_362, %dma_wait3A_367] : memref<4x49152x128xf32, #tpu.memory_space<hbm>> -> memref<1x96x128xf32, #tpu.memory_space<hbm>>
      %dma_wait3A_369 = tpu.memref_squeeze %dma_wait3A_368 : memref<1x96x128xf32, #tpu.memory_space<hbm>> -> memref<96x128xf32, #tpu.memory_space<hbm>>
      tpu.wait_dma2 semaphore(%arg22 : memref<!tpu.dma_semaphore, #tpu.memory_space<semaphore_mem>>) src(%arg8 : memref<96x128xf32, #tpu.memory_space<vmem>>) dst(%dma_wait3A_369 : memref<96x128xf32, #tpu.memory_space<hbm>>)
      %lt3A_370 = arith.constant 7 : i32
      %lt3A_371 = arith.cmpi slt, %scan3A_92, %lt3A_370 : i32
      %convert_element_type3A_372 = arith.extui %lt3A_371 : i1 to i32
      %cond3A_373 = arith.constant 0 : i32
      %cond3A_374 = arith.cmpi ne, %convert_element_type3A_372, %cond3A_373 : i32
      scf.if %cond3A_374 {
        %add3A_495 = arith.constant 1 : i32
        %add3A_496 = arith.addi %add3A_299, %add3A_495 : i32
        %mul3A_497 = arith.constant 96 : i32
        %mul3A_498 = arith.muli %add3A_496, %mul3A_497 : i32
        %add3A_499 = arith.addi %mul3A_2, %mul3A_498 : i32
        %multiple_of3A_500 = tpu.assume_multiple %add3A_499, 8 : i32
        %dma_start3A_501 = arith.constant 1 : i32
        %dma_start3A_502 = arith.constant 0 : i32
        %dma_start3A_503 = tpu.memref_slice %arg2[%dma_start3A_501, %multiple_of3A_500, %dma_start3A_502] : memref<4x49152x128xf32, #tpu.memory_space<hbm>> -> memref<1x96x128xf32, #tpu.memory_space<hbm>>
        %dma_start3A_504 = tpu.memref_squeeze %dma_start3A_503 : memref<1x96x128xf32, #tpu.memory_space<hbm>> -> memref<96x128xf32, #tpu.memory_space<hbm>>
        %dma_start3A_505 = arith.constant 0 : i32
        %dma_start3A_506 = tpu.memref_slice %arg2[%dma_start3A_501, %multiple_of3A_500, %dma_start3A_505] : memref<4x49152x128xf32, #tpu.memory_space<hbm>> -> memref<1x96x128xf32, #tpu.memory_space<hbm>>
        %dma_start3A_507 = tpu.memref_squeeze %dma_start3A_506 : memref<1x96x128xf32, #tpu.memory_space<hbm>> -> memref<96x128xf32, #tpu.memory_space<hbm>>
        tpu.enqueue_dma source(%dma_start3A_507 : memref<96x128xf32, #tpu.memory_space<hbm>>) target(%arg8 : memref<96x128xf32, #tpu.memory_space<vmem>>) target_semaphore(%arg18 : memref<!tpu.dma_semaphore, #tpu.memory_space<semaphore_mem>>)
      } else {
      }
      %mul3A_375 = arith.constant 96 : i32
      %mul3A_376 = arith.muli %add3A_299, %mul3A_375 : i32
      %add3A_377 = arith.addi %mul3A_2, %mul3A_376 : i32
      %multiple_of3A_378 = tpu.assume_multiple %add3A_377, 8 : i32
      %dma_wait3A_379 = arith.constant 1 : i32
      %dma_wait3A_380 = arith.constant 0 : i32
      %dma_wait3A_381 = tpu.memref_slice %arg2[%dma_wait3A_379, %multiple_of3A_378, %dma_wait3A_380] : memref<4x49152x128xf32, #tpu.memory_space<hbm>> -> memref<1x96x128xf32, #tpu.memory_space<hbm>>
      %dma_wait3A_382 = tpu.memref_squeeze %dma_wait3A_381 : memref<1x96x128xf32, #tpu.memory_space<hbm>> -> memref<96x128xf32, #tpu.memory_space<hbm>>
      %dma_wait3A_383 = arith.constant 0 : i32
      %dma_wait3A_384 = tpu.memref_slice %arg2[%dma_wait3A_379, %multiple_of3A_378, %dma_wait3A_383] : memref<4x49152x128xf32, #tpu.memory_space<hbm>> -> memref<1x96x128xf32, #tpu.memory_space<hbm>>
      %dma_wait3A_385 = tpu.memref_squeeze %dma_wait3A_384 : memref<1x96x128xf32, #tpu.memory_space<hbm>> -> memref<96x128xf32, #tpu.memory_space<hbm>>
      tpu.wait_dma2 semaphore(%arg18 : memref<!tpu.dma_semaphore, #tpu.memory_space<semaphore_mem>>) src(%dma_wait3A_385 : memref<96x128xf32, #tpu.memory_space<hbm>>) dst(%arg12 : memref<96x128xf32, #tpu.memory_space<vmem>>)
      %scan3A_386 = arith.constant 0 : i32
      %scan3A_387 = arith.constant 0 : i32
      %scan3A_388 = arith.constant 96 : i32
      %scan3A_389 = arith.addi %scan3A_387, %scan3A_388 : i32
      %scan3A_390 = arith.constant 2 : i32
      scf.for %scan3A_495 = %scan3A_387 to %scan3A_389 step %scan3A_390  : i32 {
        %get3A = arith.index_cast %scan3A_495 : i32 to index
        %get3A_496 = arith.constant 0 : index
        %get3A_497 = tpu.vector_load %arg6[%get3A, %get3A_496] {strides = array<i32>} : memref<96x128xf32, #tpu.memory_space<vmem>>, vector<1x16xf32>,
        %get3A_498 = vector.shape_cast %get3A_497 : vector<1x16xf32> to vector<16xf32>
        %swap3A = arith.index_cast %scan3A_495 : i32 to index
        %swap3A_499 = arith.constant 0 : index
        %swap3A_500 = tpu.vector_load %arg12[%swap3A, %swap3A_499] {strides = array<i32>} : memref<96x128xf32, #tpu.memory_space<vmem>>, vector<1x16xf32>,
        %swap3A_501 = vector.shape_cast %swap3A_500 : vector<1x16xf32> to vector<16xf32>
        %swap3A_502 = vector.shape_cast %get3A_498 : vector<16xf32> to vector<1x16xf32>
        tpu.vector_store %arg12[%swap3A, %swap3A_499], %swap3A_502 {add = true, strides = array<i32>} : memref<96x128xf32, #tpu.memory_space<vmem>>, vector<1x16xf32>,
        %get3A_503 = arith.index_cast %scan3A_495 : i32 to index
        %get3A_504 = arith.constant 16 : index
        %get3A_505 = tpu.vector_load %arg6[%get3A_503, %get3A_504] {strides = array<i32>} : memref<96x128xf32, #tpu.memory_space<vmem>>, vector<1x16xf32>,
        %get3A_506 = vector.shape_cast %get3A_505 : vector<1x16xf32> to vector<16xf32>
        %swap3A_507 = arith.index_cast %scan3A_495 : i32 to index
        %swap3A_508 = arith.constant 16 : index
        %swap3A_509 = tpu.vector_load %arg12[%swap3A_507, %swap3A_508] {strides = array<i32>} : memref<96x128xf32, #tpu.memory_space<vmem>>, vector<1x16xf32>,
        %swap3A_510 = vector.shape_cast %swap3A_509 : vector<1x16xf32> to vector<16xf32>
        %swap3A_511 = vector.shape_cast %get3A_506 : vector<16xf32> to vector<1x16xf32>
        tpu.vector_store %arg12[%swap3A_507, %swap3A_508], %swap3A_511 {add = true, strides = array<i32>} : memref<96x128xf32, #tpu.memory_space<vmem>>, vector<1x16xf32>,
        %get3A_512 = arith.index_cast %scan3A_495 : i32 to index
        %get3A_513 = arith.constant 32 : index
        %get3A_514 = tpu.vector_load %arg6[%get3A_512, %get3A_513] {strides = array<i32>} : memref<96x128xf32, #tpu.memory_space<vmem>>, vector<1x16xf32>,
        %get3A_515 = vector.shape_cast %get3A_514 : vector<1x16xf32> to vector<16xf32>
        %swap3A_516 = arith.index_cast %scan3A_495 : i32 to index
        %swap3A_517 = arith.constant 32 : index
        %swap3A_518 = tpu.vector_load %arg12[%swap3A_516, %swap3A_517] {strides = array<i32>} : memref<96x128xf32, #tpu.memory_space<vmem>>, vector<1x16xf32>,
        %swap3A_519 = vector.shape_cast %swap3A_518 : vector<1x16xf32> to vector<16xf32>
        %swap3A_520 = vector.shape_cast %get3A_515 : vector<16xf32> to vector<1x16xf32>
        tpu.vector_store %arg12[%swap3A_516, %swap3A_517], %swap3A_520 {add = true, strides = array<i32>} : memref<96x128xf32, #tpu.memory_space<vmem>>, vector<1x16xf32>,
        %get3A_521 = arith.index_cast %scan3A_495 : i32 to index
        %get3A_522 = arith.constant 48 : index
        %get3A_523 = tpu.vector_load %arg6[%get3A_521, %get3A_522] {strides = array<i32>} : memref<96x128xf32, #tpu.memory_space<vmem>>, vector<1x16xf32>,
        %get3A_524 = vector.shape_cast %get3A_523 : vector<1x16xf32> to vector<16xf32>
        %swap3A_525 = arith.index_cast %scan3A_495 : i32 to index
        %swap3A_526 = arith.constant 48 : index
        %swap3A_527 = tpu.vector_load %arg12[%swap3A_525, %swap3A_526] {strides = array<i32>} : memref<96x128xf32, #tpu.memory_space<vmem>>, vector<1x16xf32>,
        %swap3A_528 = vector.shape_cast %swap3A_527 : vector<1x16xf32> to vector<16xf32>
        %swap3A_529 = vector.shape_cast %get3A_524 : vector<16xf32> to vector<1x16xf32>
        tpu.vector_store %arg12[%swap3A_525, %swap3A_526], %swap3A_529 {add = true, strides = array<i32>} : memref<96x128xf32, #tpu.memory_space<vmem>>, vector<1x16xf32>,
        %get3A_530 = arith.index_cast %scan3A_495 : i32 to index
        %get3A_531 = arith.constant 64 : index
        %get3A_532 = tpu.vector_load %arg6[%get3A_530, %get3A_531] {strides = array<i32>} : memref<96x128xf32, #tpu.memory_space<vmem>>, vector<1x16xf32>,
        %get3A_533 = vector.shape_cast %get3A_532 : vector<1x16xf32> to vector<16xf32>
        %swap3A_534 = arith.index_cast %scan3A_495 : i32 to index
        %swap3A_535 = arith.constant 64 : index
        %swap3A_536 = tpu.vector_load %arg12[%swap3A_534, %swap3A_535] {strides = array<i32>} : memref<96x128xf32, #tpu.memory_space<vmem>>, vector<1x16xf32>,
        %swap3A_537 = vector.shape_cast %swap3A_536 : vector<1x16xf32> to vector<16xf32>
        %swap3A_538 = vector.shape_cast %get3A_533 : vector<16xf32> to vector<1x16xf32>
        tpu.vector_store %arg12[%swap3A_534, %swap3A_535], %swap3A_538 {add = true, strides = array<i32>} : memref<96x128xf32, #tpu.memory_space<vmem>>, vector<1x16xf32>,
        %get3A_539 = arith.index_cast %scan3A_495 : i32 to index
        %get3A_540 = arith.constant 80 : index
        %get3A_541 = tpu.vector_load %arg6[%get3A_539, %get3A_540] {strides = array<i32>} : memref<96x128xf32, #tpu.memory_space<vmem>>, vector<1x16xf32>,
        %get3A_542 = vector.shape_cast %get3A_541 : vector<1x16xf32> to vector<16xf32>
        %swap3A_543 = arith.index_cast %scan3A_495 : i32 to index
        %swap3A_544 = arith.constant 80 : index
        %swap3A_545 = tpu.vector_load %arg12[%swap3A_543, %swap3A_544] {strides = array<i32>} : memref<96x128xf32, #tpu.memory_space<vmem>>, vector<1x16xf32>,
        %swap3A_546 = vector.shape_cast %swap3A_545 : vector<1x16xf32> to vector<16xf32>
        %swap3A_547 = vector.shape_cast %get3A_542 : vector<16xf32> to vector<1x16xf32>
        tpu.vector_store %arg12[%swap3A_543, %swap3A_544], %swap3A_547 {add = true, strides = array<i32>} : memref<96x128xf32, #tpu.memory_space<vmem>>, vector<1x16xf32>,
        %get3A_548 = arith.index_cast %scan3A_495 : i32 to index
        %get3A_549 = arith.constant 96 : index
        %get3A_550 = tpu.vector_load %arg6[%get3A_548, %get3A_549] {strides = array<i32>} : memref<96x128xf32, #tpu.memory_space<vmem>>, vector<1x16xf32>,
        %get3A_551 = vector.shape_cast %get3A_550 : vector<1x16xf32> to vector<16xf32>
        %swap3A_552 = arith.index_cast %scan3A_495 : i32 to index
        %swap3A_553 = arith.constant 96 : index
        %swap3A_554 = tpu.vector_load %arg12[%swap3A_552, %swap3A_553] {strides = array<i32>} : memref<96x128xf32, #tpu.memory_space<vmem>>, vector<1x16xf32>,
        %swap3A_555 = vector.shape_cast %swap3A_554 : vector<1x16xf32> to vector<16xf32>
        %swap3A_556 = vector.shape_cast %get3A_551 : vector<16xf32> to vector<1x16xf32>
        tpu.vector_store %arg12[%swap3A_552, %swap3A_553], %swap3A_556 {add = true, strides = array<i32>} : memref<96x128xf32, #tpu.memory_space<vmem>>, vector<1x16xf32>,
        %get3A_557 = arith.index_cast %scan3A_495 : i32 to index
        %get3A_558 = arith.constant 112 : index
        %get3A_559 = tpu.vector_load %arg6[%get3A_557, %get3A_558] {strides = array<i32>} : memref<96x128xf32, #tpu.memory_space<vmem>>, vector<1x16xf32>,
        %get3A_560 = vector.shape_cast %get3A_559 : vector<1x16xf32> to vector<16xf32>
        %swap3A_561 = arith.index_cast %scan3A_495 : i32 to index
        %swap3A_562 = arith.constant 112 : index
        %swap3A_563 = tpu.vector_load %arg12[%swap3A_561, %swap3A_562] {strides = array<i32>} : memref<96x128xf32, #tpu.memory_space<vmem>>, vector<1x16xf32>,
        %swap3A_564 = vector.shape_cast %swap3A_563 : vector<1x16xf32> to vector<16xf32>
        %swap3A_565 = vector.shape_cast %get3A_560 : vector<16xf32> to vector<1x16xf32>
        tpu.vector_store %arg12[%swap3A_561, %swap3A_562], %swap3A_565 {add = true, strides = array<i32>} : memref<96x128xf32, #tpu.memory_space<vmem>>, vector<1x16xf32>,
        %scan3A_566 = arith.constant 1 : i32
        %scan3A_567 = arith.addi %scan3A_495, %scan3A_566 : i32
        %get3A_568 = arith.index_cast %scan3A_567 : i32 to index
        %get3A_569 = arith.constant 0 : index
        %get3A_570 = tpu.vector_load %arg6[%get3A_568, %get3A_569] {strides = array<i32>} : memref<96x128xf32, #tpu.memory_space<vmem>>, vector<1x16xf32>,
        %get3A_571 = vector.shape_cast %get3A_570 : vector<1x16xf32> to vector<16xf32>
        %swap3A_572 = arith.index_cast %scan3A_567 : i32 to index
        %swap3A_573 = arith.constant 0 : index
        %swap3A_574 = tpu.vector_load %arg12[%swap3A_572, %swap3A_573] {strides = array<i32>} : memref<96x128xf32, #tpu.memory_space<vmem>>, vector<1x16xf32>,
        %swap3A_575 = vector.shape_cast %swap3A_574 : vector<1x16xf32> to vector<16xf32>
        %swap3A_576 = vector.shape_cast %get3A_571 : vector<16xf32> to vector<1x16xf32>
        tpu.vector_store %arg12[%swap3A_572, %swap3A_573], %swap3A_576 {add = true, strides = array<i32>} : memref<96x128xf32, #tpu.memory_space<vmem>>, vector<1x16xf32>,
        %get3A_577 = arith.index_cast %scan3A_567 : i32 to index
        %get3A_578 = arith.constant 16 : index
        %get3A_579 = tpu.vector_load %arg6[%get3A_577, %get3A_578] {strides = array<i32>} : memref<96x128xf32, #tpu.memory_space<vmem>>, vector<1x16xf32>,
        %get3A_580 = vector.shape_cast %get3A_579 : vector<1x16xf32> to vector<16xf32>
        %swap3A_581 = arith.index_cast %scan3A_567 : i32 to index
        %swap3A_582 = arith.constant 16 : index
        %swap3A_583 = tpu.vector_load %arg12[%swap3A_581, %swap3A_582] {strides = array<i32>} : memref<96x128xf32, #tpu.memory_space<vmem>>, vector<1x16xf32>,
        %swap3A_584 = vector.shape_cast %swap3A_583 : vector<1x16xf32> to vector<16xf32>
        %swap3A_585 = vector.shape_cast %get3A_580 : vector<16xf32> to vector<1x16xf32>
        tpu.vector_store %arg12[%swap3A_581, %swap3A_582], %swap3A_585 {add = true, strides = array<i32>} : memref<96x128xf32, #tpu.memory_space<vmem>>, vector<1x16xf32>,
        %get3A_586 = arith.index_cast %scan3A_567 : i32 to index
        %get3A_587 = arith.constant 32 : index
        %get3A_588 = tpu.vector_load %arg6[%get3A_586, %get3A_587] {strides = array<i32>} : memref<96x128xf32, #tpu.memory_space<vmem>>, vector<1x16xf32>,
        %get3A_589 = vector.shape_cast %get3A_588 : vector<1x16xf32> to vector<16xf32>
        %swap3A_590 = arith.index_cast %scan3A_567 : i32 to index
        %swap3A_591 = arith.constant 32 : index
        %swap3A_592 = tpu.vector_load %arg12[%swap3A_590, %swap3A_591] {strides = array<i32>} : memref<96x128xf32, #tpu.memory_space<vmem>>, vector<1x16xf32>,
        %swap3A_593 = vector.shape_cast %swap3A_592 : vector<1x16xf32> to vector<16xf32>
        %swap3A_594 = vector.shape_cast %get3A_589 : vector<16xf32> to vector<1x16xf32>
        tpu.vector_store %arg12[%swap3A_590, %swap3A_591], %swap3A_594 {add = true, strides = array<i32>} : memref<96x128xf32, #tpu.memory_space<vmem>>, vector<1x16xf32>,
        %get3A_595 = arith.index_cast %scan3A_567 : i32 to index
        %get3A_596 = arith.constant 48 : index
        %get3A_597 = tpu.vector_load %arg6[%get3A_595, %get3A_596] {strides = array<i32>} : memref<96x128xf32, #tpu.memory_space<vmem>>, vector<1x16xf32>,
        %get3A_598 = vector.shape_cast %get3A_597 : vector<1x16xf32> to vector<16xf32>
        %swap3A_599 = arith.index_cast %scan3A_567 : i32 to index
        %swap3A_600 = arith.constant 48 : index
        %swap3A_601 = tpu.vector_load %arg12[%swap3A_599, %swap3A_600] {strides = array<i32>} : memref<96x128xf32, #tpu.memory_space<vmem>>, vector<1x16xf32>,
        %swap3A_602 = vector.shape_cast %swap3A_601 : vector<1x16xf32> to vector<16xf32>
        %swap3A_603 = vector.shape_cast %get3A_598 : vector<16xf32> to vector<1x16xf32>
        tpu.vector_store %arg12[%swap3A_599, %swap3A_600], %swap3A_603 {add = true, strides = array<i32>} : memref<96x128xf32, #tpu.memory_space<vmem>>, vector<1x16xf32>,
        %get3A_604 = arith.index_cast %scan3A_567 : i32 to index
        %get3A_605 = arith.constant 64 : index
        %get3A_606 = tpu.vector_load %arg6[%get3A_604, %get3A_605] {strides = array<i32>} : memref<96x128xf32, #tpu.memory_space<vmem>>, vector<1x16xf32>,
        %get3A_607 = vector.shape_cast %get3A_606 : vector<1x16xf32> to vector<16xf32>
        %swap3A_608 = arith.index_cast %scan3A_567 : i32 to index
        %swap3A_609 = arith.constant 64 : index
        %swap3A_610 = tpu.vector_load %arg12[%swap3A_608, %swap3A_609] {strides = array<i32>} : memref<96x128xf32, #tpu.memory_space<vmem>>, vector<1x16xf32>,
        %swap3A_611 = vector.shape_cast %swap3A_610 : vector<1x16xf32> to vector<16xf32>
        %swap3A_612 = vector.shape_cast %get3A_607 : vector<16xf32> to vector<1x16xf32>
        tpu.vector_store %arg12[%swap3A_608, %swap3A_609], %swap3A_612 {add = true, strides = array<i32>} : memref<96x128xf32, #tpu.memory_space<vmem>>, vector<1x16xf32>,
        %get3A_613 = arith.index_cast %scan3A_567 : i32 to index
        %get3A_614 = arith.constant 80 : index
        %get3A_615 = tpu.vector_load %arg6[%get3A_613, %get3A_614] {strides = array<i32>} : memref<96x128xf32, #tpu.memory_space<vmem>>, vector<1x16xf32>,
        %get3A_616 = vector.shape_cast %get3A_615 : vector<1x16xf32> to vector<16xf32>
        %swap3A_617 = arith.index_cast %scan3A_567 : i32 to index
        %swap3A_618 = arith.constant 80 : index
        %swap3A_619 = tpu.vector_load %arg12[%swap3A_617, %swap3A_618] {strides = array<i32>} : memref<96x128xf32, #tpu.memory_space<vmem>>, vector<1x16xf32>,
        %swap3A_620 = vector.shape_cast %swap3A_619 : vector<1x16xf32> to vector<16xf32>
        %swap3A_621 = vector.shape_cast %get3A_616 : vector<16xf32> to vector<1x16xf32>
        tpu.vector_store %arg12[%swap3A_617, %swap3A_618], %swap3A_621 {add = true, strides = array<i32>} : memref<96x128xf32, #tpu.memory_space<vmem>>, vector<1x16xf32>,
        %get3A_622 = arith.index_cast %scan3A_567 : i32 to index
        %get3A_623 = arith.constant 96 : index
        %get3A_624 = tpu.vector_load %arg6[%get3A_622, %get3A_623] {strides = array<i32>} : memref<96x128xf32, #tpu.memory_space<vmem>>, vector<1x16xf32>,
        %get3A_625 = vector.shape_cast %get3A_624 : vector<1x16xf32> to vector<16xf32>
        %swap3A_626 = arith.index_cast %scan3A_567 : i32 to index
        %swap3A_627 = arith.constant 96 : index
        %swap3A_628 = tpu.vector_load %arg12[%swap3A_626, %swap3A_627] {strides = array<i32>} : memref<96x128xf32, #tpu.memory_space<vmem>>, vector<1x16xf32>,
        %swap3A_629 = vector.shape_cast %swap3A_628 : vector<1x16xf32> to vector<16xf32>
        %swap3A_630 = vector.shape_cast %get3A_625 : vector<16xf32> to vector<1x16xf32>
        tpu.vector_store %arg12[%swap3A_626, %swap3A_627], %swap3A_630 {add = true, strides = array<i32>} : memref<96x128xf32, #tpu.memory_space<vmem>>, vector<1x16xf32>,
        %get3A_631 = arith.index_cast %scan3A_567 : i32 to index
        %get3A_632 = arith.constant 112 : index
        %get3A_633 = tpu.vector_load %arg6[%get3A_631, %get3A_632] {strides = array<i32>} : memref<96x128xf32, #tpu.memory_space<vmem>>, vector<1x16xf32>,
        %get3A_634 = vector.shape_cast %get3A_633 : vector<1x16xf32> to vector<16xf32>
        %swap3A_635 = arith.index_cast %scan3A_567 : i32 to index
        %swap3A_636 = arith.constant 112 : index
        %swap3A_637 = tpu.vector_load %arg12[%swap3A_635, %swap3A_636] {strides = array<i32>} : memref<96x128xf32, #tpu.memory_space<vmem>>, vector<1x16xf32>,
        %swap3A_638 = vector.shape_cast %swap3A_637 : vector<1x16xf32> to vector<16xf32>
        %swap3A_639 = vector.shape_cast %get3A_634 : vector<16xf32> to vector<1x16xf32>
        tpu.vector_store %arg12[%swap3A_635, %swap3A_636], %swap3A_639 {add = true, strides = array<i32>} : memref<96x128xf32, #tpu.memory_space<vmem>>, vector<1x16xf32>,
      }
      %scan3A_391 = arith.constant 96 : i32
      %mul3A_392 = arith.constant 96 : i32
      %mul3A_393 = arith.muli %add3A_299, %mul3A_392 : i32
      %add3A_394 = arith.addi %mul3A_2, %mul3A_393 : i32
      %multiple_of3A_395 = tpu.assume_multiple %add3A_394, 8 : i32
      %dma_start3A_396 = arith.constant 1 : i32
      %dma_start3A_397 = arith.constant 0 : i32
      %dma_start3A_398 = tpu.memref_slice %arg4[%dma_start3A_396, %multiple_of3A_395, %dma_start3A_397] : memref<4x49152x128xf32, #tpu.memory_space<hbm>> -> memref<1x96x128xf32, #tpu.memory_space<hbm>>
      %dma_start3A_399 = tpu.memref_squeeze %dma_start3A_398 : memref<1x96x128xf32, #tpu.memory_space<hbm>> -> memref<96x128xf32, #tpu.memory_space<hbm>>
      %dma_start3A_400 = arith.constant 0 : i32
      %dma_start3A_401 = tpu.memref_slice %arg4[%dma_start3A_396, %multiple_of3A_395, %dma_start3A_400] : memref<4x49152x128xf32, #tpu.memory_space<hbm>> -> memref<1x96x128xf32, #tpu.memory_space<hbm>>
      %dma_start3A_402 = tpu.memref_squeeze %dma_start3A_401 : memref<1x96x128xf32, #tpu.memory_space<hbm>> -> memref<96x128xf32, #tpu.memory_space<hbm>>
      tpu.enqueue_dma source(%arg12 : memref<96x128xf32, #tpu.memory_space<vmem>>) target(%dma_start3A_402 : memref<96x128xf32, #tpu.memory_space<hbm>>) target_semaphore(%arg22 : memref<!tpu.dma_semaphore, #tpu.memory_space<semaphore_mem>>)
      %sub3A_403 = arith.constant 1 : i32
      %sub3A_404 = arith.subi %add3A_299, %sub3A_403 : i32
      %mul3A_405 = arith.constant 96 : i32
      %mul3A_406 = arith.muli %sub3A_404, %mul3A_405 : i32
      %add3A_407 = arith.addi %mul3A_2, %mul3A_406 : i32
      %multiple_of3A_408 = tpu.assume_multiple %add3A_407, 8 : i32
      %dma_wait3A_409 = arith.constant 2 : i32
      %dma_wait3A_410 = arith.constant 0 : i32
      %dma_wait3A_411 = tpu.memref_slice %arg4[%dma_wait3A_409, %multiple_of3A_408, %dma_wait3A_410] : memref<4x49152x128xf32, #tpu.memory_space<hbm>> -> memref<1x96x128xf32, #tpu.memory_space<hbm>>
      %dma_wait3A_412 = tpu.memref_squeeze %dma_wait3A_411 : memref<1x96x128xf32, #tpu.memory_space<hbm>> -> memref<96x128xf32, #tpu.memory_space<hbm>>
      %dma_wait3A_413 = arith.constant 0 : i32
      %dma_wait3A_414 = tpu.memref_slice %arg4[%dma_wait3A_409, %multiple_of3A_408, %dma_wait3A_413] : memref<4x49152x128xf32, #tpu.memory_space<hbm>> -> memref<1x96x128xf32, #tpu.memory_space<hbm>>
      %dma_wait3A_415 = tpu.memref_squeeze %dma_wait3A_414 : memref<1x96x128xf32, #tpu.memory_space<hbm>> -> memref<96x128xf32, #tpu.memory_space<hbm>>
      tpu.wait_dma2 semaphore(%arg21 : memref<!tpu.dma_semaphore, #tpu.memory_space<semaphore_mem>>) src(%arg9 : memref<96x128xf32, #tpu.memory_space<vmem>>) dst(%dma_wait3A_415 : memref<96x128xf32, #tpu.memory_space<hbm>>)
      %lt3A_416 = arith.constant 7 : i32
      %lt3A_417 = arith.cmpi slt, %scan3A_92, %lt3A_416 : i32
      %convert_element_type3A_418 = arith.extui %lt3A_417 : i1 to i32
      %cond3A_419 = arith.constant 0 : i32
      %cond3A_420 = arith.cmpi ne, %convert_element_type3A_418, %cond3A_419 : i32
      scf.if %cond3A_420 {
        %add3A_495 = arith.constant 1 : i32
        %add3A_496 = arith.addi %add3A_299, %add3A_495 : i32
        %mul3A_497 = arith.constant 96 : i32
        %mul3A_498 = arith.muli %add3A_496, %mul3A_497 : i32
        %add3A_499 = arith.addi %mul3A_2, %mul3A_498 : i32
        %multiple_of3A_500 = tpu.assume_multiple %add3A_499, 8 : i32
        %dma_start3A_501 = arith.constant 2 : i32
        %dma_start3A_502 = arith.constant 0 : i32
        %dma_start3A_503 = tpu.memref_slice %arg2[%dma_start3A_501, %multiple_of3A_500, %dma_start3A_502] : memref<4x49152x128xf32, #tpu.memory_space<hbm>> -> memref<1x96x128xf32, #tpu.memory_space<hbm>>
        %dma_start3A_504 = tpu.memref_squeeze %dma_start3A_503 : memref<1x96x128xf32, #tpu.memory_space<hbm>> -> memref<96x128xf32, #tpu.memory_space<hbm>>
        %dma_start3A_505 = arith.constant 0 : i32
        %dma_start3A_506 = tpu.memref_slice %arg2[%dma_start3A_501, %multiple_of3A_500, %dma_start3A_505] : memref<4x49152x128xf32, #tpu.memory_space<hbm>> -> memref<1x96x128xf32, #tpu.memory_space<hbm>>
        %dma_start3A_507 = tpu.memref_squeeze %dma_start3A_506 : memref<1x96x128xf32, #tpu.memory_space<hbm>> -> memref<96x128xf32, #tpu.memory_space<hbm>>
        tpu.enqueue_dma source(%dma_start3A_507 : memref<96x128xf32, #tpu.memory_space<hbm>>) target(%arg9 : memref<96x128xf32, #tpu.memory_space<vmem>>) target_semaphore(%arg19 : memref<!tpu.dma_semaphore, #tpu.memory_space<semaphore_mem>>)
      } else {
      }
      %mul3A_421 = arith.constant 96 : i32
      %mul3A_422 = arith.muli %add3A_299, %mul3A_421 : i32
      %add3A_423 = arith.addi %mul3A_2, %mul3A_422 : i32
      %multiple_of3A_424 = tpu.assume_multiple %add3A_423, 8 : i32
      %dma_wait3A_425 = arith.constant 2 : i32
      %dma_wait3A_426 = arith.constant 0 : i32
      %dma_wait3A_427 = tpu.memref_slice %arg2[%dma_wait3A_425, %multiple_of3A_424, %dma_wait3A_426] : memref<4x49152x128xf32, #tpu.memory_space<hbm>> -> memref<1x96x128xf32, #tpu.memory_space<hbm>>
      %dma_wait3A_428 = tpu.memref_squeeze %dma_wait3A_427 : memref<1x96x128xf32, #tpu.memory_space<hbm>> -> memref<96x128xf32, #tpu.memory_space<hbm>>
      %dma_wait3A_429 = arith.constant 0 : i32
      %dma_wait3A_430 = tpu.memref_slice %arg2[%dma_wait3A_425, %multiple_of3A_424, %dma_wait3A_429] : memref<4x49152x128xf32, #tpu.memory_space<hbm>> -> memref<1x96x128xf32, #tpu.memory_space<hbm>>
      %dma_wait3A_431 = tpu.memref_squeeze %dma_wait3A_430 : memref<1x96x128xf32, #tpu.memory_space<hbm>> -> memref<96x128xf32, #tpu.memory_space<hbm>>
      tpu.wait_dma2 semaphore(%arg19 : memref<!tpu.dma_semaphore, #tpu.memory_space<semaphore_mem>>) src(%dma_wait3A_431 : memref<96x128xf32, #tpu.memory_space<hbm>>) dst(%arg13 : memref<96x128xf32, #tpu.memory_space<vmem>>)
      %scan3A_432 = arith.constant 0 : i32
      %scan3A_433 = arith.constant 0 : i32
      %scan3A_434 = arith.constant 96 : i32
      %scan3A_435 = arith.addi %scan3A_433, %scan3A_434 : i32
      %scan3A_436 = arith.constant 2 : i32
      scf.for %scan3A_495 = %scan3A_433 to %scan3A_435 step %scan3A_436  : i32 {
        %get3A = arith.index_cast %scan3A_495 : i32 to index
        %get3A_496 = arith.constant 0 : index
        %get3A_497 = tpu.vector_load %arg6[%get3A, %get3A_496] {strides = array<i32>} : memref<96x128xf32, #tpu.memory_space<vmem>>, vector<1x16xf32>,
        %get3A_498 = vector.shape_cast %get3A_497 : vector<1x16xf32> to vector<16xf32>
        %swap3A = arith.index_cast %scan3A_495 : i32 to index
        %swap3A_499 = arith.constant 0 : index
        %swap3A_500 = tpu.vector_load %arg13[%swap3A, %swap3A_499] {strides = array<i32>} : memref<96x128xf32, #tpu.memory_space<vmem>>, vector<1x16xf32>,
        %swap3A_501 = vector.shape_cast %swap3A_500 : vector<1x16xf32> to vector<16xf32>
        %swap3A_502 = vector.shape_cast %get3A_498 : vector<16xf32> to vector<1x16xf32>
        tpu.vector_store %arg13[%swap3A, %swap3A_499], %swap3A_502 {add = true, strides = array<i32>} : memref<96x128xf32, #tpu.memory_space<vmem>>, vector<1x16xf32>,
        %get3A_503 = arith.index_cast %scan3A_495 : i32 to index
        %get3A_504 = arith.constant 16 : index
        %get3A_505 = tpu.vector_load %arg6[%get3A_503, %get3A_504] {strides = array<i32>} : memref<96x128xf32, #tpu.memory_space<vmem>>, vector<1x16xf32>,
        %get3A_506 = vector.shape_cast %get3A_505 : vector<1x16xf32> to vector<16xf32>
        %swap3A_507 = arith.index_cast %scan3A_495 : i32 to index
        %swap3A_508 = arith.constant 16 : index
        %swap3A_509 = tpu.vector_load %arg13[%swap3A_507, %swap3A_508] {strides = array<i32>} : memref<96x128xf32, #tpu.memory_space<vmem>>, vector<1x16xf32>,
        %swap3A_510 = vector.shape_cast %swap3A_509 : vector<1x16xf32> to vector<16xf32>
        %swap3A_511 = vector.shape_cast %get3A_506 : vector<16xf32> to vector<1x16xf32>
        tpu.vector_store %arg13[%swap3A_507, %swap3A_508], %swap3A_511 {add = true, strides = array<i32>} : memref<96x128xf32, #tpu.memory_space<vmem>>, vector<1x16xf32>,
        %get3A_512 = arith.index_cast %scan3A_495 : i32 to index
        %get3A_513 = arith.constant 32 : index
        %get3A_514 = tpu.vector_load %arg6[%get3A_512, %get3A_513] {strides = array<i32>} : memref<96x128xf32, #tpu.memory_space<vmem>>, vector<1x16xf32>,
        %get3A_515 = vector.shape_cast %get3A_514 : vector<1x16xf32> to vector<16xf32>
        %swap3A_516 = arith.index_cast %scan3A_495 : i32 to index
        %swap3A_517 = arith.constant 32 : index
        %swap3A_518 = tpu.vector_load %arg13[%swap3A_516, %swap3A_517] {strides = array<i32>} : memref<96x128xf32, #tpu.memory_space<vmem>>, vector<1x16xf32>,
        %swap3A_519 = vector.shape_cast %swap3A_518 : vector<1x16xf32> to vector<16xf32>
        %swap3A_520 = vector.shape_cast %get3A_515 : vector<16xf32> to vector<1x16xf32>
        tpu.vector_store %arg13[%swap3A_516, %swap3A_517], %swap3A_520 {add = true, strides = array<i32>} : memref<96x128xf32, #tpu.memory_space<vmem>>, vector<1x16xf32>,
        %get3A_521 = arith.index_cast %scan3A_495 : i32 to index
        %get3A_522 = arith.constant 48 : index
        %get3A_523 = tpu.vector_load %arg6[%get3A_521, %get3A_522] {strides = array<i32>} : memref<96x128xf32, #tpu.memory_space<vmem>>, vector<1x16xf32>,
        %get3A_524 = vector.shape_cast %get3A_523 : vector<1x16xf32> to vector<16xf32>
        %swap3A_525 = arith.index_cast %scan3A_495 : i32 to index
        %swap3A_526 = arith.constant 48 : index
        %swap3A_527 = tpu.vector_load %arg13[%swap3A_525, %swap3A_526] {strides = array<i32>} : memref<96x128xf32, #tpu.memory_space<vmem>>, vector<1x16xf32>,
        %swap3A_528 = vector.shape_cast %swap3A_527 : vector<1x16xf32> to vector<16xf32>
        %swap3A_529 = vector.shape_cast %get3A_524 : vector<16xf32> to vector<1x16xf32>
        tpu.vector_store %arg13[%swap3A_525, %swap3A_526], %swap3A_529 {add = true, strides = array<i32>} : memref<96x128xf32, #tpu.memory_space<vmem>>, vector<1x16xf32>,
        %get3A_530 = arith.index_cast %scan3A_495 : i32 to index
        %get3A_531 = arith.constant 64 : index
        %get3A_532 = tpu.vector_load %arg6[%get3A_530, %get3A_531] {strides = array<i32>} : memref<96x128xf32, #tpu.memory_space<vmem>>, vector<1x16xf32>,
        %get3A_533 = vector.shape_cast %get3A_532 : vector<1x16xf32> to vector<16xf32>
        %swap3A_534 = arith.index_cast %scan3A_495 : i32 to index
        %swap3A_535 = arith.constant 64 : index
        %swap3A_536 = tpu.vector_load %arg13[%swap3A_534, %swap3A_535] {strides = array<i32>} : memref<96x128xf32, #tpu.memory_space<vmem>>, vector<1x16xf32>,
        %swap3A_537 = vector.shape_cast %swap3A_536 : vector<1x16xf32> to vector<16xf32>
        %swap3A_538 = vector.shape_cast %get3A_533 : vector<16xf32> to vector<1x16xf32>
        tpu.vector_store %arg13[%swap3A_534, %swap3A_535], %swap3A_538 {add = true, strides = array<i32>} : memref<96x128xf32, #tpu.memory_space<vmem>>, vector<1x16xf32>,
        %get3A_539 = arith.index_cast %scan3A_495 : i32 to index
        %get3A_540 = arith.constant 80 : index
        %get3A_541 = tpu.vector_load %arg6[%get3A_539, %get3A_540] {strides = array<i32>} : memref<96x128xf32, #tpu.memory_space<vmem>>, vector<1x16xf32>,
        %get3A_542 = vector.shape_cast %get3A_541 : vector<1x16xf32> to vector<16xf32>
        %swap3A_543 = arith.index_cast %scan3A_495 : i32 to index
        %swap3A_544 = arith.constant 80 : index
        %swap3A_545 = tpu.vector_load %arg13[%swap3A_543, %swap3A_544] {strides = array<i32>} : memref<96x128xf32, #tpu.memory_space<vmem>>, vector<1x16xf32>,
        %swap3A_546 = vector.shape_cast %swap3A_545 : vector<1x16xf32> to vector<16xf32>
        %swap3A_547 = vector.shape_cast %get3A_542 : vector<16xf32> to vector<1x16xf32>
        tpu.vector_store %arg13[%swap3A_543, %swap3A_544], %swap3A_547 {add = true, strides = array<i32>} : memref<96x128xf32, #tpu.memory_space<vmem>>, vector<1x16xf32>,
        %get3A_548 = arith.index_cast %scan3A_495 : i32 to index
        %get3A_549 = arith.constant 96 : index
        %get3A_550 = tpu.vector_load %arg6[%get3A_548, %get3A_549] {strides = array<i32>} : memref<96x128xf32, #tpu.memory_space<vmem>>, vector<1x16xf32>,
        %get3A_551 = vector.shape_cast %get3A_550 : vector<1x16xf32> to vector<16xf32>
        %swap3A_552 = arith.index_cast %scan3A_495 : i32 to index
        %swap3A_553 = arith.constant 96 : index
        %swap3A_554 = tpu.vector_load %arg13[%swap3A_552, %swap3A_553] {strides = array<i32>} : memref<96x128xf32, #tpu.memory_space<vmem>>, vector<1x16xf32>,
        %swap3A_555 = vector.shape_cast %swap3A_554 : vector<1x16xf32> to vector<16xf32>
        %swap3A_556 = vector.shape_cast %get3A_551 : vector<16xf32> to vector<1x16xf32>
        tpu.vector_store %arg13[%swap3A_552, %swap3A_553], %swap3A_556 {add = true, strides = array<i32>} : memref<96x128xf32, #tpu.memory_space<vmem>>, vector<1x16xf32>,
        %get3A_557 = arith.index_cast %scan3A_495 : i32 to index
        %get3A_558 = arith.constant 112 : index
        %get3A_559 = tpu.vector_load %arg6[%get3A_557, %get3A_558] {strides = array<i32>} : memref<96x128xf32, #tpu.memory_space<vmem>>, vector<1x16xf32>,
        %get3A_560 = vector.shape_cast %get3A_559 : vector<1x16xf32> to vector<16xf32>
        %swap3A_561 = arith.index_cast %scan3A_495 : i32 to index
        %swap3A_562 = arith.constant 112 : index
        %swap3A_563 = tpu.vector_load %arg13[%swap3A_561, %swap3A_562] {strides = array<i32>} : memref<96x128xf32, #tpu.memory_space<vmem>>, vector<1x16xf32>,
        %swap3A_564 = vector.shape_cast %swap3A_563 : vector<1x16xf32> to vector<16xf32>
        %swap3A_565 = vector.shape_cast %get3A_560 : vector<16xf32> to vector<1x16xf32>
        tpu.vector_store %arg13[%swap3A_561, %swap3A_562], %swap3A_565 {add = true, strides = array<i32>} : memref<96x128xf32, #tpu.memory_space<vmem>>, vector<1x16xf32>,
        %scan3A_566 = arith.constant 1 : i32
        %scan3A_567 = arith.addi %scan3A_495, %scan3A_566 : i32
        %get3A_568 = arith.index_cast %scan3A_567 : i32 to index
        %get3A_569 = arith.constant 0 : index
        %get3A_570 = tpu.vector_load %arg6[%get3A_568, %get3A_569] {strides = array<i32>} : memref<96x128xf32, #tpu.memory_space<vmem>>, vector<1x16xf32>,
        %get3A_571 = vector.shape_cast %get3A_570 : vector<1x16xf32> to vector<16xf32>
        %swap3A_572 = arith.index_cast %scan3A_567 : i32 to index
        %swap3A_573 = arith.constant 0 : index
        %swap3A_574 = tpu.vector_load %arg13[%swap3A_572, %swap3A_573] {strides = array<i32>} : memref<96x128xf32, #tpu.memory_space<vmem>>, vector<1x16xf32>,
        %swap3A_575 = vector.shape_cast %swap3A_574 : vector<1x16xf32> to vector<16xf32>
        %swap3A_576 = vector.shape_cast %get3A_571 : vector<16xf32> to vector<1x16xf32>
        tpu.vector_store %arg13[%swap3A_572, %swap3A_573], %swap3A_576 {add = true, strides = array<i32>} : memref<96x128xf32, #tpu.memory_space<vmem>>, vector<1x16xf32>,
        %get3A_577 = arith.index_cast %scan3A_567 : i32 to index
        %get3A_578 = arith.constant 16 : index
        %get3A_579 = tpu.vector_load %arg6[%get3A_577, %get3A_578] {strides = array<i32>} : memref<96x128xf32, #tpu.memory_space<vmem>>, vector<1x16xf32>,
        %get3A_580 = vector.shape_cast %get3A_579 : vector<1x16xf32> to vector<16xf32>
        %swap3A_581 = arith.index_cast %scan3A_567 : i32 to index
        %swap3A_582 = arith.constant 16 : index
        %swap3A_583 = tpu.vector_load %arg13[%swap3A_581, %swap3A_582] {strides = array<i32>} : memref<96x128xf32, #tpu.memory_space<vmem>>, vector<1x16xf32>,
        %swap3A_584 = vector.shape_cast %swap3A_583 : vector<1x16xf32> to vector<16xf32>
        %swap3A_585 = vector.shape_cast %get3A_580 : vector<16xf32> to vector<1x16xf32>
        tpu.vector_store %arg13[%swap3A_581, %swap3A_582], %swap3A_585 {add = true, strides = array<i32>} : memref<96x128xf32, #tpu.memory_space<vmem>>, vector<1x16xf32>,
        %get3A_586 = arith.index_cast %scan3A_567 : i32 to index
        %get3A_587 = arith.constant 32 : index
        %get3A_588 = tpu.vector_load %arg6[%get3A_586, %get3A_587] {strides = array<i32>} : memref<96x128xf32, #tpu.memory_space<vmem>>, vector<1x16xf32>,
        %get3A_589 = vector.shape_cast %get3A_588 : vector<1x16xf32> to vector<16xf32>
        %swap3A_590 = arith.index_cast %scan3A_567 : i32 to index
        %swap3A_591 = arith.constant 32 : index
        %swap3A_592 = tpu.vector_load %arg13[%swap3A_590, %swap3A_591] {strides = array<i32>} : memref<96x128xf32, #tpu.memory_space<vmem>>, vector<1x16xf32>,
        %swap3A_593 = vector.shape_cast %swap3A_592 : vector<1x16xf32> to vector<16xf32>
        %swap3A_594 = vector.shape_cast %get3A_589 : vector<16xf32> to vector<1x16xf32>
        tpu.vector_store %arg13[%swap3A_590, %swap3A_591], %swap3A_594 {add = true, strides = array<i32>} : memref<96x128xf32, #tpu.memory_space<vmem>>, vector<1x16xf32>,
        %get3A_595 = arith.index_cast %scan3A_567 : i32 to index
        %get3A_596 = arith.constant 48 : index
        %get3A_597 = tpu.vector_load %arg6[%get3A_595, %get3A_596] {strides = array<i32>} : memref<96x128xf32, #tpu.memory_space<vmem>>, vector<1x16xf32>,
        %get3A_598 = vector.shape_cast %get3A_597 : vector<1x16xf32> to vector<16xf32>
        %swap3A_599 = arith.index_cast %scan3A_567 : i32 to index
        %swap3A_600 = arith.constant 48 : index
        %swap3A_601 = tpu.vector_load %arg13[%swap3A_599, %swap3A_600] {strides = array<i32>} : memref<96x128xf32, #tpu.memory_space<vmem>>, vector<1x16xf32>,
        %swap3A_602 = vector.shape_cast %swap3A_601 : vector<1x16xf32> to vector<16xf32>
        %swap3A_603 = vector.shape_cast %get3A_598 : vector<16xf32> to vector<1x16xf32>
        tpu.vector_store %arg13[%swap3A_599, %swap3A_600], %swap3A_603 {add = true, strides = array<i32>} : memref<96x128xf32, #tpu.memory_space<vmem>>, vector<1x16xf32>,
        %get3A_604 = arith.index_cast %scan3A_567 : i32 to index
        %get3A_605 = arith.constant 64 : index
        %get3A_606 = tpu.vector_load %arg6[%get3A_604, %get3A_605] {strides = array<i32>} : memref<96x128xf32, #tpu.memory_space<vmem>>, vector<1x16xf32>,
        %get3A_607 = vector.shape_cast %get3A_606 : vector<1x16xf32> to vector<16xf32>
        %swap3A_608 = arith.index_cast %scan3A_567 : i32 to index
        %swap3A_609 = arith.constant 64 : index
        %swap3A_610 = tpu.vector_load %arg13[%swap3A_608, %swap3A_609] {strides = array<i32>} : memref<96x128xf32, #tpu.memory_space<vmem>>, vector<1x16xf32>,
        %swap3A_611 = vector.shape_cast %swap3A_610 : vector<1x16xf32> to vector<16xf32>
        %swap3A_612 = vector.shape_cast %get3A_607 : vector<16xf32> to vector<1x16xf32>
        tpu.vector_store %arg13[%swap3A_608, %swap3A_609], %swap3A_612 {add = true, strides = array<i32>} : memref<96x128xf32, #tpu.memory_space<vmem>>, vector<1x16xf32>,
        %get3A_613 = arith.index_cast %scan3A_567 : i32 to index
        %get3A_614 = arith.constant 80 : index
        %get3A_615 = tpu.vector_load %arg6[%get3A_613, %get3A_614] {strides = array<i32>} : memref<96x128xf32, #tpu.memory_space<vmem>>, vector<1x16xf32>,
        %get3A_616 = vector.shape_cast %get3A_615 : vector<1x16xf32> to vector<16xf32>
        %swap3A_617 = arith.index_cast %scan3A_567 : i32 to index
        %swap3A_618 = arith.constant 80 : index
        %swap3A_619 = tpu.vector_load %arg13[%swap3A_617, %swap3A_618] {strides = array<i32>} : memref<96x128xf32, #tpu.memory_space<vmem>>, vector<1x16xf32>,
        %swap3A_620 = vector.shape_cast %swap3A_619 : vector<1x16xf32> to vector<16xf32>
        %swap3A_621 = vector.shape_cast %get3A_616 : vector<16xf32> to vector<1x16xf32>
        tpu.vector_store %arg13[%swap3A_617, %swap3A_618], %swap3A_621 {add = true, strides = array<i32>} : memref<96x128xf32, #tpu.memory_space<vmem>>, vector<1x16xf32>,
        %get3A_622 = arith.index_cast %scan3A_567 : i32 to index
        %get3A_623 = arith.constant 96 : index
        %get3A_624 = tpu.vector_load %arg6[%get3A_622, %get3A_623] {strides = array<i32>} : memref<96x128xf32, #tpu.memory_space<vmem>>, vector<1x16xf32>,
        %get3A_625 = vector.shape_cast %get3A_624 : vector<1x16xf32> to vector<16xf32>
        %swap3A_626 = arith.index_cast %scan3A_567 : i32 to index
        %swap3A_627 = arith.constant 96 : index
        %swap3A_628 = tpu.vector_load %arg13[%swap3A_626, %swap3A_627] {strides = array<i32>} : memref<96x128xf32, #tpu.memory_space<vmem>>, vector<1x16xf32>,
        %swap3A_629 = vector.shape_cast %swap3A_628 : vector<1x16xf32> to vector<16xf32>
        %swap3A_630 = vector.shape_cast %get3A_625 : vector<16xf32> to vector<1x16xf32>
        tpu.vector_store %arg13[%swap3A_626, %swap3A_627], %swap3A_630 {add = true, strides = array<i32>} : memref<96x128xf32, #tpu.memory_space<vmem>>, vector<1x16xf32>,
        %get3A_631 = arith.index_cast %scan3A_567 : i32 to index
        %get3A_632 = arith.constant 112 : index
        %get3A_633 = tpu.vector_load %arg6[%get3A_631, %get3A_632] {strides = array<i32>} : memref<96x128xf32, #tpu.memory_space<vmem>>, vector<1x16xf32>,
        %get3A_634 = vector.shape_cast %get3A_633 : vector<1x16xf32> to vector<16xf32>
        %swap3A_635 = arith.index_cast %scan3A_567 : i32 to index
        %swap3A_636 = arith.constant 112 : index
        %swap3A_637 = tpu.vector_load %arg13[%swap3A_635, %swap3A_636] {strides = array<i32>} : memref<96x128xf32, #tpu.memory_space<vmem>>, vector<1x16xf32>,
        %swap3A_638 = vector.shape_cast %swap3A_637 : vector<1x16xf32> to vector<16xf32>
        %swap3A_639 = vector.shape_cast %get3A_634 : vector<16xf32> to vector<1x16xf32>
        tpu.vector_store %arg13[%swap3A_635, %swap3A_636], %swap3A_639 {add = true, strides = array<i32>} : memref<96x128xf32, #tpu.memory_space<vmem>>, vector<1x16xf32>,
      }
      %scan3A_437 = arith.constant 96 : i32
      %mul3A_438 = arith.constant 96 : i32
      %mul3A_439 = arith.muli %add3A_299, %mul3A_438 : i32
      %add3A_440 = arith.addi %mul3A_2, %mul3A_439 : i32
      %multiple_of3A_441 = tpu.assume_multiple %add3A_440, 8 : i32
      %dma_start3A_442 = arith.constant 2 : i32
      %dma_start3A_443 = arith.constant 0 : i32
      %dma_start3A_444 = tpu.memref_slice %arg4[%dma_start3A_442, %multiple_of3A_441, %dma_start3A_443] : memref<4x49152x128xf32, #tpu.memory_space<hbm>> -> memref<1x96x128xf32, #tpu.memory_space<hbm>>
      %dma_start3A_445 = tpu.memref_squeeze %dma_start3A_444 : memref<1x96x128xf32, #tpu.memory_space<hbm>> -> memref<96x128xf32, #tpu.memory_space<hbm>>
      %dma_start3A_446 = arith.constant 0 : i32
      %dma_start3A_447 = tpu.memref_slice %arg4[%dma_start3A_442, %multiple_of3A_441, %dma_start3A_446] : memref<4x49152x128xf32, #tpu.memory_space<hbm>> -> memref<1x96x128xf32, #tpu.memory_space<hbm>>
      %dma_start3A_448 = tpu.memref_squeeze %dma_start3A_447 : memref<1x96x128xf32, #tpu.memory_space<hbm>> -> memref<96x128xf32, #tpu.memory_space<hbm>>
      tpu.enqueue_dma source(%arg13 : memref<96x128xf32, #tpu.memory_space<vmem>>) target(%dma_start3A_448 : memref<96x128xf32, #tpu.memory_space<hbm>>) target_semaphore(%arg21 : memref<!tpu.dma_semaphore, #tpu.memory_space<semaphore_mem>>)
      %sub3A_449 = arith.constant 1 : i32
      %sub3A_450 = arith.subi %add3A_299, %sub3A_449 : i32
      %mul3A_451 = arith.constant 96 : i32
      %mul3A_452 = arith.muli %sub3A_450, %mul3A_451 : i32
      %add3A_453 = arith.addi %mul3A_2, %mul3A_452 : i32
      %multiple_of3A_454 = tpu.assume_multiple %add3A_453, 8 : i32
      %dma_wait3A_455 = arith.constant 3 : i32
      %dma_wait3A_456 = arith.constant 0 : i32
      %dma_wait3A_457 = tpu.memref_slice %arg4[%dma_wait3A_455, %multiple_of3A_454, %dma_wait3A_456] : memref<4x49152x128xf32, #tpu.memory_space<hbm>> -> memref<1x96x128xf32, #tpu.memory_space<hbm>>
      %dma_wait3A_458 = tpu.memref_squeeze %dma_wait3A_457 : memref<1x96x128xf32, #tpu.memory_space<hbm>> -> memref<96x128xf32, #tpu.memory_space<hbm>>
      %dma_wait3A_459 = arith.constant 0 : i32
      %dma_wait3A_460 = tpu.memref_slice %arg4[%dma_wait3A_455, %multiple_of3A_454, %dma_wait3A_459] : memref<4x49152x128xf32, #tpu.memory_space<hbm>> -> memref<1x96x128xf32, #tpu.memory_space<hbm>>
      %dma_wait3A_461 = tpu.memref_squeeze %dma_wait3A_460 : memref<1x96x128xf32, #tpu.memory_space<hbm>> -> memref<96x128xf32, #tpu.memory_space<hbm>>
      tpu.wait_dma2 semaphore(%arg22 : memref<!tpu.dma_semaphore, #tpu.memory_space<semaphore_mem>>) src(%arg10 : memref<96x128xf32, #tpu.memory_space<vmem>>) dst(%dma_wait3A_461 : memref<96x128xf32, #tpu.memory_space<hbm>>)
      %lt3A_462 = arith.constant 7 : i32
      %lt3A_463 = arith.cmpi slt, %scan3A_92, %lt3A_462 : i32
      %convert_element_type3A_464 = arith.extui %lt3A_463 : i1 to i32
      %cond3A_465 = arith.constant 0 : i32
      %cond3A_466 = arith.cmpi ne, %convert_element_type3A_464, %cond3A_465 : i32
      scf.if %cond3A_466 {
        %add3A_495 = arith.constant 1 : i32
        %add3A_496 = arith.addi %add3A_299, %add3A_495 : i32
        %mul3A_497 = arith.constant 96 : i32
        %mul3A_498 = arith.muli %add3A_496, %mul3A_497 : i32
        %add3A_499 = arith.addi %mul3A_2, %mul3A_498 : i32
        %multiple_of3A_500 = tpu.assume_multiple %add3A_499, 8 : i32
        %dma_start3A_501 = arith.constant 3 : i32
        %dma_start3A_502 = arith.constant 0 : i32
        %dma_start3A_503 = tpu.memref_slice %arg2[%dma_start3A_501, %multiple_of3A_500, %dma_start3A_502] : memref<4x49152x128xf32, #tpu.memory_space<hbm>> -> memref<1x96x128xf32, #tpu.memory_space<hbm>>
        %dma_start3A_504 = tpu.memref_squeeze %dma_start3A_503 : memref<1x96x128xf32, #tpu.memory_space<hbm>> -> memref<96x128xf32, #tpu.memory_space<hbm>>
        %dma_start3A_505 = arith.constant 0 : i32
        %dma_start3A_506 = tpu.memref_slice %arg2[%dma_start3A_501, %multiple_of3A_500, %dma_start3A_505] : memref<4x49152x128xf32, #tpu.memory_space<hbm>> -> memref<1x96x128xf32, #tpu.memory_space<hbm>>
        %dma_start3A_507 = tpu.memref_squeeze %dma_start3A_506 : memref<1x96x128xf32, #tpu.memory_space<hbm>> -> memref<96x128xf32, #tpu.memory_space<hbm>>
        tpu.enqueue_dma source(%dma_start3A_507 : memref<96x128xf32, #tpu.memory_space<hbm>>) target(%arg10 : memref<96x128xf32, #tpu.memory_space<vmem>>) target_semaphore(%arg20 : memref<!tpu.dma_semaphore, #tpu.memory_space<semaphore_mem>>)
      } else {
      }
      %mul3A_467 = arith.constant 96 : i32
      %mul3A_468 = arith.muli %add3A_299, %mul3A_467 : i32
      %add3A_469 = arith.addi %mul3A_2, %mul3A_468 : i32
      %multiple_of3A_470 = tpu.assume_multiple %add3A_469, 8 : i32
      %dma_wait3A_471 = arith.constant 3 : i32
      %dma_wait3A_472 = arith.constant 0 : i32
      %dma_wait3A_473 = tpu.memref_slice %arg2[%dma_wait3A_471, %multiple_of3A_470, %dma_wait3A_472] : memref<4x49152x128xf32, #tpu.memory_space<hbm>> -> memref<1x96x128xf32, #tpu.memory_space<hbm>>
      %dma_wait3A_474 = tpu.memref_squeeze %dma_wait3A_473 : memref<1x96x128xf32, #tpu.memory_space<hbm>> -> memref<96x128xf32, #tpu.memory_space<hbm>>
      %dma_wait3A_475 = arith.constant 0 : i32
      %dma_wait3A_476 = tpu.memref_slice %arg2[%dma_wait3A_471, %multiple_of3A_470, %dma_wait3A_475] : memref<4x49152x128xf32, #tpu.memory_space<hbm>> -> memref<1x96x128xf32, #tpu.memory_space<hbm>>
      %dma_wait3A_477 = tpu.memref_squeeze %dma_wait3A_476 : memref<1x96x128xf32, #tpu.memory_space<hbm>> -> memref<96x128xf32, #tpu.memory_space<hbm>>
      tpu.wait_dma2 semaphore(%arg20 : memref<!tpu.dma_semaphore, #tpu.memory_space<semaphore_mem>>) src(%dma_wait3A_477 : memref<96x128xf32, #tpu.memory_space<hbm>>) dst(%arg14 : memref<96x128xf32, #tpu.memory_space<vmem>>)
      %scan3A_478 = arith.constant 0 : i32
      %scan3A_479 = arith.constant 0 : i32
      %scan3A_480 = arith.constant 96 : i32
      %scan3A_481 = arith.addi %scan3A_479, %scan3A_480 : i32
      %scan3A_482 = arith.constant 2 : i32
      scf.for %scan3A_495 = %scan3A_479 to %scan3A_481 step %scan3A_482  : i32 {
        %get3A = arith.index_cast %scan3A_495 : i32 to index
        %get3A_496 = arith.constant 0 : index
        %get3A_497 = tpu.vector_load %arg6[%get3A, %get3A_496] {strides = array<i32>} : memref<96x128xf32, #tpu.memory_space<vmem>>, vector<1x16xf32>,
        %get3A_498 = vector.shape_cast %get3A_497 : vector<1x16xf32> to vector<16xf32>
        %swap3A = arith.index_cast %scan3A_495 : i32 to index
        %swap3A_499 = arith.constant 0 : index
        %swap3A_500 = tpu.vector_load %arg14[%swap3A, %swap3A_499] {strides = array<i32>} : memref<96x128xf32, #tpu.memory_space<vmem>>, vector<1x16xf32>,
        %swap3A_501 = vector.shape_cast %swap3A_500 : vector<1x16xf32> to vector<16xf32>
        %swap3A_502 = vector.shape_cast %get3A_498 : vector<16xf32> to vector<1x16xf32>
        tpu.vector_store %arg14[%swap3A, %swap3A_499], %swap3A_502 {add = true, strides = array<i32>} : memref<96x128xf32, #tpu.memory_space<vmem>>, vector<1x16xf32>,
        %get3A_503 = arith.index_cast %scan3A_495 : i32 to index
        %get3A_504 = arith.constant 16 : index
        %get3A_505 = tpu.vector_load %arg6[%get3A_503, %get3A_504] {strides = array<i32>} : memref<96x128xf32, #tpu.memory_space<vmem>>, vector<1x16xf32>,
        %get3A_506 = vector.shape_cast %get3A_505 : vector<1x16xf32> to vector<16xf32>
        %swap3A_507 = arith.index_cast %scan3A_495 : i32 to index
        %swap3A_508 = arith.constant 16 : index
        %swap3A_509 = tpu.vector_load %arg14[%swap3A_507, %swap3A_508] {strides = array<i32>} : memref<96x128xf32, #tpu.memory_space<vmem>>, vector<1x16xf32>,
        %swap3A_510 = vector.shape_cast %swap3A_509 : vector<1x16xf32> to vector<16xf32>
        %swap3A_511 = vector.shape_cast %get3A_506 : vector<16xf32> to vector<1x16xf32>
        tpu.vector_store %arg14[%swap3A_507, %swap3A_508], %swap3A_511 {add = true, strides = array<i32>} : memref<96x128xf32, #tpu.memory_space<vmem>>, vector<1x16xf32>,
        %get3A_512 = arith.index_cast %scan3A_495 : i32 to index
        %get3A_513 = arith.constant 32 : index
        %get3A_514 = tpu.vector_load %arg6[%get3A_512, %get3A_513] {strides = array<i32>} : memref<96x128xf32, #tpu.memory_space<vmem>>, vector<1x16xf32>,
        %get3A_515 = vector.shape_cast %get3A_514 : vector<1x16xf32> to vector<16xf32>
        %swap3A_516 = arith.index_cast %scan3A_495 : i32 to index
        %swap3A_517 = arith.constant 32 : index
        %swap3A_518 = tpu.vector_load %arg14[%swap3A_516, %swap3A_517] {strides = array<i32>} : memref<96x128xf32, #tpu.memory_space<vmem>>, vector<1x16xf32>,
        %swap3A_519 = vector.shape_cast %swap3A_518 : vector<1x16xf32> to vector<16xf32>
        %swap3A_520 = vector.shape_cast %get3A_515 : vector<16xf32> to vector<1x16xf32>
        tpu.vector_store %arg14[%swap3A_516, %swap3A_517], %swap3A_520 {add = true, strides = array<i32>} : memref<96x128xf32, #tpu.memory_space<vmem>>, vector<1x16xf32>,
        %get3A_521 = arith.index_cast %scan3A_495 : i32 to index
        %get3A_522 = arith.constant 48 : index
        %get3A_523 = tpu.vector_load %arg6[%get3A_521, %get3A_522] {strides = array<i32>} : memref<96x128xf32, #tpu.memory_space<vmem>>, vector<1x16xf32>,
        %get3A_524 = vector.shape_cast %get3A_523 : vector<1x16xf32> to vector<16xf32>
        %swap3A_525 = arith.index_cast %scan3A_495 : i32 to index
        %swap3A_526 = arith.constant 48 : index
        %swap3A_527 = tpu.vector_load %arg14[%swap3A_525, %swap3A_526] {strides = array<i32>} : memref<96x128xf32, #tpu.memory_space<vmem>>, vector<1x16xf32>,
        %swap3A_528 = vector.shape_cast %swap3A_527 : vector<1x16xf32> to vector<16xf32>
        %swap3A_529 = vector.shape_cast %get3A_524 : vector<16xf32> to vector<1x16xf32>
        tpu.vector_store %arg14[%swap3A_525, %swap3A_526], %swap3A_529 {add = true, strides = array<i32>} : memref<96x128xf32, #tpu.memory_space<vmem>>, vector<1x16xf32>,
        %get3A_530 = arith.index_cast %scan3A_495 : i32 to index
        %get3A_531 = arith.constant 64 : index
        %get3A_532 = tpu.vector_load %arg6[%get3A_530, %get3A_531] {strides = array<i32>} : memref<96x128xf32, #tpu.memory_space<vmem>>, vector<1x16xf32>,
        %get3A_533 = vector.shape_cast %get3A_532 : vector<1x16xf32> to vector<16xf32>
        %swap3A_534 = arith.index_cast %scan3A_495 : i32 to index
        %swap3A_535 = arith.constant 64 : index
        %swap3A_536 = tpu.vector_load %arg14[%swap3A_534, %swap3A_535] {strides = array<i32>} : memref<96x128xf32, #tpu.memory_space<vmem>>, vector<1x16xf32>,
        %swap3A_537 = vector.shape_cast %swap3A_536 : vector<1x16xf32> to vector<16xf32>
        %swap3A_538 = vector.shape_cast %get3A_533 : vector<16xf32> to vector<1x16xf32>
        tpu.vector_store %arg14[%swap3A_534, %swap3A_535], %swap3A_538 {add = true, strides = array<i32>} : memref<96x128xf32, #tpu.memory_space<vmem>>, vector<1x16xf32>,
        %get3A_539 = arith.index_cast %scan3A_495 : i32 to index
        %get3A_540 = arith.constant 80 : index
        %get3A_541 = tpu.vector_load %arg6[%get3A_539, %get3A_540] {strides = array<i32>} : memref<96x128xf32, #tpu.memory_space<vmem>>, vector<1x16xf32>,
        %get3A_542 = vector.shape_cast %get3A_541 : vector<1x16xf32> to vector<16xf32>
        %swap3A_543 = arith.index_cast %scan3A_495 : i32 to index
        %swap3A_544 = arith.constant 80 : index
        %swap3A_545 = tpu.vector_load %arg14[%swap3A_543, %swap3A_544] {strides = array<i32>} : memref<96x128xf32, #tpu.memory_space<vmem>>, vector<1x16xf32>,
        %swap3A_546 = vector.shape_cast %swap3A_545 : vector<1x16xf32> to vector<16xf32>
        %swap3A_547 = vector.shape_cast %get3A_542 : vector<16xf32> to vector<1x16xf32>
        tpu.vector_store %arg14[%swap3A_543, %swap3A_544], %swap3A_547 {add = true, strides = array<i32>} : memref<96x128xf32, #tpu.memory_space<vmem>>, vector<1x16xf32>,
        %get3A_548 = arith.index_cast %scan3A_495 : i32 to index
        %get3A_549 = arith.constant 96 : index
        %get3A_550 = tpu.vector_load %arg6[%get3A_548, %get3A_549] {strides = array<i32>} : memref<96x128xf32, #tpu.memory_space<vmem>>, vector<1x16xf32>,
        %get3A_551 = vector.shape_cast %get3A_550 : vector<1x16xf32> to vector<16xf32>
        %swap3A_552 = arith.index_cast %scan3A_495 : i32 to index
        %swap3A_553 = arith.constant 96 : index
        %swap3A_554 = tpu.vector_load %arg14[%swap3A_552, %swap3A_553] {strides = array<i32>} : memref<96x128xf32, #tpu.memory_space<vmem>>, vector<1x16xf32>,
        %swap3A_555 = vector.shape_cast %swap3A_554 : vector<1x16xf32> to vector<16xf32>
        %swap3A_556 = vector.shape_cast %get3A_551 : vector<16xf32> to vector<1x16xf32>
        tpu.vector_store %arg14[%swap3A_552, %swap3A_553], %swap3A_556 {add = true, strides = array<i32>} : memref<96x128xf32, #tpu.memory_space<vmem>>, vector<1x16xf32>,
        %get3A_557 = arith.index_cast %scan3A_495 : i32 to index
        %get3A_558 = arith.constant 112 : index
        %get3A_559 = tpu.vector_load %arg6[%get3A_557, %get3A_558] {strides = array<i32>} : memref<96x128xf32, #tpu.memory_space<vmem>>, vector<1x16xf32>,
        %get3A_560 = vector.shape_cast %get3A_559 : vector<1x16xf32> to vector<16xf32>
        %swap3A_561 = arith.index_cast %scan3A_495 : i32 to index
        %swap3A_562 = arith.constant 112 : index
        %swap3A_563 = tpu.vector_load %arg14[%swap3A_561, %swap3A_562] {strides = array<i32>} : memref<96x128xf32, #tpu.memory_space<vmem>>, vector<1x16xf32>,
        %swap3A_564 = vector.shape_cast %swap3A_563 : vector<1x16xf32> to vector<16xf32>
        %swap3A_565 = vector.shape_cast %get3A_560 : vector<16xf32> to vector<1x16xf32>
        tpu.vector_store %arg14[%swap3A_561, %swap3A_562], %swap3A_565 {add = true, strides = array<i32>} : memref<96x128xf32, #tpu.memory_space<vmem>>, vector<1x16xf32>,
        %scan3A_566 = arith.constant 1 : i32
        %scan3A_567 = arith.addi %scan3A_495, %scan3A_566 : i32
        %get3A_568 = arith.index_cast %scan3A_567 : i32 to index
        %get3A_569 = arith.constant 0 : index
        %get3A_570 = tpu.vector_load %arg6[%get3A_568, %get3A_569] {strides = array<i32>} : memref<96x128xf32, #tpu.memory_space<vmem>>, vector<1x16xf32>,
        %get3A_571 = vector.shape_cast %get3A_570 : vector<1x16xf32> to vector<16xf32>
        %swap3A_572 = arith.index_cast %scan3A_567 : i32 to index
        %swap3A_573 = arith.constant 0 : index
        %swap3A_574 = tpu.vector_load %arg14[%swap3A_572, %swap3A_573] {strides = array<i32>} : memref<96x128xf32, #tpu.memory_space<vmem>>, vector<1x16xf32>,
        %swap3A_575 = vector.shape_cast %swap3A_574 : vector<1x16xf32> to vector<16xf32>
        %swap3A_576 = vector.shape_cast %get3A_571 : vector<16xf32> to vector<1x16xf32>
        tpu.vector_store %arg14[%swap3A_572, %swap3A_573], %swap3A_576 {add = true, strides = array<i32>} : memref<96x128xf32, #tpu.memory_space<vmem>>, vector<1x16xf32>,
        %get3A_577 = arith.index_cast %scan3A_567 : i32 to index
        %get3A_578 = arith.constant 16 : index
        %get3A_579 = tpu.vector_load %arg6[%get3A_577, %get3A_578] {strides = array<i32>} : memref<96x128xf32, #tpu.memory_space<vmem>>, vector<1x16xf32>,
        %get3A_580 = vector.shape_cast %get3A_579 : vector<1x16xf32> to vector<16xf32>
        %swap3A_581 = arith.index_cast %scan3A_567 : i32 to index
        %swap3A_582 = arith.constant 16 : index
        %swap3A_583 = tpu.vector_load %arg14[%swap3A_581, %swap3A_582] {strides = array<i32>} : memref<96x128xf32, #tpu.memory_space<vmem>>, vector<1x16xf32>,
        %swap3A_584 = vector.shape_cast %swap3A_583 : vector<1x16xf32> to vector<16xf32>
        %swap3A_585 = vector.shape_cast %get3A_580 : vector<16xf32> to vector<1x16xf32>
        tpu.vector_store %arg14[%swap3A_581, %swap3A_582], %swap3A_585 {add = true, strides = array<i32>} : memref<96x128xf32, #tpu.memory_space<vmem>>, vector<1x16xf32>,
        %get3A_586 = arith.index_cast %scan3A_567 : i32 to index
        %get3A_587 = arith.constant 32 : index
        %get3A_588 = tpu.vector_load %arg6[%get3A_586, %get3A_587] {strides = array<i32>} : memref<96x128xf32, #tpu.memory_space<vmem>>, vector<1x16xf32>,
        %get3A_589 = vector.shape_cast %get3A_588 : vector<1x16xf32> to vector<16xf32>
        %swap3A_590 = arith.index_cast %scan3A_567 : i32 to index
        %swap3A_591 = arith.constant 32 : index
        %swap3A_592 = tpu.vector_load %arg14[%swap3A_590, %swap3A_591] {strides = array<i32>} : memref<96x128xf32, #tpu.memory_space<vmem>>, vector<1x16xf32>,
        %swap3A_593 = vector.shape_cast %swap3A_592 : vector<1x16xf32> to vector<16xf32>
        %swap3A_594 = vector.shape_cast %get3A_589 : vector<16xf32> to vector<1x16xf32>
        tpu.vector_store %arg14[%swap3A_590, %swap3A_591], %swap3A_594 {add = true, strides = array<i32>} : memref<96x128xf32, #tpu.memory_space<vmem>>, vector<1x16xf32>,
        %get3A_595 = arith.index_cast %scan3A_567 : i32 to index
        %get3A_596 = arith.constant 48 : index
        %get3A_597 = tpu.vector_load %arg6[%get3A_595, %get3A_596] {strides = array<i32>} : memref<96x128xf32, #tpu.memory_space<vmem>>, vector<1x16xf32>,
        %get3A_598 = vector.shape_cast %get3A_597 : vector<1x16xf32> to vector<16xf32>
        %swap3A_599 = arith.index_cast %scan3A_567 : i32 to index
        %swap3A_600 = arith.constant 48 : index
        %swap3A_601 = tpu.vector_load %arg14[%swap3A_599, %swap3A_600] {strides = array<i32>} : memref<96x128xf32, #tpu.memory_space<vmem>>, vector<1x16xf32>,
        %swap3A_602 = vector.shape_cast %swap3A_601 : vector<1x16xf32> to vector<16xf32>
        %swap3A_603 = vector.shape_cast %get3A_598 : vector<16xf32> to vector<1x16xf32>
        tpu.vector_store %arg14[%swap3A_599, %swap3A_600], %swap3A_603 {add = true, strides = array<i32>} : memref<96x128xf32, #tpu.memory_space<vmem>>, vector<1x16xf32>,
        %get3A_604 = arith.index_cast %scan3A_567 : i32 to index
        %get3A_605 = arith.constant 64 : index
        %get3A_606 = tpu.vector_load %arg6[%get3A_604, %get3A_605] {strides = array<i32>} : memref<96x128xf32, #tpu.memory_space<vmem>>, vector<1x16xf32>,
        %get3A_607 = vector.shape_cast %get3A_606 : vector<1x16xf32> to vector<16xf32>
        %swap3A_608 = arith.index_cast %scan3A_567 : i32 to index
        %swap3A_609 = arith.constant 64 : index
        %swap3A_610 = tpu.vector_load %arg14[%swap3A_608, %swap3A_609] {strides = array<i32>} : memref<96x128xf32, #tpu.memory_space<vmem>>, vector<1x16xf32>,
        %swap3A_611 = vector.shape_cast %swap3A_610 : vector<1x16xf32> to vector<16xf32>
        %swap3A_612 = vector.shape_cast %get3A_607 : vector<16xf32> to vector<1x16xf32>
        tpu.vector_store %arg14[%swap3A_608, %swap3A_609], %swap3A_612 {add = true, strides = array<i32>} : memref<96x128xf32, #tpu.memory_space<vmem>>, vector<1x16xf32>,
        %get3A_613 = arith.index_cast %scan3A_567 : i32 to index
        %get3A_614 = arith.constant 80 : index
        %get3A_615 = tpu.vector_load %arg6[%get3A_613, %get3A_614] {strides = array<i32>} : memref<96x128xf32, #tpu.memory_space<vmem>>, vector<1x16xf32>,
        %get3A_616 = vector.shape_cast %get3A_615 : vector<1x16xf32> to vector<16xf32>
        %swap3A_617 = arith.index_cast %scan3A_567 : i32 to index
        %swap3A_618 = arith.constant 80 : index
        %swap3A_619 = tpu.vector_load %arg14[%swap3A_617, %swap3A_618] {strides = array<i32>} : memref<96x128xf32, #tpu.memory_space<vmem>>, vector<1x16xf32>,
        %swap3A_620 = vector.shape_cast %swap3A_619 : vector<1x16xf32> to vector<16xf32>
        %swap3A_621 = vector.shape_cast %get3A_616 : vector<16xf32> to vector<1x16xf32>
        tpu.vector_store %arg14[%swap3A_617, %swap3A_618], %swap3A_621 {add = true, strides = array<i32>} : memref<96x128xf32, #tpu.memory_space<vmem>>, vector<1x16xf32>,
        %get3A_622 = arith.index_cast %scan3A_567 : i32 to index
        %get3A_623 = arith.constant 96 : index
        %get3A_624 = tpu.vector_load %arg6[%get3A_622, %get3A_623] {strides = array<i32>} : memref<96x128xf32, #tpu.memory_space<vmem>>, vector<1x16xf32>,
        %get3A_625 = vector.shape_cast %get3A_624 : vector<1x16xf32> to vector<16xf32>
        %swap3A_626 = arith.index_cast %scan3A_567 : i32 to index
        %swap3A_627 = arith.constant 96 : index
        %swap3A_628 = tpu.vector_load %arg14[%swap3A_626, %swap3A_627] {strides = array<i32>} : memref<96x128xf32, #tpu.memory_space<vmem>>, vector<1x16xf32>,
        %swap3A_629 = vector.shape_cast %swap3A_628 : vector<1x16xf32> to vector<16xf32>
        %swap3A_630 = vector.shape_cast %get3A_625 : vector<16xf32> to vector<1x16xf32>
        tpu.vector_store %arg14[%swap3A_626, %swap3A_627], %swap3A_630 {add = true, strides = array<i32>} : memref<96x128xf32, #tpu.memory_space<vmem>>, vector<1x16xf32>,
        %get3A_631 = arith.index_cast %scan3A_567 : i32 to index
        %get3A_632 = arith.constant 112 : index
        %get3A_633 = tpu.vector_load %arg6[%get3A_631, %get3A_632] {strides = array<i32>} : memref<96x128xf32, #tpu.memory_space<vmem>>, vector<1x16xf32>,
        %get3A_634 = vector.shape_cast %get3A_633 : vector<1x16xf32> to vector<16xf32>
        %swap3A_635 = arith.index_cast %scan3A_567 : i32 to index
        %swap3A_636 = arith.constant 112 : index
        %swap3A_637 = tpu.vector_load %arg14[%swap3A_635, %swap3A_636] {strides = array<i32>} : memref<96x128xf32, #tpu.memory_space<vmem>>, vector<1x16xf32>,
        %swap3A_638 = vector.shape_cast %swap3A_637 : vector<1x16xf32> to vector<16xf32>
        %swap3A_639 = vector.shape_cast %get3A_634 : vector<16xf32> to vector<1x16xf32>
        tpu.vector_store %arg14[%swap3A_635, %swap3A_636], %swap3A_639 {add = true, strides = array<i32>} : memref<96x128xf32, #tpu.memory_space<vmem>>, vector<1x16xf32>,
      }
      %scan3A_483 = arith.constant 96 : i32
      %mul3A_484 = arith.constant 96 : i32
      %mul3A_485 = arith.muli %add3A_299, %mul3A_484 : i32
      %add3A_486 = arith.addi %mul3A_2, %mul3A_485 : i32
      %multiple_of3A_487 = tpu.assume_multiple %add3A_486, 8 : i32
      %dma_start3A_488 = arith.constant 3 : i32
      %dma_start3A_489 = arith.constant 0 : i32
      %dma_start3A_490 = tpu.memref_slice %arg4[%dma_start3A_488, %multiple_of3A_487, %dma_start3A_489] : memref<4x49152x128xf32, #tpu.memory_space<hbm>> -> memref<1x96x128xf32, #tpu.memory_space<hbm>>
      %dma_start3A_491 = tpu.memref_squeeze %dma_start3A_490 : memref<1x96x128xf32, #tpu.memory_space<hbm>> -> memref<96x128xf32, #tpu.memory_space<hbm>>
      %dma_start3A_492 = arith.constant 0 : i32
      %dma_start3A_493 = tpu.memref_slice %arg4[%dma_start3A_488, %multiple_of3A_487, %dma_start3A_492] : memref<4x49152x128xf32, #tpu.memory_space<hbm>> -> memref<1x96x128xf32, #tpu.memory_space<hbm>>
      %dma_start3A_494 = tpu.memref_squeeze %dma_start3A_493 : memref<1x96x128xf32, #tpu.memory_space<hbm>> -> memref<96x128xf32, #tpu.memory_space<hbm>>
      tpu.enqueue_dma source(%arg14 : memref<96x128xf32, #tpu.memory_space<vmem>>) target(%dma_start3A_494 : memref<96x128xf32, #tpu.memory_space<hbm>>) target_semaphore(%arg22 : memref<!tpu.dma_semaphore, #tpu.memory_space<semaphore_mem>>)
    }
    %scan3A_52 = arith.constant 8 : i32
    %add3A_53 = arith.constant 1440 : i32
    %add3A_54 = arith.addi %mul3A_2, %add3A_53 : i32
    %multiple_of3A_55 = tpu.assume_multiple %add3A_54, 8 : i32
    %dma_wait3A = arith.constant 0 : i32
    %dma_wait3A_56 = arith.constant 0 : i32
    %dma_wait3A_57 = tpu.memref_slice %arg4[%dma_wait3A, %multiple_of3A_55, %dma_wait3A_56] : memref<4x49152x128xf32, #tpu.memory_space<hbm>> -> memref<1x96x128xf32, #tpu.memory_space<hbm>>
    %dma_wait3A_58 = tpu.memref_squeeze %dma_wait3A_57 : memref<1x96x128xf32, #tpu.memory_space<hbm>> -> memref<96x128xf32, #tpu.memory_space<hbm>>
    %dma_wait3A_59 = arith.constant 0 : i32
    %dma_wait3A_60 = tpu.memref_slice %arg4[%dma_wait3A, %multiple_of3A_55, %dma_wait3A_59] : memref<4x49152x128xf32, #tpu.memory_space<hbm>> -> memref<1x96x128xf32, #tpu.memory_space<hbm>>
    %dma_wait3A_61 = tpu.memref_squeeze %dma_wait3A_60 : memref<1x96x128xf32, #tpu.memory_space<hbm>> -> memref<96x128xf32, #tpu.memory_space<hbm>>
    tpu.wait_dma2 semaphore(%arg21 : memref<!tpu.dma_semaphore, #tpu.memory_space<semaphore_mem>>) src(%arg11 : memref<96x128xf32, #tpu.memory_space<vmem>>) dst(%dma_wait3A_61 : memref<96x128xf32, #tpu.memory_space<hbm>>)
    %add3A_62 = arith.constant 1440 : i32
    %add3A_63 = arith.addi %mul3A_2, %add3A_62 : i32
    %multiple_of3A_64 = tpu.assume_multiple %add3A_63, 8 : i32
    %dma_wait3A_65 = arith.constant 1 : i32
    %dma_wait3A_66 = arith.constant 0 : i32
    %dma_wait3A_67 = tpu.memref_slice %arg4[%dma_wait3A_65, %multiple_of3A_64, %dma_wait3A_66] : memref<4x49152x128xf32, #tpu.memory_space<hbm>> -> memref<1x96x128xf32, #tpu.memory_space<hbm>>
    %dma_wait3A_68 = tpu.memref_squeeze %dma_wait3A_67 : memref<1x96x128xf32, #tpu.memory_space<hbm>> -> memref<96x128xf32, #tpu.memory_space<hbm>>
    %dma_wait3A_69 = arith.constant 0 : i32
    %dma_wait3A_70 = tpu.memref_slice %arg4[%dma_wait3A_65, %multiple_of3A_64, %dma_wait3A_69] : memref<4x49152x128xf32, #tpu.memory_space<hbm>> -> memref<1x96x128xf32, #tpu.memory_space<hbm>>
    %dma_wait3A_71 = tpu.memref_squeeze %dma_wait3A_70 : memref<1x96x128xf32, #tpu.memory_space<hbm>> -> memref<96x128xf32, #tpu.memory_space<hbm>>
    tpu.wait_dma2 semaphore(%arg22 : memref<!tpu.dma_semaphore, #tpu.memory_space<semaphore_mem>>) src(%arg12 : memref<96x128xf32, #tpu.memory_space<vmem>>) dst(%dma_wait3A_71 : memref<96x128xf32, #tpu.memory_space<hbm>>)
    %add3A_72 = arith.constant 1440 : i32
    %add3A_73 = arith.addi %mul3A_2, %add3A_72 : i32
    %multiple_of3A_74 = tpu.assume_multiple %add3A_73, 8 : i32
    %dma_wait3A_75 = arith.constant 2 : i32
    %dma_wait3A_76 = arith.constant 0 : i32
    %dma_wait3A_77 = tpu.memref_slice %arg4[%dma_wait3A_75, %multiple_of3A_74, %dma_wait3A_76] : memref<4x49152x128xf32, #tpu.memory_space<hbm>> -> memref<1x96x128xf32, #tpu.memory_space<hbm>>
    %dma_wait3A_78 = tpu.memref_squeeze %dma_wait3A_77 : memref<1x96x128xf32, #tpu.memory_space<hbm>> -> memref<96x128xf32, #tpu.memory_space<hbm>>
    %dma_wait3A_79 = arith.constant 0 : i32
    %dma_wait3A_80 = tpu.memref_slice %arg4[%dma_wait3A_75, %multiple_of3A_74, %dma_wait3A_79] : memref<4x49152x128xf32, #tpu.memory_space<hbm>> -> memref<1x96x128xf32, #tpu.memory_space<hbm>>
    %dma_wait3A_81 = tpu.memref_squeeze %dma_wait3A_80 : memref<1x96x128xf32, #tpu.memory_space<hbm>> -> memref<96x128xf32, #tpu.memory_space<hbm>>
    tpu.wait_dma2 semaphore(%arg21 : memref<!tpu.dma_semaphore, #tpu.memory_space<semaphore_mem>>) src(%arg13 : memref<96x128xf32, #tpu.memory_space<vmem>>) dst(%dma_wait3A_81 : memref<96x128xf32, #tpu.memory_space<hbm>>)
    %add3A_82 = arith.constant 1440 : i32
    %add3A_83 = arith.addi %mul3A_2, %add3A_82 : i32
    %multiple_of3A_84 = tpu.assume_multiple %add3A_83, 8 : i32
    %dma_wait3A_85 = arith.constant 3 : i32
    %dma_wait3A_86 = arith.constant 0 : i32
    %dma_wait3A_87 = tpu.memref_slice %arg4[%dma_wait3A_85, %multiple_of3A_84, %dma_wait3A_86] : memref<4x49152x128xf32, #tpu.memory_space<hbm>> -> memref<1x96x128xf32, #tpu.memory_space<hbm>>
    %dma_wait3A_88 = tpu.memref_squeeze %dma_wait3A_87 : memref<1x96x128xf32, #tpu.memory_space<hbm>> -> memref<96x128xf32, #tpu.memory_space<hbm>>
    %dma_wait3A_89 = arith.constant 0 : i32
    %dma_wait3A_90 = tpu.memref_slice %arg4[%dma_wait3A_85, %multiple_of3A_84, %dma_wait3A_89] : memref<4x49152x128xf32, #tpu.memory_space<hbm>> -> memref<1x96x128xf32, #tpu.memory_space<hbm>>
    %dma_wait3A_91 = tpu.memref_squeeze %dma_wait3A_90 : memref<1x96x128xf32, #tpu.memory_space<hbm>> -> memref<96x128xf32, #tpu.memory_space<hbm>>
    tpu.wait_dma2 semaphore(%arg22 : memref<!tpu.dma_semaphore, #tpu.memory_space<semaphore_mem>>) src(%arg14 : memref<96x128xf32, #tpu.memory_space<vmem>>) dst(%dma_wait3A_91 : memref<96x128xf32, #tpu.memory_space<hbm>>)
    return
  }
}

</mosaic_0001>

<sc_bundles>
// kernel: kernel.3.cloned.1.call-start
scs
__scs_entry_jumppad:
0x0: {  	(pc) =	sbr.rel $0x88, $3  }
0x1: {  	(tag) =	ssettag $0x0;
	lr =	simm.s32 $0x1  }
0x2: {  	[smem:$0x3F9F] =	sst lr;
	_ =	strace $0xD0000000  }
0x3: {  	_ = 	snop  }
0x4: {  	_ = 	snop  }
0x5: {  	_ = 	snop  }
0x6: {  	_ = 	snop  }
0x7: {  	_ = 	snop  }
__scs_overlays_trampoline_lowered:
0x8: {  	[smem:$0x3FAE] =	sst s0  }
0x9: {  	[smem:$0x3FAF] =	sst s1  }
0xa: {  	[smem:$0x3FB0] =	sst s2  }
0xb: {  	[smem:$0x3FB1] =	sst s3  }
0xc: {  	[smem:$0x3FB2] =	sst s4  }
0xd: {  	[smem:$0x3FB3] =	sst s5  }
0xe: {  	[smem:$0x3FB4] =	sst s6  }
0xf: {  	[smem:$0x3FB5] =	sst s7  }
0x10: {  	[smem:$0x3FB6] =	sst s8  }
0x11: {  	[smem:$0x3FB7] =	sst s9;
	s0 =	simm.s32 @!p0 $0x0  }
0x12: {  	s1 =	sld [smem:$0x3F9D];
	s0 =	simm.s32 @p0 $0x1  }
0x13: {  	[smem:$0x3FB8] =	sst s0;
	s0 =	simm.s32 @!p1 $0x0  }
0x14: {  	s2 =	sld [smem:$0x3F9C];
	s0 =	simm.s32 @p1 $0x1  }
0x15: {  	[smem:$0x3FB9] =	sst s0;
	s0 =	simm.s32 @!p2 $0x0  }
0x16: {  	s3 =	sld [smem:$0x3FDB];
	s0 =	simm.s32 @p2 $0x1  }
0x17: {  	s4 =	simm.s32 $0x1BF5;
	[smem:$0x3FBB] =	sst s0  }
0x18: {  	s0 =	sld [smem:$0x3F9E];
	_ =	swait.ge [sflag:s4], $0x0  }
0x19: {  	s7 =	sld [smem:$0x3F9F]  }
0x1a: {  	s8 =	sadd.s32 $0xFFFFE003, lr  }
0x1b: {  	s9 =	sadd.s32 $0xFFFFFEF7, lr;
	s5 =	simm.s32 $0xFFFFFFFF;
	p2 =	slt.u32 s8, $0xFFFFF086  }
0x1c: {  	p1 =	slt.u32 s9, $0xF7A;
	s5 =	simm.s32 @!p2 $0x0  }
0x1d: {  	s5 =	simm.s32 @p1 $0x1;
	p0 =	seq.s32 s7, s2  }
0x1e: {  	s7 =	smul.u32 @!p0 $0xF7A, s2;
	p2 =	seq.s32 @!p0 s5, $0x0  }
0x1f: {  	s9 =	smul.u32 $0xF7A, s1;
	s8 =	simm.s32 @!p0 $0x1BF5;
	p2 =	por !p2, p0  }
0x20: {  	[sflag:s8] =	ssyncset.s32 @!p0 $0xFFFFF086;
	s6 =	sadd.s32 @!p0 s3, s7;
	s7 =	simm.s32 @!p0 $0x108  }
0x21: {  	s3 =	sadd.s32 s3, s9;
	s6 =	sadd.s32 @!p0 $0x88, s6;
	s7 =	simm.s32 @p2 $0x1082  }
0x22: {  	[simem:s7], [sflag:s8] =	dma.local @!p0 [hbm:s6], $0xF7A  }
0x23: {  	s9 =	sor.u32 $0xD0000000, s2;
	s6 =	simm.s32 $0x108;
	_ =	swait.ge @!p0 [sflag:s8], $0x0  }
0x24: {  	s3 =	sadd.s32 $0x88, s3;
	s6 =	simm.s32 @!p1 $0x1082;
	[sflag:s4] =	ssyncset.s32 $0xFFFFF086  }
0x25: {  	[simem:s6], [sflag:s4] =	dma.local [hbm:s3], $0xF7A  }
0x26: {  	[smem:$0x3F9F] =	sst s1;
	(tag) =	ssettag s2;
	_ =	strace s9  }
0x27: {  	s1 =	sld [smem:$0x3FAF]  }
0x28: {  	s2 =	sld [smem:$0x3FB0]  }
0x29: {  	s4 =	sld [smem:$0x3FB2]  }
0x2a: {  	p0 =	seq.s32 s5, $0x0;
	s5 =	sld [smem:$0x3FB3]  }
0x2b: {  	s6 =	sld [smem:$0x3FB4]  }
0x2c: {  	s7 =	sld [smem:$0x3FB5]  }
0x2d: {  	s3 =	simm.s32 $0x108;
	s8 =	sld [smem:$0x3FB6]  }
0x2e: {  	s3 =	simm.s32 @!p0 $0x1082;
	s9 =	sld [smem:$0x3FB7]  }
0x2f: {  	lr =	sadd.s32 s0, s3;
	s0 =	sld [smem:$0x3FAE]  }
0x30: {  	s3 =	sld [smem:$0x3FB1]  }
0x31: {  	[smem:$0x3FBA] =	sst s10  }
0x32: {  	s10 =	sld [smem:$0x3FB8];
	_ =	sdelay $0x3  }
0x33: {  	p0 =	seq.s32 s10, $0x1;
	s10 =	sld [smem:$0x3FBA];
	_ =	sdelay $0x3  }
0x34: {  	[smem:$0x3FBA] =	sst s10  }
0x35: {  	s10 =	sld [smem:$0x3FB9];
	_ =	sdelay $0x3  }
0x36: {  	p1 =	seq.s32 s10, $0x1;
	s10 =	sld [smem:$0x3FBA];
	_ =	sdelay $0x3  }
0x37: {  	[smem:$0x3FBA] =	sst s10  }
0x38: {  	s10 =	sld [smem:$0x3FBB]  }
0x39: {  	_ = 	snop;
	(pc) =	sbr.ind lr, $3  }
0x3a: {  	_ = 	snop  }
0x3b: {  	_ = 	snop  }
0x3c: {  	p2 =	seq.s32 s10, $0x1;
	s10 =	sld [smem:$0x3FBA]  }
0x3d: {  	_ =	shalt  }
0x3e: {  	_ =	shalt  }
0x3f: {  	_ =	shalt  }
0x40: {  	_ =	shalt  }
0x41: {  	_ =	shalt  }
0x42: {  	_ =	shalt  }
0x43: {  	_ =	shalt  }
0x44: {  	_ =	shalt  }
0x45: {  	_ =	shalt  }
0x46: {  	_ =	shalt  }
0x47: {  	_ =	shalt  }
0x48: {  	_ =	shalt  }
0x49: {  	_ =	shalt  }
0x4a: {  	_ =	shalt  }
0x4b: {  	_ =	shalt  }
0x4c: {  	_ =	shalt  }
0x4d: {  	_ =	shalt  }
0x4e: {  	_ =	shalt  }
0x4f: {  	_ =	shalt  }
0x50: {  	_ =	shalt  }
0x51: {  	_ =	shalt  }
0x52: {  	_ =	shalt  }
0x53: {  	_ =	shalt  }
0x54: {  	_ =	shalt  }
0x55: {  	_ =	shalt  }
0x56: {  	_ =	shalt  }
0x57: {  	_ =	shalt  }
0x58: {  	_ =	shalt  }
0x59: {  	_ =	shalt  }
0x5a: {  	_ =	shalt  }
0x5b: {  	_ =	shalt  }
0x5c: {  	_ =	shalt  }
0x5d: {  	_ =	shalt  }
0x5e: {  	_ =	shalt  }
0x5f: {  	_ =	shalt  }
0x60: {  	_ =	shalt  }
0x61: {  	_ =	shalt  }
0x62: {  	_ =	shalt  }
0x63: {  	_ =	shalt  }
0x64: {  	_ =	shalt  }
0x65: {  	_ =	shalt  }
0x66: {  	_ =	shalt  }
0x67: {  	_ =	shalt  }
0x68: {  	_ =	shalt  }
0x69: {  	_ =	shalt  }
0x6a: {  	_ =	shalt  }
0x6b: {  	_ =	shalt  }
0x6c: {  	_ =	shalt  }
0x6d: {  	_ =	shalt  }
0x6e: {  	_ =	shalt  }
0x6f: {  	_ =	shalt  }
0x70: {  	_ =	shalt  }
0x71: {  	_ =	shalt  }
0x72: {  	_ =	shalt  }
0x73: {  	_ =	shalt  }
0x74: {  	_ =	shalt  }
0x75: {  	_ =	shalt  }
0x76: {  	_ =	shalt  }
0x77: {  	_ =	shalt  }
0x78: {  	_ =	shalt  }
0x79: {  	_ =	shalt  }
0x7a: {  	_ =	shalt  }
0x7b: {  	_ =	shalt  }
0x7c: {  	_ =	shalt  }
0x7d: {  	_ =	shalt  }
0x7e: {  	_ =	shalt  }
0x7f: {  	_ =	shalt  }
0x80: {  	_ =	shalt  }
0x81: {  	_ =	shalt  }
0x82: {  	_ =	shalt  }
0x83: {  	_ =	shalt  }
0x84: {  	_ =	shalt  }
0x85: {  	_ =	shalt  }
0x86: {  	_ =	shalt  }
0x87: {  	_ =	shalt  }
.Lfunc_end0:
.L_simem_size_0:
called_computation_lowered:
.L_overlay_start_0:
0x88: {  	s2 =	sld [smem:$0x3FD9]  }
0x89: {  	s3 =	sld [smem:$0x3FFE];
	_ =	sdelay $0x1  }
0x8a: {  	s1 =	srdreg.scid  }
0x8b: {  	s0 =	sand.u32 $0x1, s1  }
0x8c: {  	s18 =	sshll.u32 s0, $0xA;
	s2 =	sadd.s32 s3, s2  }
0x8d: {  	s2 =	sadd.s32 s2, s18  }
0x8e: {  	[smem:$0x3FC6] =	sst s2  }
0x8f: {  	_ = 	snop  }
0x90: {  	s2 =	sld [smem:$0x3FC9]  }
0x91: {  	s19 =	sld [smem:$0x3FC8]  }
0x92: {  	s4 =	sld [smem:$0x3FD0];
	(tm) =	ssettm $0x1  }
0x93: {  	s5 =	sld [smem:$0x3FFB];
	_ =	sdelay $0x3  }
0x94: {  	_ =	strace s5  }
0x95: {  	s5 =	sld [smem:$0x3FFC];
	_ =	sdelay $0x3  }
0x96: {  	_ =	strace s5  }
0x97: {  	s5 =	sld [smem:$0x3FFD];
	_ =	sdelay $0x3  }
0x98: {  	_ =	strace s5  }
0x99: {  	_ =	strace $0x8FFFFFFF  }
0x9a: {  	s20 =	sld [smem:$0x3FDB];
	_ =	sdelay $0x1  }
0x9b: {  	s6 =	simm.s32 $_scs_section_size  }
0x9c: {  	s7 =	simm.s32 $_size__tile_overlayer_lowered;
	s8 =	simm.s32 $_tile_overlayer_lowered  }
0x9d: {  	s23 =	simm.s32 $0x1BFF;
	s22 =	sshll.u32 s8, $0x1;
	s5 =	sadd.s32 s6, s20  }
0x9e: {  	s9 =	simm.s32 $0x0;
	s21 =	sshll.u32 s7, $0x1;
	s7 =	sadd.s32 s22, s5  }
0x9f: {  	[timem:s9], [sflag:s23] =	dma.local [hbm:s7], s21  }
0xa0: {  	_ =	swait.ge [sflag:s23], s21  }
0xa1: {  	s6 =	ssub.s32 $0x0, s21;
	[sflag:s23] =	ssyncset.done $0x0  }
0xa2: {  	[sflag:s23] =	ssyncadd.s32 s6;
	_ =	sdelay $0x1  }
0xa3: {  	s24 =	simm.s32 $0x1B8B  }
0xa4: {  	_ =	swait.ge [sflag:s24], $0x1  }
0xa5: {  	[sflag:s24] =	ssyncset.done $0x0  }
0xa6: {  	s25 =	simm.s32 $0x1B8E;
	[sflag:s24] =	ssyncadd.s32 $0xFFFFFFFF  }
0xa7: {  	s26 =	simm.s32 $execute0_lowered;
	[smem:$0x3FD2] =	sst s25  }
0xa8: {  	s6 =	sshll.u32 s26, $0x1;
	_ =	strace $0x80000046;
	[dreg:$0x1] =	wrdreg $0xFFFFFFFF  }
0xa9: {  	s28 =	simm.s32 $_size_execute0_lowered;
	s5 =	sadd.s32 s5, s6;
	[dreg:$0x0] =	wrdreg $0x0  }
0xaa: {  	s6 =	sshll.u32 s28, $0x1;
	[dreg:$0x2] =	wrdreg s5  }
0xab: {  	[dreg:$0x3] =	wrdreg s6  }
0xac: {  	[dreg:$0x4] =	wrdreg $0xC0  }
0xad: {  	_ =	task [dreg:s9], $0x5FFFF  }
0xae: {  	[dreg:$0x1] =	wrdreg $0xFFFFFFFF  }
0xaf: {  	[dreg:$0x0] =	wrdreg $0x60  }
0xb0: {  	[dreg:$0x2] =	wrdreg s2  }
0xb1: {  	[dreg:$0x3] =	wrdreg s19  }
0xb2: {  	[dreg:$0x4] =	wrdreg s4  }
0xb3: {  	[dreg:$0x5] =	wrdreg $0x9  }
0xb4: {  	_ =	task.clear_ibuf [dreg:s9], $0x6FFFF;
	_ =	strace $0x90000046  }
0xb5: {  	s29 =	simm.s32 $0x9;
	_ =	strace $0x80000048  }
0xb6: {  	_ =	swait.ge [sflag:s29], $0x1  }
0xb7: {  	[sflag:s29] =	ssyncadd.s32 $0xFFFFFFFF  }
0xb8: {  	_ =	strace $0x90000048  }
0xb9: {  	_ =	sfence  }
0xba: {  	s30 =	sld [smem:$0x0];
	_ =	sdelay $0x2  }
0xbb: {  	s31 =	sshll.u32 s1, $0xD;
	s1 =	sshrl.u32 s1, $0x2  }
0xbc: {  	s3 =	sand.u32 $0x4000, s31;
	s1 =	sadd.s32 s1, s30  }
0xbd: {  	s0 =	sor.u32 s3, s0;
	s1 =	sshll.u32 s1, $0x11  }
0xbe: {  	s0 =	sor.u32 s1, s0  }
0xbf: {  	s0 =	sadd.s32 $0x8F2B, s0  }
0xc0: {  	[sflag:s0] =	ssyncadd.remote.s32 $0x1  }
0xc1: {  	_ =	sfence.sel $0xFFFF  }
0xc2: {  	[dreg:$0x0] =	wrdreg $0xFFFFFFFF;
	(pc) =	sbr.abs _section_cstart, $3  }
0xc3: {  	[dreg:$0x1] =	wrdreg $0xFFFFFFFF  }
0xc4: {  	_ =	task.clear_ibuf [dreg:s9], $0x2FFFF;
	_ =	strace $0x9FFFFFFF  }
0xc5: {  	(tm) =	ssettm $0x7FFFFFFF  }
tec
execute0_lowered:
.L_overlay_start_1:
0x0: {  	(tag) =	ssettag $0x1  }
0x1: {  	s1 =	rddreg [dreg:$0x0];
	s0 =	srdreg.scid  }
0x2: {  	s2 =	stileid.u32;
	s3 =	rddreg [dreg:$0x1]  }
0x3: {  	s4 =	rddreg [dreg:$0x2];
	s5 =	simm.s32 $0x0;
	s28 =	simm.s32 $0x4  }
0x4: {  	s29 =	simm.s32 $0x18000;
	s30 =	simm.s32 $0x5;
	s31 =	simm.s32 $0x1B000  }
0x5: {  	s9 =	simm.s32 $0x0;
	s0 =	sand.u32 $0x1, s0;
	s2 =	sshll.u32 s2, $0x1  }
0x6: {  	[smem:$0x7FF] =	sst s5;
	s2 =	sor.u32 s0, s2;
	s0 =	ssub.s32 $0x2, s0  }
0x7: {  	s14 =	sadd.s32 $0xC0000, s1;
	s6 =	smul.u32 $0x30000, s2;
	s7 =	sshrl.u32 s0, $0x1  }
0x8: {  	s15 =	sadd.s32 $0x180000, s1;
	s16 =	sadd.s32 $0x240000, s1;
	s0 =	ssub.s32 s0, s7  }
0x9: {  	_ =	strace $0x80000047;
	s8 =	sshrl.u32 s6, $0x3;
	s0 =	smax.u32 s0, $0x1  }
0xa: {  	s6 =	smul.u32 $0x600, s2;
	s24 =	sadd.s32 s3, s8;
	[dreg:$0x9] =	wrdreg s0  }
0xb: {  	s23 =	sadd.s32 s1, s8;
	s0 =	simm.s32 $0x8;
	[dreg:$0x5] =	wrdreg s24  }
0xc: {  	s8 =	simm.s32 $0x7;
	s25 =	sadd.s32 $0xC0000, s23;
	[dreg:$0x4] =	wrdreg s23  }
0xd: {  	s26 =	sadd.s32 $0x180000, s23;
	s2 =	sadd.s32 $0x240000, s23;
	[dreg:$0x6] =	wrdreg s25  }
0xe: {  	s12 =	sor.u32 $0x60, s6;
	s13 =	sor.u32 $0xC0, s6;
	[dreg:$0x7] =	wrdreg s26  }
0xf: {  	s23 =	simm.s32 $0x1;
	s24 =	simm.s32 $0x12000;
	[dreg:$0x8] =	wrdreg s2  }
0x10: {  	s25 =	simm.s32 $0x3;
	s26 =	simm.s32 $0x15000;
	s2 =	simm.s32 $0x6  }
.LBB2_1:
0x11: {  	[dreg:$0xa] =	wrdreg s9  }
0x12: {  	s7 =	rddreg [dreg:$0x5]  }
0x13: {  	[tilespmem:s5], [sflag:$0x1] =	stream.linear.gather [hbm4b:s7+s5], $0x3000, $0x38;
	[tilespmem:$0x1E000] =	vst v63  }
0x14: {  	s10 =	rddreg [dreg:$0x4];
	s11 =	simm.s32 $0x6000  }
0x15: {  	[tilespmem:s11], [sflag:$0x3] =	stream.linear.gather [hbm4b:s10+s5], $0x3000, $0x38;
	[tilespmem:$0x1E000] =	vst v63  }
0x16: {  	s17 =	rddreg [dreg:$0x6];
	s18 =	simm.s32 $0x9000  }
0x17: {  	[tilespmem:s18], [sflag:$0x4] =	stream.linear.gather [hbm4b:s17+s5], $0x3000, $0x38;
	[tilespmem:$0x1E000] =	vst v63  }
0x18: {  	s19 =	rddreg [dreg:$0x7];
	s20 =	simm.s32 $0xC000  }
0x19: {  	[tilespmem:s20], [sflag:$0x5] =	stream.linear.gather [hbm4b:s19+s5], $0x3000, $0x38;
	[tilespmem:$0x1E000] =	vst v63  }
0x1a: {  	s21 =	rddreg [dreg:$0x8];
	s22 =	simm.s32 $0xF000;
	s10 =	simm.s32 $0x0  }
0x1b: {  	[tilespmem:s22], [sflag:$0x6] =	stream.linear.gather [hbm4b:s21+s5], $0x3000, $0x38;
	[tilespmem:$0x1E000] =	vst v63  }
.LBB2_2:
0x1c: {  	s22 =	smul.u32 $0xC0, s10;
	_ =	sdelay $0x1  }
0x1d: {  	s7 =	sadd.s32 s22, s12  }
0x1e: {  	s11 =	sshll.u32 s7, $0x4  }
0x1f: {  	s17 =	simm.s32 $0x3000;
	s9 =	sadd.s32 s3, s11  }
0x20: {  	[tilespmem:s17], [sflag:$0x2] =	stream.linear.gather [hbm4b:s9+s5], $0x3000, $0x38;
	[tilespmem:$0x1E000] =	vst v63  }
0x21: {  	_ =	swait.ge [sflag:s23], $0x3000  }
0x22: {  	p0 =	seq.s32 s10, $0x0;
	[sflag:s23] =	ssyncset.done $0x0  }
0x23: {  	s9 =	simm.s32 @!p0 $0x7;
	[sflag:s23] =	ssyncadd.s32 $0xFFFFD000  }
0x24: {  	_ =	swait.ge @!p0 [sflag:s9], $0x3000  }
0x25: {  	[sflag:s9] =	ssyncset.done @!p0 $0x0  }
0x26: {  	s21 =	simm.s32 $0x0;
	s20 =	sadd.s32 s1, s11;
	[sflag:s9] =	ssyncadd.s32 @!p0 $0xFFFFD000  }
0x27: {  	[tilespmem:s24], [sflag:$0x3] =	stream.linear.gather [hbm4b:s20+s21], $0x3000, $0x38;
	[tilespmem:$0x1E000] =	vst v63  }
0x28: {  	_ =	swait.ge [sflag:s25], $0x3000  }
0x29: {  	[sflag:s25] =	ssyncset.done $0x0  }
0x2a: {  	s9 =	simm.s32 $0x0;
	[sflag:s25] =	ssyncadd.s32 $0xFFFFD000  }
0x2b: {  	v0 =	vld [tilespmem:s9+$0xF0]  }
0x2c: {  	v1 =	vld [tilespmem:s9+$0x0]  }
0x2d: {  	v2 =	vld [tilespmem:s9+$0x10]  }
0x2e: {  	v3 =	vld [tilespmem:s9+$0x20]  }
0x2f: {  	v4 =	vld [tilespmem:s9+$0x30]  }
0x30: {  	v5 =	vld [tilespmem:s9+$0x40]  }
0x31: {  	v6 =	vld [tilespmem:s9+$0x50]  }
0x32: {  	v7 =	vld [tilespmem:s9+$0x60]  }
0x33: {  	v8 =	vld [tilespmem:s9+$0x70]  }
0x34: {  	v9 =	vld [tilespmem:s9+$0x80]  }
0x35: {  	v10 =	vld [tilespmem:s9+$0x90]  }
0x36: {  	v11 =	vld [tilespmem:s9+$0xA0]  }
0x37: {  	v12 =	vld [tilespmem:s9+$0xB0]  }
0x38: {  	v13 =	vld [tilespmem:s9+$0xC0]  }
0x39: {  	v14 =	vld [tilespmem:s9+$0xD0]  }
0x3a: {  	[tilespmem:s9+$0x60F0] =	vst.add.f32.msk $0xffff, v0  }
0x3b: {  	v0 =	vld [tilespmem:s9+$0xE0]  }
0x3c: {  	[tilespmem:s9+$0x6000] =	vst.add.f32.msk $0xffff, v1  }
0x3d: {  	[tilespmem:s9+$0x6010] =	vst.add.f32.msk $0xffff, v2  }
0x3e: {  	[tilespmem:s9+$0x6020] =	vst.add.f32.msk $0xffff, v3  }
0x3f: {  	[tilespmem:s9+$0x6030] =	vst.add.f32.msk $0xffff, v4  }
0x40: {  	[tilespmem:s9+$0x6040] =	vst.add.f32.msk $0xffff, v5  }
0x41: {  	[tilespmem:s9+$0x6050] =	vst.add.f32.msk $0xffff, v6  }
0x42: {  	[tilespmem:s9+$0x6060] =	vst.add.f32.msk $0xffff, v7  }
0x43: {  	[tilespmem:s9+$0x6070] =	vst.add.f32.msk $0xffff, v8  }
0x44: {  	[tilespmem:s9+$0x6080] =	vst.add.f32.msk $0xffff, v9  }
0x45: {  	[tilespmem:s9+$0x6090] =	vst.add.f32.msk $0xffff, v10  }
0x46: {  	[tilespmem:s9+$0x60A0] =	vst.add.f32.msk $0xffff, v11  }
0x47: {  	[tilespmem:s9+$0x60B0] =	vst.add.f32.msk $0xffff, v12  }
0x48: {  	s18 =	simm.s32 $0x0;
	[tilespmem:s9+$0x60C0] =	vst.add.f32.msk $0xffff, v13  }
0x49: {  	s19 =	simm.s32 $0x400;
	s17 =	sshll.u32 s7, $0x7;
	s7 =	sadd.s32 s6, s22;
	[tilespmem:s9+$0x60D0] =	vst.add.f32.msk $0xffff, v14  }
.LBB2_3:
0x4a: {  	s18 =	sadd.s32 $0x2, s18;
	[tilespmem:s9+$0x60E0] =	vst.add.f32.msk $0xffff, v0;
	s9 =	sshra.s32 s19, $0x2  }
0x4b: {  	v0 =	vld [tilespmem:s9+$0xF0];
	p1 =	slt.u32 s18, $0x5E  }
0x4c: {  	v1 =	vld [tilespmem:s9+$0x0]  }
0x4d: {  	v2 =	vld [tilespmem:s9+$0x10]  }
0x4e: {  	v3 =	vld [tilespmem:s9+$0x20]  }
0x4f: {  	v4 =	vld [tilespmem:s9+$0x30]  }
0x50: {  	[tilespmem:s9+$0x60F0] =	vst.add.f32.msk $0xffff, v0  }
0x51: {  	v5 =	vld [tilespmem:s9+$0x40]  }
0x52: {  	v6 =	vld [tilespmem:s9+$0x50]  }
0x53: {  	v7 =	vld [tilespmem:s9+$0x60]  }
0x54: {  	v8 =	vld [tilespmem:s9+$0x70]  }
0x55: {  	v9 =	vld [tilespmem:s9+$0x80]  }
0x56: {  	v10 =	vld [tilespmem:s9+$0x90]  }
0x57: {  	v11 =	vld [tilespmem:s9+$0xA0]  }
0x58: {  	v12 =	vld [tilespmem:s9+$0xB0]  }
0x59: {  	v13 =	vld [tilespmem:s9+$0xC0]  }
0x5a: {  	v14 =	vld [tilespmem:s9+$0xD0]  }
0x5b: {  	v0 =	vld [tilespmem:s9+$0xE0]  }
0x5c: {  	[tilespmem:s9+$0x6000] =	vst.add.f32.msk $0xffff, v1  }
0x5d: {  	[tilespmem:s9+$0x6010] =	vst.add.f32.msk $0xffff, v2  }
0x5e: {  	[tilespmem:s9+$0x6020] =	vst.add.f32.msk $0xffff, v3  }
0x5f: {  	[tilespmem:s9+$0x6030] =	vst.add.f32.msk $0xffff, v4  }
0x60: {  	[tilespmem:s9+$0x6040] =	vst.add.f32.msk $0xffff, v5  }
0x61: {  	[tilespmem:s9+$0x6050] =	vst.add.f32.msk $0xffff, v6  }
0x62: {  	[tilespmem:s9+$0x6060] =	vst.add.f32.msk $0xffff, v7  }
0x63: {  	[tilespmem:s9+$0x6070] =	vst.add.f32.msk $0xffff, v8  }
0x64: {  	[tilespmem:s9+$0x6080] =	vst.add.f32.msk $0xffff, v9  }
.Ltmp0:
0x65: {  	[tilespmem:s9+$0x6090] =	vst.add.f32.msk $0xffff, v10;
	(pc) =	sbr.rel @p1 .LBB2_3-.Ltmp0, $4  }
0x66: {  	[tilespmem:s9+$0x60A0] =	vst.add.f32.msk $0xffff, v11  }
0x67: {  	[tilespmem:s9+$0x60B0] =	vst.add.f32.msk $0xffff, v12  }
0x68: {  	[tilespmem:s9+$0x60C0] =	vst.add.f32.msk $0xffff, v13  }
0x69: {  	s19 =	sadd.s32 $0x400, s19;
	[tilespmem:s9+$0x60D0] =	vst.add.f32.msk $0xffff, v14  }
0x6a: {  	s18 =	sshll.u32 s7, $0x4  }
0x6b: {  	[tilespmem:s9+$0x60E0] =	vst.add.f32.msk $0xffff, v0;
	s20 =	simm.s32 $0x6000;
	s19 =	sadd.s32 s4, s18;
	s18 =	simm.s32 @!p0 $0x8  }
0x6c: {  	[hbm4b:s19+s5] =	stream.linear.scatter [tilespmem:s20], [sflag:$0x7], $0x3000, $0x38;
	[tilespmem:$0x1E000] =	vst v63  }
0x6d: {  	s9 =	sshrl.u32 s17, $0x3;
	_ =	swait.ge @!p0 [sflag:s18], $0x3000  }
0x6e: {  	s17 =	sadd.s32 $0xC0000, s9;
	[sflag:s18] =	ssyncset.done @!p0 $0x0  }
0x6f: {  	s21 =	sadd.s32 s1, s17;
	s19 =	simm.s32 $0x0;
	[sflag:s18] =	ssyncadd.s32 @!p0 $0xFFFFD000  }
0x70: {  	[tilespmem:s26], [sflag:$0x4] =	stream.linear.gather [hbm4b:s21+s19], $0x3000, $0x38;
	[tilespmem:$0x1E000] =	vst v63  }
0x71: {  	_ =	swait.ge [sflag:s28], $0x3000  }
0x72: {  	[sflag:s28] =	ssyncset.done $0x0  }
0x73: {  	s19 =	simm.s32 $0x0;
	[sflag:s28] =	ssyncadd.s32 $0xFFFFD000  }
0x74: {  	v0 =	vld [tilespmem:s19+$0xF0]  }
0x75: {  	v1 =	vld [tilespmem:s19+$0x0]  }
0x76: {  	v2 =	vld [tilespmem:s19+$0x10]  }
0x77: {  	v3 =	vld [tilespmem:s19+$0x20]  }
0x78: {  	v4 =	vld [tilespmem:s19+$0x30]  }
0x79: {  	v5 =	vld [tilespmem:s19+$0x40]  }
0x7a: {  	v6 =	vld [tilespmem:s19+$0x50]  }
0x7b: {  	v7 =	vld [tilespmem:s19+$0x60]  }
0x7c: {  	v8 =	vld [tilespmem:s19+$0x70]  }
0x7d: {  	v9 =	vld [tilespmem:s19+$0x80]  }
0x7e: {  	v10 =	vld [tilespmem:s19+$0x90]  }
0x7f: {  	v11 =	vld [tilespmem:s19+$0xA0]  }
0x80: {  	v12 =	vld [tilespmem:s19+$0xB0]  }
0x81: {  	v13 =	vld [tilespmem:s19+$0xC0]  }
0x82: {  	v14 =	vld [tilespmem:s19+$0xD0]  }
0x83: {  	[tilespmem:s19+$0x90F0] =	vst.add.f32.msk $0xffff, v0  }
0x84: {  	v0 =	vld [tilespmem:s19+$0xE0]  }
0x85: {  	[tilespmem:s19+$0x9000] =	vst.add.f32.msk $0xffff, v1  }
0x86: {  	[tilespmem:s19+$0x9010] =	vst.add.f32.msk $0xffff, v2  }
0x87: {  	[tilespmem:s19+$0x9020] =	vst.add.f32.msk $0xffff, v3  }
0x88: {  	[tilespmem:s19+$0x9030] =	vst.add.f32.msk $0xffff, v4  }
0x89: {  	[tilespmem:s19+$0x9040] =	vst.add.f32.msk $0xffff, v5  }
0x8a: {  	[tilespmem:s19+$0x9050] =	vst.add.f32.msk $0xffff, v6  }
0x8b: {  	[tilespmem:s19+$0x9060] =	vst.add.f32.msk $0xffff, v7  }
0x8c: {  	[tilespmem:s19+$0x9070] =	vst.add.f32.msk $0xffff, v8  }
0x8d: {  	[tilespmem:s19+$0x9080] =	vst.add.f32.msk $0xffff, v9  }
0x8e: {  	[tilespmem:s19+$0x9090] =	vst.add.f32.msk $0xffff, v10  }
0x8f: {  	[tilespmem:s19+$0x90A0] =	vst.add.f32.msk $0xffff, v11  }
0x90: {  	[tilespmem:s19+$0x90B0] =	vst.add.f32.msk $0xffff, v12  }
0x91: {  	[tilespmem:s19+$0x90C0] =	vst.add.f32.msk $0xffff, v13  }
0x92: {  	s7 =	sshll.u32 s7, $0x7;
	s20 =	simm.s32 $0x400;
	s18 =	simm.s32 $0x0;
	[tilespmem:s19+$0x90D0] =	vst.add.f32.msk $0xffff, v14  }
.LBB2_5:
0x93: {  	s18 =	sadd.s32 $0x2, s18;
	[tilespmem:s19+$0x90E0] =	vst.add.f32.msk $0xffff, v0;
	s19 =	sshra.s32 s20, $0x2  }
0x94: {  	v0 =	vld [tilespmem:s19+$0xF0];
	p1 =	slt.u32 s18, $0x5E  }
0x95: {  	v1 =	vld [tilespmem:s19+$0x0]  }
0x96: {  	v2 =	vld [tilespmem:s19+$0x10]  }
0x97: {  	v3 =	vld [tilespmem:s19+$0x20]  }
0x98: {  	v4 =	vld [tilespmem:s19+$0x30]  }
0x99: {  	[tilespmem:s19+$0x90F0] =	vst.add.f32.msk $0xffff, v0  }
0x9a: {  	v5 =	vld [tilespmem:s19+$0x40]  }
0x9b: {  	v6 =	vld [tilespmem:s19+$0x50]  }
0x9c: {  	v7 =	vld [tilespmem:s19+$0x60]  }
0x9d: {  	v8 =	vld [tilespmem:s19+$0x70]  }
0x9e: {  	v9 =	vld [tilespmem:s19+$0x80]  }
0x9f: {  	v10 =	vld [tilespmem:s19+$0x90]  }
0xa0: {  	v11 =	vld [tilespmem:s19+$0xA0]  }
0xa1: {  	v12 =	vld [tilespmem:s19+$0xB0]  }
0xa2: {  	v13 =	vld [tilespmem:s19+$0xC0]  }
0xa3: {  	v14 =	vld [tilespmem:s19+$0xD0]  }
0xa4: {  	v0 =	vld [tilespmem:s19+$0xE0]  }
0xa5: {  	[tilespmem:s19+$0x9000] =	vst.add.f32.msk $0xffff, v1  }
0xa6: {  	[tilespmem:s19+$0x9010] =	vst.add.f32.msk $0xffff, v2  }
0xa7: {  	[tilespmem:s19+$0x9020] =	vst.add.f32.msk $0xffff, v3  }
0xa8: {  	[tilespmem:s19+$0x9030] =	vst.add.f32.msk $0xffff, v4  }
0xa9: {  	[tilespmem:s19+$0x9040] =	vst.add.f32.msk $0xffff, v5  }
0xaa: {  	[tilespmem:s19+$0x9050] =	vst.add.f32.msk $0xffff, v6  }
0xab: {  	[tilespmem:s19+$0x9060] =	vst.add.f32.msk $0xffff, v7  }
0xac: {  	[tilespmem:s19+$0x9070] =	vst.add.f32.msk $0xffff, v8  }
0xad: {  	[tilespmem:s19+$0x9080] =	vst.add.f32.msk $0xffff, v9  }
.Ltmp1:
0xae: {  	[tilespmem:s19+$0x9090] =	vst.add.f32.msk $0xffff, v10;
	(pc) =	sbr.rel @p1 .LBB2_5-.Ltmp1, $4  }
0xaf: {  	[tilespmem:s19+$0x90A0] =	vst.add.f32.msk $0xffff, v11  }
0xb0: {  	[tilespmem:s19+$0x90B0] =	vst.add.f32.msk $0xffff, v12  }
0xb1: {  	[tilespmem:s19+$0x90C0] =	vst.add.f32.msk $0xffff, v13  }
0xb2: {  	s20 =	sadd.s32 $0x400, s20;
	[tilespmem:s19+$0x90D0] =	vst.add.f32.msk $0xffff, v14  }
0xb3: {  	s7 =	sshrl.u32 s7, $0x3  }
0xb4: {  	s18 =	sadd.s32 s4, s7  }
0xb5: {  	[tilespmem:s19+$0x90E0] =	vst.add.f32.msk $0xffff, v0;
	s20 =	simm.s32 $0x9000;
	s19 =	simm.s32 @!p0 $0x7;
	s7 =	sadd.s32 $0xC0000, s18  }
0xb6: {  	[hbm4b:s7+s5] =	stream.linear.scatter [tilespmem:s20], [sflag:$0x8], $0x3000, $0x38;
	[tilespmem:$0x1E000] =	vst v63  }
0xb7: {  	_ =	swait.ge @!p0 [sflag:s19], $0x3000  }
0xb8: {  	s7 =	sadd.s32 $0x180000, s9;
	[sflag:s19] =	ssyncset.done @!p0 $0x0  }
0xb9: {  	s20 =	simm.s32 $0x0;
	s21 =	sadd.s32 s1, s7;
	[sflag:s19] =	ssyncadd.s32 @!p0 $0xFFFFD000  }
0xba: {  	[tilespmem:s29], [sflag:$0x5] =	stream.linear.gather [hbm4b:s21+s20], $0x3000, $0x38;
	[tilespmem:$0x1E000] =	vst v63  }
0xbb: {  	_ =	swait.ge [sflag:s30], $0x3000  }
0xbc: {  	[sflag:s30] =	ssyncset.done $0x0  }
0xbd: {  	s19 =	simm.s32 $0x0;
	[sflag:s30] =	ssyncadd.s32 $0xFFFFD000  }
0xbe: {  	v0 =	vld [tilespmem:s19+$0xF0]  }
0xbf: {  	v1 =	vld [tilespmem:s19+$0x0]  }
0xc0: {  	v2 =	vld [tilespmem:s19+$0x10]  }
0xc1: {  	v3 =	vld [tilespmem:s19+$0x20]  }
0xc2: {  	v4 =	vld [tilespmem:s19+$0x30]  }
0xc3: {  	v5 =	vld [tilespmem:s19+$0x40]  }
0xc4: {  	v6 =	vld [tilespmem:s19+$0x50]  }
0xc5: {  	v7 =	vld [tilespmem:s19+$0x60]  }
0xc6: {  	v8 =	vld [tilespmem:s19+$0x70]  }
0xc7: {  	v9 =	vld [tilespmem:s19+$0x80]  }
0xc8: {  	v10 =	vld [tilespmem:s19+$0x90]  }
0xc9: {  	v11 =	vld [tilespmem:s19+$0xA0]  }
0xca: {  	v12 =	vld [tilespmem:s19+$0xB0]  }
0xcb: {  	v13 =	vld [tilespmem:s19+$0xC0]  }
0xcc: {  	v14 =	vld [tilespmem:s19+$0xD0]  }
0xcd: {  	[tilespmem:s19+$0xC0F0] =	vst.add.f32.msk $0xffff, v0  }
0xce: {  	v0 =	vld [tilespmem:s19+$0xE0]  }
0xcf: {  	[tilespmem:s19+$0xC000] =	vst.add.f32.msk $0xffff, v1  }
0xd0: {  	[tilespmem:s19+$0xC010] =	vst.add.f32.msk $0xffff, v2  }
0xd1: {  	[tilespmem:s19+$0xC020] =	vst.add.f32.msk $0xffff, v3  }
0xd2: {  	[tilespmem:s19+$0xC030] =	vst.add.f32.msk $0xffff, v4  }
0xd3: {  	[tilespmem:s19+$0xC040] =	vst.add.f32.msk $0xffff, v5  }
0xd4: {  	[tilespmem:s19+$0xC050] =	vst.add.f32.msk $0xffff, v6  }
0xd5: {  	[tilespmem:s19+$0xC060] =	vst.add.f32.msk $0xffff, v7  }
0xd6: {  	[tilespmem:s19+$0xC070] =	vst.add.f32.msk $0xffff, v8  }
0xd7: {  	[tilespmem:s19+$0xC080] =	vst.add.f32.msk $0xffff, v9  }
0xd8: {  	[tilespmem:s19+$0xC090] =	vst.add.f32.msk $0xffff, v10  }
0xd9: {  	[tilespmem:s19+$0xC0A0] =	vst.add.f32.msk $0xffff, v11  }
0xda: {  	[tilespmem:s19+$0xC0B0] =	vst.add.f32.msk $0xffff, v12  }
0xdb: {  	[tilespmem:s19+$0xC0C0] =	vst.add.f32.msk $0xffff, v13  }
0xdc: {  	s20 =	simm.s32 $0x0;
	s21 =	simm.s32 $0x400;
	[tilespmem:s19+$0xC0D0] =	vst.add.f32.msk $0xffff, v14  }
.LBB2_7:
0xdd: {  	s20 =	sadd.s32 $0x2, s20;
	[tilespmem:s19+$0xC0E0] =	vst.add.f32.msk $0xffff, v0;
	s19 =	sshra.s32 s21, $0x2  }
0xde: {  	v0 =	vld [tilespmem:s19+$0xF0];
	p1 =	slt.u32 s20, $0x5E  }
0xdf: {  	v1 =	vld [tilespmem:s19+$0x0]  }
0xe0: {  	v2 =	vld [tilespmem:s19+$0x10]  }
0xe1: {  	v3 =	vld [tilespmem:s19+$0x20]  }
0xe2: {  	v4 =	vld [tilespmem:s19+$0x30]  }
0xe3: {  	[tilespmem:s19+$0xC0F0] =	vst.add.f32.msk $0xffff, v0  }
0xe4: {  	v5 =	vld [tilespmem:s19+$0x40]  }
0xe5: {  	v6 =	vld [tilespmem:s19+$0x50]  }
0xe6: {  	v7 =	vld [tilespmem:s19+$0x60]  }
0xe7: {  	v8 =	vld [tilespmem:s19+$0x70]  }
0xe8: {  	v9 =	vld [tilespmem:s19+$0x80]  }
0xe9: {  	v10 =	vld [tilespmem:s19+$0x90]  }
0xea: {  	v11 =	vld [tilespmem:s19+$0xA0]  }
0xeb: {  	v12 =	vld [tilespmem:s19+$0xB0]  }
0xec: {  	v13 =	vld [tilespmem:s19+$0xC0]  }
0xed: {  	v14 =	vld [tilespmem:s19+$0xD0]  }
0xee: {  	v0 =	vld [tilespmem:s19+$0xE0]  }
0xef: {  	[tilespmem:s19+$0xC000] =	vst.add.f32.msk $0xffff, v1  }
0xf0: {  	[tilespmem:s19+$0xC010] =	vst.add.f32.msk $0xffff, v2  }
0xf1: {  	[tilespmem:s19+$0xC020] =	vst.add.f32.msk $0xffff, v3  }
0xf2: {  	[tilespmem:s19+$0xC030] =	vst.add.f32.msk $0xffff, v4  }
0xf3: {  	[tilespmem:s19+$0xC040] =	vst.add.f32.msk $0xffff, v5  }
0xf4: {  	[tilespmem:s19+$0xC050] =	vst.add.f32.msk $0xffff, v6  }
0xf5: {  	[tilespmem:s19+$0xC060] =	vst.add.f32.msk $0xffff, v7  }
0xf6: {  	[tilespmem:s19+$0xC070] =	vst.add.f32.msk $0xffff, v8  }
0xf7: {  	[tilespmem:s19+$0xC080] =	vst.add.f32.msk $0xffff, v9  }
.Ltmp2:
0xf8: {  	[tilespmem:s19+$0xC090] =	vst.add.f32.msk $0xffff, v10;
	(pc) =	sbr.rel @p1 .LBB2_7-.Ltmp2, $4  }
0xf9: {  	[tilespmem:s19+$0xC0A0] =	vst.add.f32.msk $0xffff, v11  }
0xfa: {  	[tilespmem:s19+$0xC0B0] =	vst.add.f32.msk $0xffff, v12  }
0xfb: {  	[tilespmem:s19+$0xC0C0] =	vst.add.f32.msk $0xffff, v13  }
0xfc: {  	s21 =	sadd.s32 $0x400, s21;
	[tilespmem:s19+$0xC0D0] =	vst.add.f32.msk $0xffff, v14  }
0xfd: {  	[tilespmem:s19+$0xC0E0] =	vst.add.f32.msk $0xffff, v0;
	s21 =	sadd.s32 $0x180000, s18;
	s20 =	simm.s32 $0xC000;
	s19 =	simm.s32 @!p0 $0x8  }
0xfe: {  	[hbm4b:s21+s5] =	stream.linear.scatter [tilespmem:s20], [sflag:$0x7], $0x3000, $0x38;
	[tilespmem:$0x1E000] =	vst v63  }
0xff: {  	_ =	swait.ge @!p0 [sflag:s19], $0x3000  }
0x100: {  	s9 =	sadd.s32 $0x240000, s9;
	[sflag:s19] =	ssyncset.done @!p0 $0x0  }
0x101: {  	s20 =	sadd.s32 s1, s9;
	s21 =	simm.s32 $0x0;
	[sflag:s19] =	ssyncadd.s32 @!p0 $0xFFFFD000  }
0x102: {  	[tilespmem:s31], [sflag:$0x6] =	stream.linear.gather [hbm4b:s20+s21], $0x3000, $0x38;
	[tilespmem:$0x1E000] =	vst v63  }
0x103: {  	_ =	swait.ge [sflag:s2], $0x3000  }
0x104: {  	[sflag:s2] =	ssyncset.done $0x0  }
0x105: {  	s19 =	simm.s32 $0x0;
	[sflag:s2] =	ssyncadd.s32 $0xFFFFD000  }
0x106: {  	v0 =	vld [tilespmem:s19+$0xF0]  }
0x107: {  	v1 =	vld [tilespmem:s19+$0x0]  }
0x108: {  	v2 =	vld [tilespmem:s19+$0x10]  }
0x109: {  	v3 =	vld [tilespmem:s19+$0x20]  }
0x10a: {  	v4 =	vld [tilespmem:s19+$0x30]  }
0x10b: {  	v5 =	vld [tilespmem:s19+$0x40]  }
0x10c: {  	v6 =	vld [tilespmem:s19+$0x50]  }
0x10d: {  	v7 =	vld [tilespmem:s19+$0x60]  }
0x10e: {  	v8 =	vld [tilespmem:s19+$0x70]  }
0x10f: {  	v9 =	vld [tilespmem:s19+$0x80]  }
0x110: {  	v10 =	vld [tilespmem:s19+$0x90]  }
0x111: {  	v11 =	vld [tilespmem:s19+$0xA0]  }
0x112: {  	v12 =	vld [tilespmem:s19+$0xB0]  }
0x113: {  	v13 =	vld [tilespmem:s19+$0xC0]  }
0x114: {  	v14 =	vld [tilespmem:s19+$0xD0]  }
0x115: {  	[tilespmem:s19+$0xF0F0] =	vst.add.f32.msk $0xffff, v0  }
0x116: {  	v0 =	vld [tilespmem:s19+$0xE0]  }
0x117: {  	[tilespmem:s19+$0xF000] =	vst.add.f32.msk $0xffff, v1  }
0x118: {  	[tilespmem:s19+$0xF010] =	vst.add.f32.msk $0xffff, v2  }
0x119: {  	[tilespmem:s19+$0xF020] =	vst.add.f32.msk $0xffff, v3  }
0x11a: {  	[tilespmem:s19+$0xF030] =	vst.add.f32.msk $0xffff, v4  }
0x11b: {  	[tilespmem:s19+$0xF040] =	vst.add.f32.msk $0xffff, v5  }
0x11c: {  	[tilespmem:s19+$0xF050] =	vst.add.f32.msk $0xffff, v6  }
0x11d: {  	[tilespmem:s19+$0xF060] =	vst.add.f32.msk $0xffff, v7  }
0x11e: {  	[tilespmem:s19+$0xF070] =	vst.add.f32.msk $0xffff, v8  }
0x11f: {  	[tilespmem:s19+$0xF080] =	vst.add.f32.msk $0xffff, v9  }
0x120: {  	[tilespmem:s19+$0xF090] =	vst.add.f32.msk $0xffff, v10  }
0x121: {  	[tilespmem:s19+$0xF0A0] =	vst.add.f32.msk $0xffff, v11  }
0x122: {  	[tilespmem:s19+$0xF0B0] =	vst.add.f32.msk $0xffff, v12  }
0x123: {  	[tilespmem:s19+$0xF0C0] =	vst.add.f32.msk $0xffff, v13  }
0x124: {  	s20 =	simm.s32 $0x0;
	s21 =	simm.s32 $0x400;
	[tilespmem:s19+$0xF0D0] =	vst.add.f32.msk $0xffff, v14  }
.LBB2_9:
0x125: {  	s20 =	sadd.s32 $0x2, s20;
	[tilespmem:s19+$0xF0E0] =	vst.add.f32.msk $0xffff, v0;
	s19 =	sshra.s32 s21, $0x2  }
0x126: {  	v0 =	vld [tilespmem:s19+$0xF0];
	p0 =	slt.u32 s20, $0x5E  }
0x127: {  	v1 =	vld [tilespmem:s19+$0x0]  }
0x128: {  	v2 =	vld [tilespmem:s19+$0x10]  }
0x129: {  	v3 =	vld [tilespmem:s19+$0x20]  }
0x12a: {  	v4 =	vld [tilespmem:s19+$0x30]  }
0x12b: {  	[tilespmem:s19+$0xF0F0] =	vst.add.f32.msk $0xffff, v0  }
0x12c: {  	v5 =	vld [tilespmem:s19+$0x40]  }
0x12d: {  	v6 =	vld [tilespmem:s19+$0x50]  }
0x12e: {  	v7 =	vld [tilespmem:s19+$0x60]  }
0x12f: {  	v8 =	vld [tilespmem:s19+$0x70]  }
0x130: {  	v9 =	vld [tilespmem:s19+$0x80]  }
0x131: {  	v10 =	vld [tilespmem:s19+$0x90]  }
0x132: {  	v11 =	vld [tilespmem:s19+$0xA0]  }
0x133: {  	v12 =	vld [tilespmem:s19+$0xB0]  }
0x134: {  	v13 =	vld [tilespmem:s19+$0xC0]  }
0x135: {  	v14 =	vld [tilespmem:s19+$0xD0]  }
0x136: {  	v0 =	vld [tilespmem:s19+$0xE0]  }
0x137: {  	[tilespmem:s19+$0xF000] =	vst.add.f32.msk $0xffff, v1  }
0x138: {  	[tilespmem:s19+$0xF010] =	vst.add.f32.msk $0xffff, v2  }
0x139: {  	[tilespmem:s19+$0xF020] =	vst.add.f32.msk $0xffff, v3  }
0x13a: {  	[tilespmem:s19+$0xF030] =	vst.add.f32.msk $0xffff, v4  }
0x13b: {  	[tilespmem:s19+$0xF040] =	vst.add.f32.msk $0xffff, v5  }
0x13c: {  	[tilespmem:s19+$0xF050] =	vst.add.f32.msk $0xffff, v6  }
0x13d: {  	[tilespmem:s19+$0xF060] =	vst.add.f32.msk $0xffff, v7  }
0x13e: {  	[tilespmem:s19+$0xF070] =	vst.add.f32.msk $0xffff, v8  }
0x13f: {  	[tilespmem:s19+$0xF080] =	vst.add.f32.msk $0xffff, v9  }
.Ltmp3:
0x140: {  	[tilespmem:s19+$0xF090] =	vst.add.f32.msk $0xffff, v10;
	(pc) =	sbr.rel @p0 .LBB2_9-.Ltmp3, $4  }
0x141: {  	[tilespmem:s19+$0xF0A0] =	vst.add.f32.msk $0xffff, v11  }
0x142: {  	[tilespmem:s19+$0xF0B0] =	vst.add.f32.msk $0xffff, v12  }
0x143: {  	[tilespmem:s19+$0xF0C0] =	vst.add.f32.msk $0xffff, v13  }
0x144: {  	s21 =	sadd.s32 $0x400, s21;
	[tilespmem:s19+$0xF0D0] =	vst.add.f32.msk $0xffff, v14  }
0x145: {  	[tilespmem:s19+$0xF0E0] =	vst.add.f32.msk $0xffff, v0;
	s18 =	sadd.s32 $0x240000, s18;
	s21 =	simm.s32 $0xF000;
	p0 =	seq.s32 s10, $0x7  }
0x146: {  	[hbm4b:s18+s5] =	stream.linear.scatter [tilespmem:s21], [sflag:$0x8], $0x3000, $0x38;
	[tilespmem:$0x1E000] =	vst v63  }
0x147: {  	s18 =	simm.s32 @p0 $0x2  }
0x148: {  	_ =	swait.ge @p0 [sflag:s18], $0x3000  }
0x149: {  	[sflag:s18] =	ssyncset.done @p0 $0x0  }
0x14a: {  	[sflag:s18] =	ssyncadd.s32 @p0 $0xFFFFD000;
	s18 =	simm.s32 @p0 $0x7  }
0x14b: {  	s19 =	sadd.s32 @!p0 s22, s13;
	_ =	swait.ge @p0 [sflag:s18], $0x3000  }
0x14c: {  	s22 =	sshll.u32 @!p0 s19, $0x4;
	[sflag:s18] =	ssyncset.done @p0 $0x0  }
0x14d: {  	s19 =	simm.s32 @!p0 $0x0;
	[sflag:s18] =	ssyncadd.s32 @p0 $0xFFFFD000;
	s18 =	sadd.s32 @!p0 s3, s22  }
0x14e: {  	[tilespmem:s19], [sflag:$0x1] =	stream.linear.gather @!p0 [hbm4b:s18+s19], $0x3000, $0x38;
	[tilespmem:$0x1E000] =	vst v63  }
0x14f: {  	s18 =	simm.s32 @!p0 $0x2  }
0x150: {  	_ =	swait.ge @!p0 [sflag:s18], $0x3000  }
0x151: {  	[sflag:s18] =	ssyncset.done @!p0 $0x0  }
0x152: {  	[sflag:s18] =	ssyncadd.s32 @!p0 $0xFFFFD000;
	s18 =	simm.s32 @!p0 $0x7  }
0x153: {  	_ =	swait.ge @!p0 [sflag:s18], $0x3000  }
0x154: {  	[sflag:s18] =	ssyncset.done @!p0 $0x0  }
0x155: {  	s20 =	simm.s32 @!p0 $0x6000;
	[sflag:s18] =	ssyncadd.s32 @!p0 $0xFFFFD000;
	s18 =	sadd.s32 @!p0 s1, s22  }
0x156: {  	[tilespmem:s20], [sflag:$0x3] =	stream.linear.gather @!p0 [hbm4b:s18+s19], $0x3000, $0x38;
	[tilespmem:$0x1E000] =	vst v63  }
0x157: {  	_ =	swait.ge [sflag:s25], $0x3000  }
0x158: {  	[sflag:s25] =	ssyncset.done $0x0  }
0x159: {  	s18 =	simm.s32 $0x0;
	[sflag:s25] =	ssyncadd.s32 $0xFFFFD000  }
0x15a: {  	v0 =	vld [tilespmem:s18+$0x30F0]  }
0x15b: {  	v1 =	vld [tilespmem:s18+$0x3000]  }
0x15c: {  	v2 =	vld [tilespmem:s18+$0x3010]  }
0x15d: {  	v3 =	vld [tilespmem:s18+$0x3020]  }
0x15e: {  	v4 =	vld [tilespmem:s18+$0x3030]  }
0x15f: {  	v5 =	vld [tilespmem:s18+$0x3040]  }
0x160: {  	v6 =	vld [tilespmem:s18+$0x3050]  }
0x161: {  	v7 =	vld [tilespmem:s18+$0x3060]  }
0x162: {  	v8 =	vld [tilespmem:s18+$0x3070]  }
0x163: {  	v9 =	vld [tilespmem:s18+$0x3080]  }
0x164: {  	v10 =	vld [tilespmem:s18+$0x3090]  }
0x165: {  	v11 =	vld [tilespmem:s18+$0x30A0]  }
0x166: {  	v12 =	vld [tilespmem:s18+$0x30B0]  }
0x167: {  	v13 =	vld [tilespmem:s18+$0x30C0]  }
0x168: {  	v14 =	vld [tilespmem:s18+$0x30D0]  }
0x169: {  	[tilespmem:s18+$0x120F0] =	vst.add.f32.msk $0xffff, v0  }
0x16a: {  	v0 =	vld [tilespmem:s18+$0x30E0]  }
0x16b: {  	[tilespmem:s18+$0x12000] =	vst.add.f32.msk $0xffff, v1  }
0x16c: {  	[tilespmem:s18+$0x12010] =	vst.add.f32.msk $0xffff, v2  }
0x16d: {  	[tilespmem:s18+$0x12020] =	vst.add.f32.msk $0xffff, v3  }
0x16e: {  	[tilespmem:s18+$0x12030] =	vst.add.f32.msk $0xffff, v4  }
0x16f: {  	[tilespmem:s18+$0x12040] =	vst.add.f32.msk $0xffff, v5  }
0x170: {  	[tilespmem:s18+$0x12050] =	vst.add.f32.msk $0xffff, v6  }
0x171: {  	[tilespmem:s18+$0x12060] =	vst.add.f32.msk $0xffff, v7  }
0x172: {  	[tilespmem:s18+$0x12070] =	vst.add.f32.msk $0xffff, v8  }
0x173: {  	[tilespmem:s18+$0x12080] =	vst.add.f32.msk $0xffff, v9  }
0x174: {  	[tilespmem:s18+$0x12090] =	vst.add.f32.msk $0xffff, v10  }
0x175: {  	[tilespmem:s18+$0x120A0] =	vst.add.f32.msk $0xffff, v11  }
0x176: {  	[tilespmem:s18+$0x120B0] =	vst.add.f32.msk $0xffff, v12  }
0x177: {  	[tilespmem:s18+$0x120C0] =	vst.add.f32.msk $0xffff, v13  }
0x178: {  	s19 =	simm.s32 $0x0;
	s20 =	simm.s32 $0x400;
	[tilespmem:s18+$0x120D0] =	vst.add.f32.msk $0xffff, v14  }
.LBB2_11:
0x179: {  	s19 =	sadd.s32 $0x2, s19;
	[tilespmem:s18+$0x120E0] =	vst.add.f32.msk $0xffff, v0;
	s18 =	sshra.s32 s20, $0x2  }
0x17a: {  	v0 =	vld [tilespmem:s18+$0x30F0];
	p1 =	slt.u32 s19, $0x5E  }
0x17b: {  	v1 =	vld [tilespmem:s18+$0x3000]  }
0x17c: {  	v2 =	vld [tilespmem:s18+$0x3010]  }
0x17d: {  	v3 =	vld [tilespmem:s18+$0x3020]  }
0x17e: {  	v4 =	vld [tilespmem:s18+$0x3030]  }
0x17f: {  	[tilespmem:s18+$0x120F0] =	vst.add.f32.msk $0xffff, v0  }
0x180: {  	v5 =	vld [tilespmem:s18+$0x3040]  }
0x181: {  	v6 =	vld [tilespmem:s18+$0x3050]  }
0x182: {  	v7 =	vld [tilespmem:s18+$0x3060]  }
0x183: {  	v8 =	vld [tilespmem:s18+$0x3070]  }
0x184: {  	v9 =	vld [tilespmem:s18+$0x3080]  }
0x185: {  	v10 =	vld [tilespmem:s18+$0x3090]  }
0x186: {  	v11 =	vld [tilespmem:s18+$0x30A0]  }
0x187: {  	v12 =	vld [tilespmem:s18+$0x30B0]  }
0x188: {  	v13 =	vld [tilespmem:s18+$0x30C0]  }
0x189: {  	v14 =	vld [tilespmem:s18+$0x30D0]  }
0x18a: {  	v0 =	vld [tilespmem:s18+$0x30E0]  }
0x18b: {  	[tilespmem:s18+$0x12000] =	vst.add.f32.msk $0xffff, v1  }
0x18c: {  	[tilespmem:s18+$0x12010] =	vst.add.f32.msk $0xffff, v2  }
0x18d: {  	[tilespmem:s18+$0x12020] =	vst.add.f32.msk $0xffff, v3  }
0x18e: {  	[tilespmem:s18+$0x12030] =	vst.add.f32.msk $0xffff, v4  }
0x18f: {  	[tilespmem:s18+$0x12040] =	vst.add.f32.msk $0xffff, v5  }
0x190: {  	[tilespmem:s18+$0x12050] =	vst.add.f32.msk $0xffff, v6  }
0x191: {  	[tilespmem:s18+$0x12060] =	vst.add.f32.msk $0xffff, v7  }
0x192: {  	[tilespmem:s18+$0x12070] =	vst.add.f32.msk $0xffff, v8  }
0x193: {  	[tilespmem:s18+$0x12080] =	vst.add.f32.msk $0xffff, v9  }
.Ltmp4:
0x194: {  	[tilespmem:s18+$0x12090] =	vst.add.f32.msk $0xffff, v10;
	(pc) =	sbr.rel @p1 .LBB2_11-.Ltmp4, $4  }
0x195: {  	[tilespmem:s18+$0x120A0] =	vst.add.f32.msk $0xffff, v11  }
0x196: {  	[tilespmem:s18+$0x120B0] =	vst.add.f32.msk $0xffff, v12  }
0x197: {  	[tilespmem:s18+$0x120C0] =	vst.add.f32.msk $0xffff, v13  }
0x198: {  	s20 =	sadd.s32 $0x400, s20;
	[tilespmem:s18+$0x120D0] =	vst.add.f32.msk $0xffff, v14  }
0x199: {  	[tilespmem:s18+$0x120E0] =	vst.add.f32.msk $0xffff, v0;
	s11 =	sadd.s32 s4, s11  }
0x19a: {  	[hbm4b:s11+s5] =	stream.linear.scatter [tilespmem:s24], [sflag:$0x7], $0x3000, $0x38;
	[tilespmem:$0x1E000] =	vst v63  }
0x19b: {  	_ =	swait.ge [sflag:s0], $0x3000  }
0x19c: {  	s18 =	simm.s32 @!p0 $0x0;
	[sflag:s0] =	ssyncset.done $0x0  }
0x19d: {  	s19 =	simm.s32 @!p0 $0x9000;
	s11 =	sadd.s32 @!p0 s22, s14;
	[sflag:s0] =	ssyncadd.s32 $0xFFFFD000  }
0x19e: {  	[tilespmem:s19], [sflag:$0x4] =	stream.linear.gather @!p0 [hbm4b:s11+s18], $0x3000, $0x38;
	[tilespmem:$0x1E000] =	vst v63  }
0x19f: {  	_ =	swait.ge [sflag:s28], $0x3000  }
0x1a0: {  	[sflag:s28] =	ssyncset.done $0x0  }
0x1a1: {  	s11 =	simm.s32 $0x0;
	[sflag:s28] =	ssyncadd.s32 $0xFFFFD000  }
0x1a2: {  	v0 =	vld [tilespmem:s11+$0x30F0]  }
0x1a3: {  	v1 =	vld [tilespmem:s11+$0x3000]  }
0x1a4: {  	v2 =	vld [tilespmem:s11+$0x3010]  }
0x1a5: {  	v3 =	vld [tilespmem:s11+$0x3020]  }
0x1a6: {  	v4 =	vld [tilespmem:s11+$0x3030]  }
0x1a7: {  	v5 =	vld [tilespmem:s11+$0x3040]  }
0x1a8: {  	v6 =	vld [tilespmem:s11+$0x3050]  }
0x1a9: {  	v7 =	vld [tilespmem:s11+$0x3060]  }
0x1aa: {  	v8 =	vld [tilespmem:s11+$0x3070]  }
0x1ab: {  	v9 =	vld [tilespmem:s11+$0x3080]  }
0x1ac: {  	v10 =	vld [tilespmem:s11+$0x3090]  }
0x1ad: {  	v11 =	vld [tilespmem:s11+$0x30A0]  }
0x1ae: {  	v12 =	vld [tilespmem:s11+$0x30B0]  }
0x1af: {  	v13 =	vld [tilespmem:s11+$0x30C0]  }
0x1b0: {  	v14 =	vld [tilespmem:s11+$0x30D0]  }
0x1b1: {  	[tilespmem:s11+$0x150F0] =	vst.add.f32.msk $0xffff, v0  }
0x1b2: {  	v0 =	vld [tilespmem:s11+$0x30E0]  }
0x1b3: {  	[tilespmem:s11+$0x15000] =	vst.add.f32.msk $0xffff, v1  }
0x1b4: {  	[tilespmem:s11+$0x15010] =	vst.add.f32.msk $0xffff, v2  }
0x1b5: {  	[tilespmem:s11+$0x15020] =	vst.add.f32.msk $0xffff, v3  }
0x1b6: {  	[tilespmem:s11+$0x15030] =	vst.add.f32.msk $0xffff, v4  }
0x1b7: {  	[tilespmem:s11+$0x15040] =	vst.add.f32.msk $0xffff, v5  }
0x1b8: {  	[tilespmem:s11+$0x15050] =	vst.add.f32.msk $0xffff, v6  }
0x1b9: {  	[tilespmem:s11+$0x15060] =	vst.add.f32.msk $0xffff, v7  }
0x1ba: {  	[tilespmem:s11+$0x15070] =	vst.add.f32.msk $0xffff, v8  }
0x1bb: {  	[tilespmem:s11+$0x15080] =	vst.add.f32.msk $0xffff, v9  }
0x1bc: {  	[tilespmem:s11+$0x15090] =	vst.add.f32.msk $0xffff, v10  }
0x1bd: {  	[tilespmem:s11+$0x150A0] =	vst.add.f32.msk $0xffff, v11  }
0x1be: {  	[tilespmem:s11+$0x150B0] =	vst.add.f32.msk $0xffff, v12  }
0x1bf: {  	[tilespmem:s11+$0x150C0] =	vst.add.f32.msk $0xffff, v13  }
0x1c0: {  	s18 =	simm.s32 $0x0;
	s19 =	simm.s32 $0x400;
	[tilespmem:s11+$0x150D0] =	vst.add.f32.msk $0xffff, v14  }
.LBB2_13:
0x1c1: {  	s18 =	sadd.s32 $0x2, s18;
	[tilespmem:s11+$0x150E0] =	vst.add.f32.msk $0xffff, v0;
	s11 =	sshra.s32 s19, $0x2  }
0x1c2: {  	v0 =	vld [tilespmem:s11+$0x30F0];
	p1 =	slt.u32 s18, $0x5E  }
0x1c3: {  	v1 =	vld [tilespmem:s11+$0x3000]  }
0x1c4: {  	v2 =	vld [tilespmem:s11+$0x3010]  }
0x1c5: {  	v3 =	vld [tilespmem:s11+$0x3020]  }
0x1c6: {  	v4 =	vld [tilespmem:s11+$0x3030]  }
0x1c7: {  	[tilespmem:s11+$0x150F0] =	vst.add.f32.msk $0xffff, v0  }
0x1c8: {  	v5 =	vld [tilespmem:s11+$0x3040]  }
0x1c9: {  	v6 =	vld [tilespmem:s11+$0x3050]  }
0x1ca: {  	v7 =	vld [tilespmem:s11+$0x3060]  }
0x1cb: {  	v8 =	vld [tilespmem:s11+$0x3070]  }
0x1cc: {  	v9 =	vld [tilespmem:s11+$0x3080]  }
0x1cd: {  	v10 =	vld [tilespmem:s11+$0x3090]  }
0x1ce: {  	v11 =	vld [tilespmem:s11+$0x30A0]  }
0x1cf: {  	v12 =	vld [tilespmem:s11+$0x30B0]  }
0x1d0: {  	v13 =	vld [tilespmem:s11+$0x30C0]  }
0x1d1: {  	v14 =	vld [tilespmem:s11+$0x30D0]  }
0x1d2: {  	v0 =	vld [tilespmem:s11+$0x30E0]  }
0x1d3: {  	[tilespmem:s11+$0x15000] =	vst.add.f32.msk $0xffff, v1  }
0x1d4: {  	[tilespmem:s11+$0x15010] =	vst.add.f32.msk $0xffff, v2  }
0x1d5: {  	[tilespmem:s11+$0x15020] =	vst.add.f32.msk $0xffff, v3  }
0x1d6: {  	[tilespmem:s11+$0x15030] =	vst.add.f32.msk $0xffff, v4  }
0x1d7: {  	[tilespmem:s11+$0x15040] =	vst.add.f32.msk $0xffff, v5  }
0x1d8: {  	[tilespmem:s11+$0x15050] =	vst.add.f32.msk $0xffff, v6  }
0x1d9: {  	[tilespmem:s11+$0x15060] =	vst.add.f32.msk $0xffff, v7  }
0x1da: {  	[tilespmem:s11+$0x15070] =	vst.add.f32.msk $0xffff, v8  }
0x1db: {  	[tilespmem:s11+$0x15080] =	vst.add.f32.msk $0xffff, v9  }
.Ltmp5:
0x1dc: {  	[tilespmem:s11+$0x15090] =	vst.add.f32.msk $0xffff, v10;
	(pc) =	sbr.rel @p1 .LBB2_13-.Ltmp5, $4  }
0x1dd: {  	[tilespmem:s11+$0x150A0] =	vst.add.f32.msk $0xffff, v11  }
0x1de: {  	[tilespmem:s11+$0x150B0] =	vst.add.f32.msk $0xffff, v12  }
0x1df: {  	[tilespmem:s11+$0x150C0] =	vst.add.f32.msk $0xffff, v13  }
0x1e0: {  	s19 =	sadd.s32 $0x400, s19;
	[tilespmem:s11+$0x150D0] =	vst.add.f32.msk $0xffff, v14  }
0x1e1: {  	[tilespmem:s11+$0x150E0] =	vst.add.f32.msk $0xffff, v0;
	s21 =	sadd.s32 s4, s17  }
0x1e2: {  	[hbm4b:s21+s5] =	stream.linear.scatter [tilespmem:s26], [sflag:$0x8], $0x3000, $0x38;
	[tilespmem:$0x1E000] =	vst v63  }
0x1e3: {  	_ =	swait.ge [sflag:s8], $0x3000  }
0x1e4: {  	s11 =	sadd.s32 @!p0 s22, s15;
	[sflag:s8] =	ssyncset.done $0x0  }
0x1e5: {  	s17 =	simm.s32 @!p0 $0x0;
	s18 =	simm.s32 @!p0 $0xC000;
	[sflag:s8] =	ssyncadd.s32 $0xFFFFD000  }
0x1e6: {  	[tilespmem:s18], [sflag:$0x5] =	stream.linear.gather @!p0 [hbm4b:s11+s17], $0x3000, $0x38;
	[tilespmem:$0x1E000] =	vst v63  }
0x1e7: {  	_ =	swait.ge [sflag:s30], $0x3000  }
0x1e8: {  	[sflag:s30] =	ssyncset.done $0x0  }
0x1e9: {  	s11 =	simm.s32 $0x0;
	[sflag:s30] =	ssyncadd.s32 $0xFFFFD000  }
0x1ea: {  	v0 =	vld [tilespmem:s11+$0x30F0]  }
0x1eb: {  	v1 =	vld [tilespmem:s11+$0x3000]  }
0x1ec: {  	v2 =	vld [tilespmem:s11+$0x3010]  }
0x1ed: {  	v3 =	vld [tilespmem:s11+$0x3020]  }
0x1ee: {  	v4 =	vld [tilespmem:s11+$0x3030]  }
0x1ef: {  	v5 =	vld [tilespmem:s11+$0x3040]  }
0x1f0: {  	v6 =	vld [tilespmem:s11+$0x3050]  }
0x1f1: {  	v7 =	vld [tilespmem:s11+$0x3060]  }
0x1f2: {  	v8 =	vld [tilespmem:s11+$0x3070]  }
0x1f3: {  	v9 =	vld [tilespmem:s11+$0x3080]  }
0x1f4: {  	v10 =	vld [tilespmem:s11+$0x3090]  }
0x1f5: {  	v11 =	vld [tilespmem:s11+$0x30A0]  }
0x1f6: {  	v12 =	vld [tilespmem:s11+$0x30B0]  }
0x1f7: {  	v13 =	vld [tilespmem:s11+$0x30C0]  }
0x1f8: {  	v14 =	vld [tilespmem:s11+$0x30D0]  }
0x1f9: {  	[tilespmem:s11+$0x180F0] =	vst.add.f32.msk $0xffff, v0  }
0x1fa: {  	v0 =	vld [tilespmem:s11+$0x30E0]  }
0x1fb: {  	[tilespmem:s11+$0x18000] =	vst.add.f32.msk $0xffff, v1  }
0x1fc: {  	[tilespmem:s11+$0x18010] =	vst.add.f32.msk $0xffff, v2  }
0x1fd: {  	[tilespmem:s11+$0x18020] =	vst.add.f32.msk $0xffff, v3  }
0x1fe: {  	[tilespmem:s11+$0x18030] =	vst.add.f32.msk $0xffff, v4  }
0x1ff: {  	[tilespmem:s11+$0x18040] =	vst.add.f32.msk $0xffff, v5  }
0x200: {  	[tilespmem:s11+$0x18050] =	vst.add.f32.msk $0xffff, v6  }
0x201: {  	[tilespmem:s11+$0x18060] =	vst.add.f32.msk $0xffff, v7  }
0x202: {  	[tilespmem:s11+$0x18070] =	vst.add.f32.msk $0xffff, v8  }
0x203: {  	[tilespmem:s11+$0x18080] =	vst.add.f32.msk $0xffff, v9  }
0x204: {  	[tilespmem:s11+$0x18090] =	vst.add.f32.msk $0xffff, v10  }
0x205: {  	[tilespmem:s11+$0x180A0] =	vst.add.f32.msk $0xffff, v11  }
0x206: {  	[tilespmem:s11+$0x180B0] =	vst.add.f32.msk $0xffff, v12  }
0x207: {  	[tilespmem:s11+$0x180C0] =	vst.add.f32.msk $0xffff, v13  }
0x208: {  	s17 =	simm.s32 $0x0;
	s18 =	simm.s32 $0x400;
	[tilespmem:s11+$0x180D0] =	vst.add.f32.msk $0xffff, v14  }
.LBB2_15:
0x209: {  	s17 =	sadd.s32 $0x2, s17;
	[tilespmem:s11+$0x180E0] =	vst.add.f32.msk $0xffff, v0;
	s11 =	sshra.s32 s18, $0x2  }
0x20a: {  	v0 =	vld [tilespmem:s11+$0x30F0];
	p1 =	slt.u32 s17, $0x5E  }
0x20b: {  	v1 =	vld [tilespmem:s11+$0x3000]  }
0x20c: {  	v2 =	vld [tilespmem:s11+$0x3010]  }
0x20d: {  	v3 =	vld [tilespmem:s11+$0x3020]  }
0x20e: {  	v4 =	vld [tilespmem:s11+$0x3030]  }
0x20f: {  	[tilespmem:s11+$0x180F0] =	vst.add.f32.msk $0xffff, v0  }
0x210: {  	v5 =	vld [tilespmem:s11+$0x3040]  }
0x211: {  	v6 =	vld [tilespmem:s11+$0x3050]  }
0x212: {  	v7 =	vld [tilespmem:s11+$0x3060]  }
0x213: {  	v8 =	vld [tilespmem:s11+$0x3070]  }
0x214: {  	v9 =	vld [tilespmem:s11+$0x3080]  }
0x215: {  	v10 =	vld [tilespmem:s11+$0x3090]  }
0x216: {  	v11 =	vld [tilespmem:s11+$0x30A0]  }
0x217: {  	v12 =	vld [tilespmem:s11+$0x30B0]  }
0x218: {  	v13 =	vld [tilespmem:s11+$0x30C0]  }
0x219: {  	v14 =	vld [tilespmem:s11+$0x30D0]  }
0x21a: {  	v0 =	vld [tilespmem:s11+$0x30E0]  }
0x21b: {  	[tilespmem:s11+$0x18000] =	vst.add.f32.msk $0xffff, v1  }
0x21c: {  	[tilespmem:s11+$0x18010] =	vst.add.f32.msk $0xffff, v2  }
0x21d: {  	[tilespmem:s11+$0x18020] =	vst.add.f32.msk $0xffff, v3  }
0x21e: {  	[tilespmem:s11+$0x18030] =	vst.add.f32.msk $0xffff, v4  }
0x21f: {  	[tilespmem:s11+$0x18040] =	vst.add.f32.msk $0xffff, v5  }
0x220: {  	[tilespmem:s11+$0x18050] =	vst.add.f32.msk $0xffff, v6  }
0x221: {  	[tilespmem:s11+$0x18060] =	vst.add.f32.msk $0xffff, v7  }
0x222: {  	[tilespmem:s11+$0x18070] =	vst.add.f32.msk $0xffff, v8  }
0x223: {  	[tilespmem:s11+$0x18080] =	vst.add.f32.msk $0xffff, v9  }
.Ltmp6:
0x224: {  	[tilespmem:s11+$0x18090] =	vst.add.f32.msk $0xffff, v10;
	(pc) =	sbr.rel @p1 .LBB2_15-.Ltmp6, $4  }
0x225: {  	[tilespmem:s11+$0x180A0] =	vst.add.f32.msk $0xffff, v11  }
0x226: {  	[tilespmem:s11+$0x180B0] =	vst.add.f32.msk $0xffff, v12  }
0x227: {  	[tilespmem:s11+$0x180C0] =	vst.add.f32.msk $0xffff, v13  }
0x228: {  	s18 =	sadd.s32 $0x400, s18;
	[tilespmem:s11+$0x180D0] =	vst.add.f32.msk $0xffff, v14  }
0x229: {  	[tilespmem:s11+$0x180E0] =	vst.add.f32.msk $0xffff, v0;
	s7 =	sadd.s32 s4, s7  }
0x22a: {  	[hbm4b:s7+s5] =	stream.linear.scatter [tilespmem:s29], [sflag:$0x7], $0x3000, $0x38;
	[tilespmem:$0x1E000] =	vst v63  }
0x22b: {  	_ =	swait.ge [sflag:s0], $0x3000  }
0x22c: {  	s11 =	simm.s32 @!p0 $0x0;
	[sflag:s0] =	ssyncset.done $0x0  }
0x22d: {  	s17 =	simm.s32 @!p0 $0xF000;
	s7 =	sadd.s32 @!p0 s22, s16;
	[sflag:s0] =	ssyncadd.s32 $0xFFFFD000  }
0x22e: {  	[tilespmem:s17], [sflag:$0x6] =	stream.linear.gather @!p0 [hbm4b:s7+s11], $0x3000, $0x38;
	[tilespmem:$0x1E000] =	vst v63  }
0x22f: {  	_ =	swait.ge [sflag:s2], $0x3000  }
0x230: {  	[sflag:s2] =	ssyncset.done $0x0  }
0x231: {  	s7 =	simm.s32 $0x0;
	[sflag:s2] =	ssyncadd.s32 $0xFFFFD000  }
0x232: {  	v0 =	vld [tilespmem:s7+$0x30F0]  }
0x233: {  	v1 =	vld [tilespmem:s7+$0x3000]  }
0x234: {  	v2 =	vld [tilespmem:s7+$0x3010]  }
0x235: {  	v3 =	vld [tilespmem:s7+$0x3020]  }
0x236: {  	v4 =	vld [tilespmem:s7+$0x3030]  }
0x237: {  	v5 =	vld [tilespmem:s7+$0x3040]  }
0x238: {  	v6 =	vld [tilespmem:s7+$0x3050]  }
0x239: {  	v7 =	vld [tilespmem:s7+$0x3060]  }
0x23a: {  	v8 =	vld [tilespmem:s7+$0x3070]  }
0x23b: {  	v9 =	vld [tilespmem:s7+$0x3080]  }
0x23c: {  	v10 =	vld [tilespmem:s7+$0x3090]  }
0x23d: {  	v11 =	vld [tilespmem:s7+$0x30A0]  }
0x23e: {  	v12 =	vld [tilespmem:s7+$0x30B0]  }
0x23f: {  	v13 =	vld [tilespmem:s7+$0x30C0]  }
0x240: {  	v14 =	vld [tilespmem:s7+$0x30D0]  }
0x241: {  	[tilespmem:s7+$0x1B0F0] =	vst.add.f32.msk $0xffff, v0  }
0x242: {  	v0 =	vld [tilespmem:s7+$0x30E0]  }
0x243: {  	[tilespmem:s7+$0x1B000] =	vst.add.f32.msk $0xffff, v1  }
0x244: {  	[tilespmem:s7+$0x1B010] =	vst.add.f32.msk $0xffff, v2  }
0x245: {  	[tilespmem:s7+$0x1B020] =	vst.add.f32.msk $0xffff, v3  }
0x246: {  	[tilespmem:s7+$0x1B030] =	vst.add.f32.msk $0xffff, v4  }
0x247: {  	[tilespmem:s7+$0x1B040] =	vst.add.f32.msk $0xffff, v5  }
0x248: {  	[tilespmem:s7+$0x1B050] =	vst.add.f32.msk $0xffff, v6  }
0x249: {  	[tilespmem:s7+$0x1B060] =	vst.add.f32.msk $0xffff, v7  }
0x24a: {  	[tilespmem:s7+$0x1B070] =	vst.add.f32.msk $0xffff, v8  }
0x24b: {  	[tilespmem:s7+$0x1B080] =	vst.add.f32.msk $0xffff, v9  }
0x24c: {  	[tilespmem:s7+$0x1B090] =	vst.add.f32.msk $0xffff, v10  }
0x24d: {  	[tilespmem:s7+$0x1B0A0] =	vst.add.f32.msk $0xffff, v11  }
0x24e: {  	[tilespmem:s7+$0x1B0B0] =	vst.add.f32.msk $0xffff, v12  }
0x24f: {  	[tilespmem:s7+$0x1B0C0] =	vst.add.f32.msk $0xffff, v13  }
0x250: {  	s11 =	simm.s32 $0x0;
	s17 =	simm.s32 $0x400;
	[tilespmem:s7+$0x1B0D0] =	vst.add.f32.msk $0xffff, v14  }
.LBB2_17:
0x251: {  	s11 =	sadd.s32 $0x2, s11;
	[tilespmem:s7+$0x1B0E0] =	vst.add.f32.msk $0xffff, v0;
	s7 =	sshra.s32 s17, $0x2  }
0x252: {  	v0 =	vld [tilespmem:s7+$0x30F0];
	p0 =	slt.u32 s11, $0x5E  }
0x253: {  	v1 =	vld [tilespmem:s7+$0x3000]  }
0x254: {  	v2 =	vld [tilespmem:s7+$0x3010]  }
0x255: {  	v3 =	vld [tilespmem:s7+$0x3020]  }
0x256: {  	v4 =	vld [tilespmem:s7+$0x3030]  }
0x257: {  	[tilespmem:s7+$0x1B0F0] =	vst.add.f32.msk $0xffff, v0  }
0x258: {  	v5 =	vld [tilespmem:s7+$0x3040]  }
0x259: {  	v6 =	vld [tilespmem:s7+$0x3050]  }
0x25a: {  	v7 =	vld [tilespmem:s7+$0x3060]  }
0x25b: {  	v8 =	vld [tilespmem:s7+$0x3070]  }
0x25c: {  	v9 =	vld [tilespmem:s7+$0x3080]  }
0x25d: {  	v10 =	vld [tilespmem:s7+$0x3090]  }
0x25e: {  	v11 =	vld [tilespmem:s7+$0x30A0]  }
0x25f: {  	v12 =	vld [tilespmem:s7+$0x30B0]  }
0x260: {  	v13 =	vld [tilespmem:s7+$0x30C0]  }
0x261: {  	v14 =	vld [tilespmem:s7+$0x30D0]  }
0x262: {  	v0 =	vld [tilespmem:s7+$0x30E0]  }
0x263: {  	[tilespmem:s7+$0x1B000] =	vst.add.f32.msk $0xffff, v1  }
0x264: {  	[tilespmem:s7+$0x1B010] =	vst.add.f32.msk $0xffff, v2  }
0x265: {  	[tilespmem:s7+$0x1B020] =	vst.add.f32.msk $0xffff, v3  }
0x266: {  	[tilespmem:s7+$0x1B030] =	vst.add.f32.msk $0xffff, v4  }
0x267: {  	[tilespmem:s7+$0x1B040] =	vst.add.f32.msk $0xffff, v5  }
0x268: {  	[tilespmem:s7+$0x1B050] =	vst.add.f32.msk $0xffff, v6  }
0x269: {  	[tilespmem:s7+$0x1B060] =	vst.add.f32.msk $0xffff, v7  }
0x26a: {  	[tilespmem:s7+$0x1B070] =	vst.add.f32.msk $0xffff, v8  }
0x26b: {  	[tilespmem:s7+$0x1B080] =	vst.add.f32.msk $0xffff, v9  }
.Ltmp7:
0x26c: {  	[tilespmem:s7+$0x1B090] =	vst.add.f32.msk $0xffff, v10;
	(pc) =	sbr.rel @p0 .LBB2_17-.Ltmp7, $4  }
0x26d: {  	[tilespmem:s7+$0x1B0A0] =	vst.add.f32.msk $0xffff, v11  }
0x26e: {  	[tilespmem:s7+$0x1B0B0] =	vst.add.f32.msk $0xffff, v12  }
0x26f: {  	[tilespmem:s7+$0x1B0C0] =	vst.add.f32.msk $0xffff, v13  }
0x270: {  	s17 =	sadd.s32 $0x400, s17;
	[tilespmem:s7+$0x1B0D0] =	vst.add.f32.msk $0xffff, v14  }
0x271: {  	s10 =	sadd.s32 $0x1, s10  }
0x272: {  	p0 =	sne.s32 s10, $0x8  }
.Ltmp8:
0x273: {  	_ = 	snop;
	(pc) =	sbr.rel @p0 .LBB2_2-.Ltmp8, $3  }
0x274: {  	_ =	sdelay $0x1  }
0x275: {  	[tilespmem:s7+$0x1B0E0] =	vst.add.f32.msk $0xffff, v0;
	s22 =	sadd.s32 s4, s9  }
0x276: {  	[hbm4b:s22+s5] =	stream.linear.scatter [tilespmem:s31], [sflag:$0x8], $0x3000, $0x38;
	[tilespmem:$0x1E000] =	vst v63  }
0x277: {  	_ =	swait.ge [sflag:s8], $0x3000  }
0x278: {  	[sflag:s8] =	ssyncset.done $0x0  }
0x279: {  	[sflag:s8] =	ssyncadd.s32 $0xFFFFD000  }
0x27a: {  	_ =	swait.ge [sflag:s0], $0x3000  }
0x27b: {  	[sflag:s0] =	ssyncset.done $0x0  }
0x27c: {  	[sflag:s0] =	ssyncadd.s32 $0xFFFFD000  }
0x27d: {  	_ =	swait.ge [sflag:s8], $0x3000  }
0x27e: {  	[sflag:s8] =	ssyncset.done $0x0  }
0x27f: {  	[sflag:s8] =	ssyncadd.s32 $0xFFFFD000  }
0x280: {  	_ =	swait.ge [sflag:s0], $0x3000  }
0x281: {  	s9 =	rddreg [dreg:$0xa]  }
0x282: {  	s7 =	rddreg [dreg:$0x9];
	s9 =	sadd.s32 $0x1, s9  }
0x283: {  	p0 =	sne.s32 s9, s7  }
.Ltmp9:
0x284: {  	_ = 	snop;
	(pc) =	sbr.rel @p0 .LBB2_1-.Ltmp9, $3  }
0x285: {  	_ =	sdelay $0x1  }
0x286: {  	[sflag:s0] =	ssyncset.done $0x0  }
0x287: {  	[sflag:s0] =	ssyncadd.s32 $0xFFFFD000  }
0x288: {  	_ =	sfence.sel $0x180000  }
0x289: {  	[bflag:$0x0] =	sbarrier.arrive $0xFFFF  }
0x28a: {  	_ =	strace $0x90000047  }
0x28b: {  	s0 =	stileid.u32;
	[bflag:$0x2] =	sbarrier.arrive $0xFFFF  }
0x28c: {  	p0 =	sne.s32 s0, $0x0;
	s0 =	rddreg [dreg:$0x3]  }
0x28d: {  	s0 =	sadd.s32 @!p0 $0x100000, s0  }
0x28e: {  	[sflag:s0] =	ssyncadd.tile.s32 @!p0 $0x1;
	_ =	shalt  }
.Lfunc_end2:
_tile_overlayer_lowered:
.L_overlay_start_2:
0x28f: {  	(tag) =	ssettag $0x2  }
0x290: {  	s0 =	rddreg [dreg:$0x0];
	s2 =	stileid.u32  }
0x291: {  	s1 =	rddreg [dreg:$0x1];
	p0 =	sne.s32 s2, $0x0  }
0x292: {  	s3 =	rddreg [dreg:$0x2];
	[bflag:$0x3] =	sbarrier.arrive $0xFFFF;
	s2 =	simm.s32 @!p0 $0x1C09  }
0x293: {  	[timem:s3], [sflag:s2] =	dma.local @!p0 [hbm:s0], s1  }
0x294: {  	s0 =	simm.s32 @!p0 $0x9  }
0x295: {  	_ =	swait.ge @!p0 [sflag:s0], s1  }
0x296: {  	s1 =	ssub.s32 @!p0 $0x0, s1;
	[sflag:s0] =	ssyncset.done @!p0 $0x0  }
0x297: {  	[sflag:s0] =	ssyncadd.s32 @!p0 s1  }
0x298: {  	[bflag:$0x3] =	sbarrier.arrive $0xFFFF  }
0x299: {  	_ =	shalt  }

</sc_bundles>
